<compile_context>
chip_gen: v7x
topology: tpu7x:2x2x1
jax: 0.10.2.dev20260603
libtpu: 0.0.44.dev20260713+nightly
codegen_flags: <defaults>
</compile_context>

<pallas_src>
import functools

import jax
import jax.numpy as jnp
from jax import lax
from jax.experimental import pallas as pl
from jax.experimental.pallas import tpu as pltpu
from jax.experimental.pallas import tpu_sc as plsc

N = 10000
M = 32
F = 128
EDGE = 16
NE = N * M
B = 200
BM = B * M


def _sc_gather(table, idx, ne, e0):
    info = plsc.get_sparse_core_info()
    nc, ns = info.num_cores, info.num_subcores
    nw = nc * ns
    pw = ne // nw
    ch = 80
    nch = pw // ch

    mesh = plsc.VectorSubcoreMesh(core_axis_name="c", subcore_axis_name="s")

    @functools.partial(
        pl.kernel,
        out_type=jax.ShapeDtypeStruct((ne, F), jnp.float32),
        mesh=mesh,
        scratch_types=[
            pltpu.VMEM((ch,), jnp.int32),
            pltpu.VMEM((ch, F), jnp.float32),
            pltpu.SemaphoreType.DMA,
        ],
        compiler_params=pltpu.CompilerParams(use_tc_tiling_on_sc=True),
    )
    def gather_k(table_hbm, idx_hbm, out_hbm, idx_v, rows_v, sem):
        wid = lax.axis_index("s") * nc + lax.axis_index("c")
        base = wid * pw

        def body(c, carry):
            off = base + c * ch
            pltpu.sync_copy(idx_hbm.at[pl.ds(e0 + off, ch)], idx_v)
            pltpu.async_copy(table_hbm.at[idx_v], rows_v, sem).wait()
            pltpu.sync_copy(rows_v, out_hbm.at[pl.ds(off, ch)])
            return carry

        lax.fori_loop(0, nch, body, 0)

    return gather_k(table, idx)


def _softplus(x):
    return jnp.maximum(x, 0.0) + jnp.log(1.0 + jnp.exp(-jnp.abs(x)))


def _sigmoid(x):
    return jax.nn.sigmoid(x)


def _dot(a, b):
    return lax.dot_general(a, b, (((1,), (0,)), ((), ())),
                           preferred_element_type=jnp.float32)


def _bc(x):
    return jnp.broadcast_to(x[:, None, :], (B, M, F)).reshape(BM, F)


def _bc2(x):
    return jnp.broadcast_to(x[:, None, :], (B, M, 2 * F)).reshape(BM, 2 * F)


def _tc_body(g_ref, nbr_ref, e_ref, o_ref,
             w_ec, w_n2, w_i2, bias2,
             w_gm, bias_gm,
             woej, boej, woei, boei, om1a, om1b,
             wog, bog,
             eout_ref, oout_ref):
    e_i = e_ref[...]
    o_i = o_ref[...]
    u = lax.bitcast_convert_type(g_ref[...], jnp.uint32)
    ej = lax.bitcast_convert_type(u << 16, jnp.float32)
    oj = lax.bitcast_convert_type(u & jnp.uint32(0xFFFF0000), jnp.float32)
    nbr = nbr_ref[...].reshape(BM, EDGE)

    cross = _bc(o_i) * oj
    ec = jnp.concatenate([ej, cross], axis=1)

    pre = (_dot(ec, w_ec[...]) + _dot(nbr, w_n2[...])
           + _bc2(_dot(e_i, w_i2[...])) + bias2[...])
    s = _softplus(pre)
    h = s[:, :F]
    hg = s[:, F:]

    gm = _dot(h, w_gm[...]) + bias_gm[...]
    gate = _sigmoid(gm[:, :F])
    msg = _softplus(gm[:, F:])
    even_agg = jnp.sum((gate * msg).reshape(B, M, F), axis=1)

    odd_ie = _bc(o_i) * (_dot(ej, woej[...]) + boej[...])
    odd_ei = _bc(_dot(e_i, woei[...]) + boei[...]) * oj
    odd_val = jnp.tanh(_dot(odd_ie, om1a[...]) + _dot(odd_ei, om1b[...]))

    ogate = _sigmoid(_dot(hg, wog[...]) + bog[...])
    odd_agg = jnp.sum((ogate * odd_val).reshape(B, M, F), axis=1)

    eout_ref[...] = e_i + even_agg
    oout_ref[...] = o_i + odd_agg


def _full(shape):
    return pl.BlockSpec(shape, lambda i: (0, 0))


def _tc_compute(gathered, nbr3, even_node, odd_node, weights, b0, nb):
    in_specs = [
        pl.BlockSpec((BM, F), lambda i: (i, 0)),
        pl.BlockSpec((B, M, EDGE), lambda i: (i + b0, 0, 0)),
        pl.BlockSpec((B, F), lambda i: (i + b0, 0)),
        pl.BlockSpec((B, F), lambda i: (i + b0, 0)),
    ] + [_full(w.shape) for w in weights]
    out = pl.pallas_call(
        _tc_body,
        grid=(nb,),
        in_specs=in_specs,
        out_specs=[pl.BlockSpec((B, F), lambda i: (i, 0))] * 2,
        out_shape=[jax.ShapeDtypeStruct((nb * B, F), jnp.float32)] * 2,
    )(gathered, nbr3, even_node, odd_node, *weights)
    return tuple(out)


def kernel(even_node, odd_node, nbr_fea, nbr_fea_idx,
           W_em1, b_em1, W_eg, b_eg, W_em2, b_em2,
           W_oej, b_oej, W_oei, b_oei, W_om1,
           W_ogh, b_ogh, W_og, b_og):
    ev = lax.bitcast_convert_type(even_node.astype(jnp.bfloat16), jnp.uint16).astype(jnp.uint32)
    od = lax.bitcast_convert_type(odd_node.astype(jnp.bfloat16), jnp.uint16).astype(jnp.uint32)
    table = lax.bitcast_convert_type((od << 16) | ev, jnp.float32)
    idx = nbr_fea_idx.reshape(-1).astype(jnp.int32)

    r = lambda b: b.reshape(1, F)
    cat = lambda a, b2: jnp.concatenate([a, b2], axis=1)
    w_ec = jnp.concatenate(
        [cat(W_em1[F:2 * F], W_ogh[F:2 * F]),
         cat(W_em1[2 * F + EDGE:], W_ogh[2 * F + EDGE:])], axis=0)
    w_n2 = cat(W_em1[2 * F:2 * F + EDGE], W_ogh[2 * F:2 * F + EDGE])
    w_i2 = cat(W_em1[:F], W_ogh[:F])
    bias2 = cat(r(b_em1), r(b_ogh))
    w_gm = cat(W_eg, W_em2)
    bias_gm = cat(r(b_eg), r(b_em2))
    weights = (
        w_ec, w_n2, w_i2, bias2, w_gm, bias_gm,
        W_oej, r(b_oej), W_oei, r(b_oei), W_om1[:F], W_om1[F:],
        W_og, r(b_og),
    )

    slices = (800, 1600, 2400, 2400, 2800)
    evens, odds = [], []
    n0 = 0
    for ns_ in slices:
        g_k = _sc_gather(table, idx, ns_ * M, n0 * M)
        e_k, o_k = _tc_compute(g_k, nbr_fea, even_node, odd_node, weights,
                               n0 // B, ns_ // B)
        evens.append(e_k)
        odds.append(o_k)
        n0 += ns_
    return jnp.concatenate(evens, axis=0), jnp.concatenate(odds, axis=0)

# --- scband reference (transcript-rebuilt; emitter-appended) ---
"""Pipeline reference for scband-even-odd-conv-layer-28149215658674 (READ-ONLY COPY).

The authoritative reference and input builder live on the scoring server;
editing this copy changes nothing except your own understanding.
"""

import jax, jax.numpy as jnp
import numpy as np

N = 10000
M = 32
EVEN = 128
ODD = 128
EDGE = 16


def setup_inputs(seed: int = 0) -> dict:
    key = jax.random.key(seed)
    ks = jax.random.split(key, 24)
    d_in = EVEN + EVEN + EDGE + ODD  # 400

    def dense(k, fan_in, fan_out):
        return jax.random.normal(k, (fan_in, fan_out), dtype=jnp.float32) * (1.0 / np.sqrt(fan_in))

    inp = {
        "even_node": jax.random.normal(ks[0], (N, EVEN), dtype=jnp.float32),
        "odd_node": jax.random.normal(ks[1], (N, ODD), dtype=jnp.float32),
        "nbr_fea": jax.random.normal(ks[2], (N, M, EDGE), dtype=jnp.float32),
        "nbr_fea_idx": jax.random.randint(ks[3], (N, M), 0, N, dtype=jnp.int64),
        "W_em1": dense(ks[4], d_in, EVEN),
        "b_em1": jnp.zeros((EVEN,), dtype=jnp.float32),
        "W_eg": dense(ks[5], EVEN, EVEN),
        "b_eg": jnp.zeros((EVEN,), dtype=jnp.float32),
        "W_em2": dense(ks[6], EVEN, EVEN),
        "b_em2": jnp.zeros((EVEN,), dtype=jnp.float32),
        "W_oej": dense(ks[7], EVEN, ODD),
        "b_oej": jnp.zeros((ODD,), dtype=jnp.float32),
        "W_oei": dense(ks[8], EVEN, ODD),
        "b_oei": jnp.zeros((ODD,), dtype=jnp.float32),
        "W_om1": dense(ks[9], 2 * ODD, ODD),
        "W_ogh": dense(ks[10], d_in, ODD),
        "b_ogh": jnp.zeros((ODD,), dtype=jnp.float32),
        "W_og": dense(ks[11], ODD, ODD),
        "b_og": jnp.zeros((ODD,), dtype=jnp.float32),
    }
    return inp


def reference(even_node, odd_node, nbr_fea, nbr_fea_idx,
              W_em1, b_em1, W_eg, b_eg, W_em2, b_em2,
              W_oej, b_oej, W_oei, b_oei, W_om1,
              W_ogh, b_ogh, W_og, b_og):
    sp = jax.nn.softplus
    sg = jax.nn.sigmoid
    n, m = nbr_fea_idx.shape

    even_i = jnp.tile(even_node[:, None, :], (1, m, 1))
    even_j = jnp.take(even_node, nbr_fea_idx, axis=0)
    odd_i = jnp.tile(odd_node[:, None, :], (1, m, 1))
    odd_j = jnp.take(odd_node, nbr_fea_idx, axis=0)
    odd_cross = odd_i * odd_j

    even_input = jnp.concatenate([even_i, even_j, nbr_fea, odd_cross], axis=-1)
    even_h = sp(even_input @ W_em1 + b_em1)
    even_gate = sg(even_h @ W_eg + b_eg)
    even_msg = sp(even_h @ W_em2 + b_em2)
    even_agg = jnp.sum(even_gate * even_msg, axis=1)

    odd_ie = odd_i * (even_j @ W_oej + b_oej)
    odd_ei = (even_i @ W_oei + b_oei) * odd_j
    odd_linear = jnp.concatenate([odd_ie, odd_ei], axis=-1) @ W_om1
    odd_value = jnp.tanh(odd_linear)

    even_gate_in = jnp.concatenate([even_i, even_j, nbr_fea, odd_cross], axis=-1)
    odd_gate = sg(sp(even_gate_in @ W_ogh + b_ogh) @ W_og + b_og)
    odd_agg = jnp.sum(odd_gate * odd_value, axis=1)

    return (even_node + even_agg, odd_node + odd_agg)

if __name__ == "__main__":
    import jax
    _d = setup_inputs()
    print(jax.jit(kernel)(*tuple(_d.values())))

</pallas_src>

<mosaic_0001>
#map = affine_map<(d0, d1) -> (0, 0)>
#map1 = affine_map<(d0, d1) -> (0)>
module attributes {stable_mosaic.version = 14 : i64} {
  func.func @gather_k(%arg0: i32, %arg1: i32, %arg2: memref<10000x128xf32, #tpu.memory_space<hbm>>, %arg3: memref<320000xi32, #tpu.memory_space<hbm>>, %arg4: memref<76800x128xf32, #tpu.memory_space<hbm>>, %arg5: memref<80xi32, #tpu.memory_space<vmem>>, %arg6: memref<80x128xf32, #tpu.memory_space<vmem>>, %arg7: memref<!tpu.dma_semaphore, #tpu.memory_space<semaphore_mem>>) attributes {dimension_semantics = [#tpu.dimension_semantics<core_parallel>, #tpu.dimension_semantics<subcore_parallel>], iteration_bounds = array<i64: 2, 16>, scalar_prefetch = 0 : i64, scratch_operands = 3 : i64, tpu.core_type = #tpu.core_type<sc_vector_subcore>, window_params = [{transform_indices = #map}, {transform_indices = #map1}, {transform_indices = #map}]} {
    %mul3A = arith.constant 2 : i32
    %mul3A_0 = arith.muli %arg1, %mul3A : i32
    %add3A = arith.addi %mul3A_0, %arg0 : i32
    %mul3A_1 = arith.constant 2400 : i32
    %mul3A_2 = arith.muli %add3A, %mul3A_1 : i32
    %scan3A = arith.constant 0 : i32
    %scan3A_3 = arith.constant 0 : i32
    %scan3A_4 = arith.constant 30 : i32
    %scan3A_5 = arith.addi %scan3A_3, %scan3A_4 : i32
    %scan3A_6 = arith.constant 1 : i32
    scf.for %scan3A_8 = %scan3A_3 to %scan3A_5 step %scan3A_6  : i32 {
      %mul3A_9 = arith.constant 80 : i32
      %mul3A_10 = arith.muli %scan3A_8, %mul3A_9 : i32
      %add3A_11 = arith.addi %mul3A_2, %mul3A_10 : i32
      %add3A_12 = arith.constant 76800 : i32
      %add3A_13 = arith.addi %add3A_12, %add3A_11 : i32
      "tpu.region"() ({
        %run_scoped3A = tpu.sem_alloc : memref<!tpu.dma_semaphore, #tpu.memory_space<semaphore_mem>>
        %dma_start3A_18 = tpu.memref_slice %arg3[%add3A_13] : memref<320000xi32, #tpu.memory_space<hbm>> -> memref<80xi32, #tpu.memory_space<hbm>>
        %dma_start3A_19 = tpu.memref_slice %arg3[%add3A_13] : memref<320000xi32, #tpu.memory_space<hbm>> -> memref<80xi32, #tpu.memory_space<hbm>>
        tpu.enqueue_dma source(%dma_start3A_19 : memref<80xi32, #tpu.memory_space<hbm>>) target(%arg5 : memref<80xi32, #tpu.memory_space<vmem>>) target_semaphore(%run_scoped3A : memref<!tpu.dma_semaphore, #tpu.memory_space<semaphore_mem>>)
        %dma_wait3A_20 = tpu.memref_slice %arg3[%add3A_13] : memref<320000xi32, #tpu.memory_space<hbm>> -> memref<80xi32, #tpu.memory_space<hbm>>
        %dma_wait3A_21 = tpu.memref_slice %arg3[%add3A_13] : memref<320000xi32, #tpu.memory_space<hbm>> -> memref<80xi32, #tpu.memory_space<hbm>>
        tpu.wait_dma2 semaphore(%run_scoped3A : memref<!tpu.dma_semaphore, #tpu.memory_space<semaphore_mem>>) src(%dma_wait3A_21 : memref<80xi32, #tpu.memory_space<hbm>>) dst(%arg5 : memref<80xi32, #tpu.memory_space<vmem>>)
        tpu.yield
      }) : () -> ()
      %dma_start3A = arith.constant 0 : i32
      %dma_start3A_14 = arith.constant 0 : i32
      %dma_start3A_15 = tpu.memref_slice %arg2[%dma_start3A, %dma_start3A_14] : memref<10000x128xf32, #tpu.memory_space<hbm>> -> memref<10000x128xf32, #tpu.memory_space<hbm>>
      tpu.enqueue_indirect_dma source(%dma_start3A_15 : memref<10000x128xf32, #tpu.memory_space<hbm>>) target(%arg6 : memref<80x128xf32, #tpu.memory_space<vmem>>) offsets(%arg5 : memref<80xi32, #tpu.memory_space<vmem>>) semaphore(%arg7 : memref<!tpu.dma_semaphore, #tpu.memory_space<semaphore_mem>>)
      %dma_wait3A = arith.constant 0 : i32
      %dma_wait3A_16 = arith.constant 0 : i32
      %dma_wait3A_17 = tpu.memref_slice %arg2[%dma_wait3A, %dma_wait3A_16] : memref<10000x128xf32, #tpu.memory_space<hbm>> -> memref<10000x128xf32, #tpu.memory_space<hbm>>
      tpu.wait_indirect_dma semaphore(%arg7 : memref<!tpu.dma_semaphore, #tpu.memory_space<semaphore_mem>>) src(%dma_wait3A_17 : memref<10000x128xf32, #tpu.memory_space<hbm>>) dst(%arg6 : memref<80x128xf32, #tpu.memory_space<vmem>>)
      "tpu.region"() ({
        %run_scoped3A = tpu.sem_alloc : memref<!tpu.dma_semaphore, #tpu.memory_space<semaphore_mem>>
        %dma_start3A_18 = arith.constant 0 : i32
        %dma_start3A_19 = tpu.memref_slice %arg4[%add3A_11, %dma_start3A_18] : memref<76800x128xf32, #tpu.memory_space<hbm>> -> memref<80x128xf32, #tpu.memory_space<hbm>>
        %dma_start3A_20 = arith.constant 0 : i32
        %dma_start3A_21 = tpu.memref_slice %arg4[%add3A_11, %dma_start3A_20] : memref<76800x128xf32, #tpu.memory_space<hbm>> -> memref<80x128xf32, #tpu.memory_space<hbm>>
        tpu.enqueue_dma source(%arg6 : memref<80x128xf32, #tpu.memory_space<vmem>>) target(%dma_start3A_21 : memref<80x128xf32, #tpu.memory_space<hbm>>) target_semaphore(%run_scoped3A : memref<!tpu.dma_semaphore, #tpu.memory_space<semaphore_mem>>)
        %dma_wait3A_22 = arith.constant 0 : i32
        %dma_wait3A_23 = tpu.memref_slice %arg4[%add3A_11, %dma_wait3A_22] : memref<76800x128xf32, #tpu.memory_space<hbm>> -> memref<80x128xf32, #tpu.memory_space<hbm>>
        %dma_wait3A_24 = arith.constant 0 : i32
        %dma_wait3A_25 = tpu.memref_slice %arg4[%add3A_11, %dma_wait3A_24] : memref<76800x128xf32, #tpu.memory_space<hbm>> -> memref<80x128xf32, #tpu.memory_space<hbm>>
        tpu.wait_dma2 semaphore(%run_scoped3A : memref<!tpu.dma_semaphore, #tpu.memory_space<semaphore_mem>>) src(%arg6 : memref<80x128xf32, #tpu.memory_space<vmem>>) dst(%dma_wait3A_25 : memref<80x128xf32, #tpu.memory_space<hbm>>)
        tpu.yield
      }) : () -> ()
    }
    %scan3A_7 = arith.constant 30 : i32
    return
  }
}

#map = affine_map<(d0, d1) -> (0, 0)>
#map1 = affine_map<(d0, d1) -> (0)>
module attributes {stable_mosaic.version = 14 : i64} {
  func.func @gather_k(%arg0: i32, %arg1: i32, %arg2: memref<10000x128xf32, #tpu.memory_space<hbm>>, %arg3: memref<320000xi32, #tpu.memory_space<hbm>>, %arg4: memref<76800x128xf32, #tpu.memory_space<hbm>>, %arg5: memref<80xi32, #tpu.memory_space<vmem>>, %arg6: memref<80x128xf32, #tpu.memory_space<vmem>>, %arg7: memref<!tpu.dma_semaphore, #tpu.memory_space<semaphore_mem>>) attributes {dimension_semantics = [#tpu.dimension_semantics<core_parallel>, #tpu.dimension_semantics<subcore_parallel>], iteration_bounds = array<i64: 2, 16>, scalar_prefetch = 0 : i64, scratch_operands = 3 : i64, tpu.core_type = #tpu.core_type<sc_vector_subcore>, window_params = [{transform_indices = #map}, {transform_indices = #map1}, {transform_indices = #map}]} {
    %mul3A = arith.constant 2 : i32
    %mul3A_0 = arith.muli %arg1, %mul3A : i32
    %add3A = arith.addi %mul3A_0, %arg0 : i32
    %mul3A_1 = arith.constant 2400 : i32
    %mul3A_2 = arith.muli %add3A, %mul3A_1 : i32
    %scan3A = arith.constant 0 : i32
    %scan3A_3 = arith.constant 0 : i32
    %scan3A_4 = arith.constant 30 : i32
    %scan3A_5 = arith.addi %scan3A_3, %scan3A_4 : i32
    %scan3A_6 = arith.constant 1 : i32
    scf.for %scan3A_8 = %scan3A_3 to %scan3A_5 step %scan3A_6  : i32 {
      %mul3A_9 = arith.constant 80 : i32
      %mul3A_10 = arith.muli %scan3A_8, %mul3A_9 : i32
      %add3A_11 = arith.addi %mul3A_2, %mul3A_10 : i32
      %add3A_12 = arith.constant 153600 : i32
      %add3A_13 = arith.addi %add3A_12, %add3A_11 : i32
      "tpu.region"() ({
        %run_scoped3A = tpu.sem_alloc : memref<!tpu.dma_semaphore, #tpu.memory_space<semaphore_mem>>
        %dma_start3A_18 = tpu.memref_slice %arg3[%add3A_13] : memref<320000xi32, #tpu.memory_space<hbm>> -> memref<80xi32, #tpu.memory_space<hbm>>
        %dma_start3A_19 = tpu.memref_slice %arg3[%add3A_13] : memref<320000xi32, #tpu.memory_space<hbm>> -> memref<80xi32, #tpu.memory_space<hbm>>
        tpu.enqueue_dma source(%dma_start3A_19 : memref<80xi32, #tpu.memory_space<hbm>>) target(%arg5 : memref<80xi32, #tpu.memory_space<vmem>>) target_semaphore(%run_scoped3A : memref<!tpu.dma_semaphore, #tpu.memory_space<semaphore_mem>>)
        %dma_wait3A_20 = tpu.memref_slice %arg3[%add3A_13] : memref<320000xi32, #tpu.memory_space<hbm>> -> memref<80xi32, #tpu.memory_space<hbm>>
        %dma_wait3A_21 = tpu.memref_slice %arg3[%add3A_13] : memref<320000xi32, #tpu.memory_space<hbm>> -> memref<80xi32, #tpu.memory_space<hbm>>
        tpu.wait_dma2 semaphore(%run_scoped3A : memref<!tpu.dma_semaphore, #tpu.memory_space<semaphore_mem>>) src(%dma_wait3A_21 : memref<80xi32, #tpu.memory_space<hbm>>) dst(%arg5 : memref<80xi32, #tpu.memory_space<vmem>>)
        tpu.yield
      }) : () -> ()
      %dma_start3A = arith.constant 0 : i32
      %dma_start3A_14 = arith.constant 0 : i32
      %dma_start3A_15 = tpu.memref_slice %arg2[%dma_start3A, %dma_start3A_14] : memref<10000x128xf32, #tpu.memory_space<hbm>> -> memref<10000x128xf32, #tpu.memory_space<hbm>>
      tpu.enqueue_indirect_dma source(%dma_start3A_15 : memref<10000x128xf32, #tpu.memory_space<hbm>>) target(%arg6 : memref<80x128xf32, #tpu.memory_space<vmem>>) offsets(%arg5 : memref<80xi32, #tpu.memory_space<vmem>>) semaphore(%arg7 : memref<!tpu.dma_semaphore, #tpu.memory_space<semaphore_mem>>)
      %dma_wait3A = arith.constant 0 : i32
      %dma_wait3A_16 = arith.constant 0 : i32
      %dma_wait3A_17 = tpu.memref_slice %arg2[%dma_wait3A, %dma_wait3A_16] : memref<10000x128xf32, #tpu.memory_space<hbm>> -> memref<10000x128xf32, #tpu.memory_space<hbm>>
      tpu.wait_indirect_dma semaphore(%arg7 : memref<!tpu.dma_semaphore, #tpu.memory_space<semaphore_mem>>) src(%dma_wait3A_17 : memref<10000x128xf32, #tpu.memory_space<hbm>>) dst(%arg6 : memref<80x128xf32, #tpu.memory_space<vmem>>)
      "tpu.region"() ({
        %run_scoped3A = tpu.sem_alloc : memref<!tpu.dma_semaphore, #tpu.memory_space<semaphore_mem>>
        %dma_start3A_18 = arith.constant 0 : i32
        %dma_start3A_19 = tpu.memref_slice %arg4[%add3A_11, %dma_start3A_18] : memref<76800x128xf32, #tpu.memory_space<hbm>> -> memref<80x128xf32, #tpu.memory_space<hbm>>
        %dma_start3A_20 = arith.constant 0 : i32
        %dma_start3A_21 = tpu.memref_slice %arg4[%add3A_11, %dma_start3A_20] : memref<76800x128xf32, #tpu.memory_space<hbm>> -> memref<80x128xf32, #tpu.memory_space<hbm>>
        tpu.enqueue_dma source(%arg6 : memref<80x128xf32, #tpu.memory_space<vmem>>) target(%dma_start3A_21 : memref<80x128xf32, #tpu.memory_space<hbm>>) target_semaphore(%run_scoped3A : memref<!tpu.dma_semaphore, #tpu.memory_space<semaphore_mem>>)
        %dma_wait3A_22 = arith.constant 0 : i32
        %dma_wait3A_23 = tpu.memref_slice %arg4[%add3A_11, %dma_wait3A_22] : memref<76800x128xf32, #tpu.memory_space<hbm>> -> memref<80x128xf32, #tpu.memory_space<hbm>>
        %dma_wait3A_24 = arith.constant 0 : i32
        %dma_wait3A_25 = tpu.memref_slice %arg4[%add3A_11, %dma_wait3A_24] : memref<76800x128xf32, #tpu.memory_space<hbm>> -> memref<80x128xf32, #tpu.memory_space<hbm>>
        tpu.wait_dma2 semaphore(%run_scoped3A : memref<!tpu.dma_semaphore, #tpu.memory_space<semaphore_mem>>) src(%arg6 : memref<80x128xf32, #tpu.memory_space<vmem>>) dst(%dma_wait3A_25 : memref<80x128xf32, #tpu.memory_space<hbm>>)
        tpu.yield
      }) : () -> ()
    }
    %scan3A_7 = arith.constant 30 : i32
    return
  }
}

#map = affine_map<(d0, d1) -> (0, 0)>
#map1 = affine_map<(d0, d1) -> (0)>
module attributes {stable_mosaic.version = 14 : i64} {
  func.func @gather_k(%arg0: i32, %arg1: i32, %arg2: memref<10000x128xf32, #tpu.memory_space<hbm>>, %arg3: memref<320000xi32, #tpu.memory_space<hbm>>, %arg4: memref<25600x128xf32, #tpu.memory_space<hbm>>, %arg5: memref<80xi32, #tpu.memory_space<vmem>>, %arg6: memref<80x128xf32, #tpu.memory_space<vmem>>, %arg7: memref<!tpu.dma_semaphore, #tpu.memory_space<semaphore_mem>>) attributes {dimension_semantics = [#tpu.dimension_semantics<core_parallel>, #tpu.dimension_semantics<subcore_parallel>], iteration_bounds = array<i64: 2, 16>, scalar_prefetch = 0 : i64, scratch_operands = 3 : i64, tpu.core_type = #tpu.core_type<sc_vector_subcore>, window_params = [{transform_indices = #map}, {transform_indices = #map1}, {transform_indices = #map}]} {
    %mul3A = arith.constant 2 : i32
    %mul3A_0 = arith.muli %arg1, %mul3A : i32
    %add3A = arith.addi %mul3A_0, %arg0 : i32
    %mul3A_1 = arith.constant 800 : i32
    %mul3A_2 = arith.muli %add3A, %mul3A_1 : i32
    %scan3A = arith.constant 0 : i32
    %scan3A_3 = arith.constant 0 : i32
    %scan3A_4 = arith.constant 10 : i32
    %scan3A_5 = arith.addi %scan3A_3, %scan3A_4 : i32
    %scan3A_6 = arith.constant 1 : i32
    scf.for %scan3A_8 = %scan3A_3 to %scan3A_5 step %scan3A_6  : i32 {
      %mul3A_9 = arith.constant 80 : i32
      %mul3A_10 = arith.muli %scan3A_8, %mul3A_9 : i32
      %add3A_11 = arith.addi %mul3A_2, %mul3A_10 : i32
      %add3A_12 = arith.constant 0 : i32
      %add3A_13 = arith.addi %add3A_12, %add3A_11 : i32
      "tpu.region"() ({
        %run_scoped3A = tpu.sem_alloc : memref<!tpu.dma_semaphore, #tpu.memory_space<semaphore_mem>>
        %dma_start3A_18 = tpu.memref_slice %arg3[%add3A_13] : memref<320000xi32, #tpu.memory_space<hbm>> -> memref<80xi32, #tpu.memory_space<hbm>>
        %dma_start3A_19 = tpu.memref_slice %arg3[%add3A_13] : memref<320000xi32, #tpu.memory_space<hbm>> -> memref<80xi32, #tpu.memory_space<hbm>>
        tpu.enqueue_dma source(%dma_start3A_19 : memref<80xi32, #tpu.memory_space<hbm>>) target(%arg5 : memref<80xi32, #tpu.memory_space<vmem>>) target_semaphore(%run_scoped3A : memref<!tpu.dma_semaphore, #tpu.memory_space<semaphore_mem>>)
        %dma_wait3A_20 = tpu.memref_slice %arg3[%add3A_13] : memref<320000xi32, #tpu.memory_space<hbm>> -> memref<80xi32, #tpu.memory_space<hbm>>
        %dma_wait3A_21 = tpu.memref_slice %arg3[%add3A_13] : memref<320000xi32, #tpu.memory_space<hbm>> -> memref<80xi32, #tpu.memory_space<hbm>>
        tpu.wait_dma2 semaphore(%run_scoped3A : memref<!tpu.dma_semaphore, #tpu.memory_space<semaphore_mem>>) src(%dma_wait3A_21 : memref<80xi32, #tpu.memory_space<hbm>>) dst(%arg5 : memref<80xi32, #tpu.memory_space<vmem>>)
        tpu.yield
      }) : () -> ()
      %dma_start3A = arith.constant 0 : i32
      %dma_start3A_14 = arith.constant 0 : i32
      %dma_start3A_15 = tpu.memref_slice %arg2[%dma_start3A, %dma_start3A_14] : memref<10000x128xf32, #tpu.memory_space<hbm>> -> memref<10000x128xf32, #tpu.memory_space<hbm>>
      tpu.enqueue_indirect_dma source(%dma_start3A_15 : memref<10000x128xf32, #tpu.memory_space<hbm>>) target(%arg6 : memref<80x128xf32, #tpu.memory_space<vmem>>) offsets(%arg5 : memref<80xi32, #tpu.memory_space<vmem>>) semaphore(%arg7 : memref<!tpu.dma_semaphore, #tpu.memory_space<semaphore_mem>>)
      %dma_wait3A = arith.constant 0 : i32
      %dma_wait3A_16 = arith.constant 0 : i32
      %dma_wait3A_17 = tpu.memref_slice %arg2[%dma_wait3A, %dma_wait3A_16] : memref<10000x128xf32, #tpu.memory_space<hbm>> -> memref<10000x128xf32, #tpu.memory_space<hbm>>
      tpu.wait_indirect_dma semaphore(%arg7 : memref<!tpu.dma_semaphore, #tpu.memory_space<semaphore_mem>>) src(%dma_wait3A_17 : memref<10000x128xf32, #tpu.memory_space<hbm>>) dst(%arg6 : memref<80x128xf32, #tpu.memory_space<vmem>>)
      "tpu.region"() ({
        %run_scoped3A = tpu.sem_alloc : memref<!tpu.dma_semaphore, #tpu.memory_space<semaphore_mem>>
        %dma_start3A_18 = arith.constant 0 : i32
        %dma_start3A_19 = tpu.memref_slice %arg4[%add3A_11, %dma_start3A_18] : memref<25600x128xf32, #tpu.memory_space<hbm>> -> memref<80x128xf32, #tpu.memory_space<hbm>>
        %dma_start3A_20 = arith.constant 0 : i32
        %dma_start3A_21 = tpu.memref_slice %arg4[%add3A_11, %dma_start3A_20] : memref<25600x128xf32, #tpu.memory_space<hbm>> -> memref<80x128xf32, #tpu.memory_space<hbm>>
        tpu.enqueue_dma source(%arg6 : memref<80x128xf32, #tpu.memory_space<vmem>>) target(%dma_start3A_21 : memref<80x128xf32, #tpu.memory_space<hbm>>) target_semaphore(%run_scoped3A : memref<!tpu.dma_semaphore, #tpu.memory_space<semaphore_mem>>)
        %dma_wait3A_22 = arith.constant 0 : i32
        %dma_wait3A_23 = tpu.memref_slice %arg4[%add3A_11, %dma_wait3A_22] : memref<25600x128xf32, #tpu.memory_space<hbm>> -> memref<80x128xf32, #tpu.memory_space<hbm>>
        %dma_wait3A_24 = arith.constant 0 : i32
        %dma_wait3A_25 = tpu.memref_slice %arg4[%add3A_11, %dma_wait3A_24] : memref<25600x128xf32, #tpu.memory_space<hbm>> -> memref<80x128xf32, #tpu.memory_space<hbm>>
        tpu.wait_dma2 semaphore(%run_scoped3A : memref<!tpu.dma_semaphore, #tpu.memory_space<semaphore_mem>>) src(%arg6 : memref<80x128xf32, #tpu.memory_space<vmem>>) dst(%dma_wait3A_25 : memref<80x128xf32, #tpu.memory_space<hbm>>)
        tpu.yield
      }) : () -> ()
    }
    %scan3A_7 = arith.constant 10 : i32
    return
  }
}

#map = affine_map<(d0, d1) -> (0, 0)>
#map1 = affine_map<(d0, d1) -> (0)>
module attributes {stable_mosaic.version = 14 : i64} {
  func.func @gather_k(%arg0: i32, %arg1: i32, %arg2: memref<10000x128xf32, #tpu.memory_space<hbm>>, %arg3: memref<320000xi32, #tpu.memory_space<hbm>>, %arg4: memref<51200x128xf32, #tpu.memory_space<hbm>>, %arg5: memref<80xi32, #tpu.memory_space<vmem>>, %arg6: memref<80x128xf32, #tpu.memory_space<vmem>>, %arg7: memref<!tpu.dma_semaphore, #tpu.memory_space<semaphore_mem>>) attributes {dimension_semantics = [#tpu.dimension_semantics<core_parallel>, #tpu.dimension_semantics<subcore_parallel>], iteration_bounds = array<i64: 2, 16>, scalar_prefetch = 0 : i64, scratch_operands = 3 : i64, tpu.core_type = #tpu.core_type<sc_vector_subcore>, window_params = [{transform_indices = #map}, {transform_indices = #map1}, {transform_indices = #map}]} {
    %mul3A = arith.constant 2 : i32
    %mul3A_0 = arith.muli %arg1, %mul3A : i32
    %add3A = arith.addi %mul3A_0, %arg0 : i32
    %mul3A_1 = arith.constant 1600 : i32
    %mul3A_2 = arith.muli %add3A, %mul3A_1 : i32
    %scan3A = arith.constant 0 : i32
    %scan3A_3 = arith.constant 0 : i32
    %scan3A_4 = arith.constant 20 : i32
    %scan3A_5 = arith.addi %scan3A_3, %scan3A_4 : i32
    %scan3A_6 = arith.constant 1 : i32
    scf.for %scan3A_8 = %scan3A_3 to %scan3A_5 step %scan3A_6  : i32 {
      %mul3A_9 = arith.constant 80 : i32
      %mul3A_10 = arith.muli %scan3A_8, %mul3A_9 : i32
      %add3A_11 = arith.addi %mul3A_2, %mul3A_10 : i32
      %add3A_12 = arith.constant 25600 : i32
      %add3A_13 = arith.addi %add3A_12, %add3A_11 : i32
      "tpu.region"() ({
        %run_scoped3A = tpu.sem_alloc : memref<!tpu.dma_semaphore, #tpu.memory_space<semaphore_mem>>
        %dma_start3A_18 = tpu.memref_slice %arg3[%add3A_13] : memref<320000xi32, #tpu.memory_space<hbm>> -> memref<80xi32, #tpu.memory_space<hbm>>
        %dma_start3A_19 = tpu.memref_slice %arg3[%add3A_13] : memref<320000xi32, #tpu.memory_space<hbm>> -> memref<80xi32, #tpu.memory_space<hbm>>
        tpu.enqueue_dma source(%dma_start3A_19 : memref<80xi32, #tpu.memory_space<hbm>>) target(%arg5 : memref<80xi32, #tpu.memory_space<vmem>>) target_semaphore(%run_scoped3A : memref<!tpu.dma_semaphore, #tpu.memory_space<semaphore_mem>>)
        %dma_wait3A_20 = tpu.memref_slice %arg3[%add3A_13] : memref<320000xi32, #tpu.memory_space<hbm>> -> memref<80xi32, #tpu.memory_space<hbm>>
        %dma_wait3A_21 = tpu.memref_slice %arg3[%add3A_13] : memref<320000xi32, #tpu.memory_space<hbm>> -> memref<80xi32, #tpu.memory_space<hbm>>
        tpu.wait_dma2 semaphore(%run_scoped3A : memref<!tpu.dma_semaphore, #tpu.memory_space<semaphore_mem>>) src(%dma_wait3A_21 : memref<80xi32, #tpu.memory_space<hbm>>) dst(%arg5 : memref<80xi32, #tpu.memory_space<vmem>>)
        tpu.yield
      }) : () -> ()
      %dma_start3A = arith.constant 0 : i32
      %dma_start3A_14 = arith.constant 0 : i32
      %dma_start3A_15 = tpu.memref_slice %arg2[%dma_start3A, %dma_start3A_14] : memref<10000x128xf32, #tpu.memory_space<hbm>> -> memref<10000x128xf32, #tpu.memory_space<hbm>>
      tpu.enqueue_indirect_dma source(%dma_start3A_15 : memref<10000x128xf32, #tpu.memory_space<hbm>>) target(%arg6 : memref<80x128xf32, #tpu.memory_space<vmem>>) offsets(%arg5 : memref<80xi32, #tpu.memory_space<vmem>>) semaphore(%arg7 : memref<!tpu.dma_semaphore, #tpu.memory_space<semaphore_mem>>)
      %dma_wait3A = arith.constant 0 : i32
      %dma_wait3A_16 = arith.constant 0 : i32
      %dma_wait3A_17 = tpu.memref_slice %arg2[%dma_wait3A, %dma_wait3A_16] : memref<10000x128xf32, #tpu.memory_space<hbm>> -> memref<10000x128xf32, #tpu.memory_space<hbm>>
      tpu.wait_indirect_dma semaphore(%arg7 : memref<!tpu.dma_semaphore, #tpu.memory_space<semaphore_mem>>) src(%dma_wait3A_17 : memref<10000x128xf32, #tpu.memory_space<hbm>>) dst(%arg6 : memref<80x128xf32, #tpu.memory_space<vmem>>)
      "tpu.region"() ({
        %run_scoped3A = tpu.sem_alloc : memref<!tpu.dma_semaphore, #tpu.memory_space<semaphore_mem>>
        %dma_start3A_18 = arith.constant 0 : i32
        %dma_start3A_19 = tpu.memref_slice %arg4[%add3A_11, %dma_start3A_18] : memref<51200x128xf32, #tpu.memory_space<hbm>> -> memref<80x128xf32, #tpu.memory_space<hbm>>
        %dma_start3A_20 = arith.constant 0 : i32
        %dma_start3A_21 = tpu.memref_slice %arg4[%add3A_11, %dma_start3A_20] : memref<51200x128xf32, #tpu.memory_space<hbm>> -> memref<80x128xf32, #tpu.memory_space<hbm>>
        tpu.enqueue_dma source(%arg6 : memref<80x128xf32, #tpu.memory_space<vmem>>) target(%dma_start3A_21 : memref<80x128xf32, #tpu.memory_space<hbm>>) target_semaphore(%run_scoped3A : memref<!tpu.dma_semaphore, #tpu.memory_space<semaphore_mem>>)
        %dma_wait3A_22 = arith.constant 0 : i32
        %dma_wait3A_23 = tpu.memref_slice %arg4[%add3A_11, %dma_wait3A_22] : memref<51200x128xf32, #tpu.memory_space<hbm>> -> memref<80x128xf32, #tpu.memory_space<hbm>>
        %dma_wait3A_24 = arith.constant 0 : i32
        %dma_wait3A_25 = tpu.memref_slice %arg4[%add3A_11, %dma_wait3A_24] : memref<51200x128xf32, #tpu.memory_space<hbm>> -> memref<80x128xf32, #tpu.memory_space<hbm>>
        tpu.wait_dma2 semaphore(%run_scoped3A : memref<!tpu.dma_semaphore, #tpu.memory_space<semaphore_mem>>) src(%arg6 : memref<80x128xf32, #tpu.memory_space<vmem>>) dst(%dma_wait3A_25 : memref<80x128xf32, #tpu.memory_space<hbm>>)
        tpu.yield
      }) : () -> ()
    }
    %scan3A_7 = arith.constant 20 : i32
    return
  }
}

#map = affine_map<(d0, d1) -> (0, 0)>
#map1 = affine_map<(d0, d1) -> (0)>
module attributes {stable_mosaic.version = 14 : i64} {
  func.func @gather_k(%arg0: i32, %arg1: i32, %arg2: memref<10000x128xf32, #tpu.memory_space<hbm>>, %arg3: memref<320000xi32, #tpu.memory_space<hbm>>, %arg4: memref<89600x128xf32, #tpu.memory_space<hbm>>, %arg5: memref<80xi32, #tpu.memory_space<vmem>>, %arg6: memref<80x128xf32, #tpu.memory_space<vmem>>, %arg7: memref<!tpu.dma_semaphore, #tpu.memory_space<semaphore_mem>>) attributes {dimension_semantics = [#tpu.dimension_semantics<core_parallel>, #tpu.dimension_semantics<subcore_parallel>], iteration_bounds = array<i64: 2, 16>, scalar_prefetch = 0 : i64, scratch_operands = 3 : i64, tpu.core_type = #tpu.core_type<sc_vector_subcore>, window_params = [{transform_indices = #map}, {transform_indices = #map1}, {transform_indices = #map}]} {
    %mul3A = arith.constant 2 : i32
    %mul3A_0 = arith.muli %arg1, %mul3A : i32
    %add3A = arith.addi %mul3A_0, %arg0 : i32
    %mul3A_1 = arith.constant 2800 : i32
    %mul3A_2 = arith.muli %add3A, %mul3A_1 : i32
    %scan3A = arith.constant 0 : i32
    %scan3A_3 = arith.constant 0 : i32
    %scan3A_4 = arith.constant 35 : i32
    %scan3A_5 = arith.addi %scan3A_3, %scan3A_4 : i32
    %scan3A_6 = arith.constant 1 : i32
    scf.for %scan3A_8 = %scan3A_3 to %scan3A_5 step %scan3A_6  : i32 {
      %mul3A_9 = arith.constant 80 : i32
      %mul3A_10 = arith.muli %scan3A_8, %mul3A_9 : i32
      %add3A_11 = arith.addi %mul3A_2, %mul3A_10 : i32
      %add3A_12 = arith.constant 230400 : i32
      %add3A_13 = arith.addi %add3A_12, %add3A_11 : i32
      "tpu.region"() ({
        %run_scoped3A = tpu.sem_alloc : memref<!tpu.dma_semaphore, #tpu.memory_space<semaphore_mem>>
        %dma_start3A_18 = tpu.memref_slice %arg3[%add3A_13] : memref<320000xi32, #tpu.memory_space<hbm>> -> memref<80xi32, #tpu.memory_space<hbm>>
        %dma_start3A_19 = tpu.memref_slice %arg3[%add3A_13] : memref<320000xi32, #tpu.memory_space<hbm>> -> memref<80xi32, #tpu.memory_space<hbm>>
        tpu.enqueue_dma source(%dma_start3A_19 : memref<80xi32, #tpu.memory_space<hbm>>) target(%arg5 : memref<80xi32, #tpu.memory_space<vmem>>) target_semaphore(%run_scoped3A : memref<!tpu.dma_semaphore, #tpu.memory_space<semaphore_mem>>)
        %dma_wait3A_20 = tpu.memref_slice %arg3[%add3A_13] : memref<320000xi32, #tpu.memory_space<hbm>> -> memref<80xi32, #tpu.memory_space<hbm>>
        %dma_wait3A_21 = tpu.memref_slice %arg3[%add3A_13] : memref<320000xi32, #tpu.memory_space<hbm>> -> memref<80xi32, #tpu.memory_space<hbm>>
        tpu.wait_dma2 semaphore(%run_scoped3A : memref<!tpu.dma_semaphore, #tpu.memory_space<semaphore_mem>>) src(%dma_wait3A_21 : memref<80xi32, #tpu.memory_space<hbm>>) dst(%arg5 : memref<80xi32, #tpu.memory_space<vmem>>)
        tpu.yield
      }) : () -> ()
      %dma_start3A = arith.constant 0 : i32
      %dma_start3A_14 = arith.constant 0 : i32
      %dma_start3A_15 = tpu.memref_slice %arg2[%dma_start3A, %dma_start3A_14] : memref<10000x128xf32, #tpu.memory_space<hbm>> -> memref<10000x128xf32, #tpu.memory_space<hbm>>
      tpu.enqueue_indirect_dma source(%dma_start3A_15 : memref<10000x128xf32, #tpu.memory_space<hbm>>) target(%arg6 : memref<80x128xf32, #tpu.memory_space<vmem>>) offsets(%arg5 : memref<80xi32, #tpu.memory_space<vmem>>) semaphore(%arg7 : memref<!tpu.dma_semaphore, #tpu.memory_space<semaphore_mem>>)
      %dma_wait3A = arith.constant 0 : i32
      %dma_wait3A_16 = arith.constant 0 : i32
      %dma_wait3A_17 = tpu.memref_slice %arg2[%dma_wait3A, %dma_wait3A_16] : memref<10000x128xf32, #tpu.memory_space<hbm>> -> memref<10000x128xf32, #tpu.memory_space<hbm>>
      tpu.wait_indirect_dma semaphore(%arg7 : memref<!tpu.dma_semaphore, #tpu.memory_space<semaphore_mem>>) src(%dma_wait3A_17 : memref<10000x128xf32, #tpu.memory_space<hbm>>) dst(%arg6 : memref<80x128xf32, #tpu.memory_space<vmem>>)
      "tpu.region"() ({
        %run_scoped3A = tpu.sem_alloc : memref<!tpu.dma_semaphore, #tpu.memory_space<semaphore_mem>>
        %dma_start3A_18 = arith.constant 0 : i32
        %dma_start3A_19 = tpu.memref_slice %arg4[%add3A_11, %dma_start3A_18] : memref<89600x128xf32, #tpu.memory_space<hbm>> -> memref<80x128xf32, #tpu.memory_space<hbm>>
        %dma_start3A_20 = arith.constant 0 : i32
        %dma_start3A_21 = tpu.memref_slice %arg4[%add3A_11, %dma_start3A_20] : memref<89600x128xf32, #tpu.memory_space<hbm>> -> memref<80x128xf32, #tpu.memory_space<hbm>>
        tpu.enqueue_dma source(%arg6 : memref<80x128xf32, #tpu.memory_space<vmem>>) target(%dma_start3A_21 : memref<80x128xf32, #tpu.memory_space<hbm>>) target_semaphore(%run_scoped3A : memref<!tpu.dma_semaphore, #tpu.memory_space<semaphore_mem>>)
        %dma_wait3A_22 = arith.constant 0 : i32
        %dma_wait3A_23 = tpu.memref_slice %arg4[%add3A_11, %dma_wait3A_22] : memref<89600x128xf32, #tpu.memory_space<hbm>> -> memref<80x128xf32, #tpu.memory_space<hbm>>
        %dma_wait3A_24 = arith.constant 0 : i32
        %dma_wait3A_25 = tpu.memref_slice %arg4[%add3A_11, %dma_wait3A_24] : memref<89600x128xf32, #tpu.memory_space<hbm>> -> memref<80x128xf32, #tpu.memory_space<hbm>>
        tpu.wait_dma2 semaphore(%run_scoped3A : memref<!tpu.dma_semaphore, #tpu.memory_space<semaphore_mem>>) src(%arg6 : memref<80x128xf32, #tpu.memory_space<vmem>>) dst(%dma_wait3A_25 : memref<80x128xf32, #tpu.memory_space<hbm>>)
        tpu.yield
      }) : () -> ()
    }
    %scan3A_7 = arith.constant 35 : i32
    return
  }
}

module attributes {stable_mosaic.version = 14 : i64} {
  func.func @_tc_body(%arg0: i32, %arg1: memref<6400x128xf32, #tpu.memory_space<vmem>>, %arg2: memref<200x32x16xf32, #tpu.memory_space<vmem>>, %arg3: memref<200x128xf32, #tpu.memory_space<vmem>>, %arg4: memref<200x128xf32, #tpu.memory_space<vmem>>, %arg5: memref<256x256xf32, #tpu.memory_space<vmem>>, %arg6: memref<16x256xf32, #tpu.memory_space<vmem>>, %arg7: memref<128x256xf32, #tpu.memory_space<vmem>>, %arg8: memref<1x256xf32, #tpu.memory_space<vmem>>, %arg9: memref<128x256xf32, #tpu.memory_space<vmem>>, %arg10: memref<1x256xf32, #tpu.memory_space<vmem>>, %arg11: memref<128x128xf32, #tpu.memory_space<vmem>>, %arg12: memref<1x128xf32, #tpu.memory_space<vmem>>, %arg13: memref<128x128xf32, #tpu.memory_space<vmem>>, %arg14: memref<1x128xf32, #tpu.memory_space<vmem>>, %arg15: memref<128x128xf32, #tpu.memory_space<vmem>>, %arg16: memref<128x128xf32, #tpu.memory_space<vmem>>, %arg17: memref<128x128xf32, #tpu.memory_space<vmem>>, %arg18: memref<1x128xf32, #tpu.memory_space<vmem>>, %arg19: memref<200x128xf32, #tpu.memory_space<vmem>>, %arg20: memref<200x128xf32, #tpu.memory_space<vmem>>) attributes {dimension_semantics = [#tpu.dimension_semantics<arbitrary>], iteration_bounds = array<i64: 4>, scalar_prefetch = 0 : i64, scratch_operands = 0 : i64, tpu.core_type = #tpu.core_type<tc>, window_params = [{transform_indices = @transform_0, window_bounds = array<i64: 6400, 128>}, {transform_indices = @transform_1, window_bounds = array<i64: 200, 32, 16>}, {transform_indices = @transform_2, window_bounds = array<i64: 200, 128>}, {transform_indices = @transform_3, window_bounds = array<i64: 200, 128>}, {pipeline_mode = #tpu.pipeline_mode<synchronous>, transform_indices = @transform_4, window_bounds = array<i64: 256, 256>}, {pipeline_mode = #tpu.pipeline_mode<synchronous>, transform_indices = @transform_5, window_bounds = array<i64: 16, 256>}, {pipeline_mode = #tpu.pipeline_mode<synchronous>, transform_indices = @transform_6, window_bounds = array<i64: 128, 256>}, {pipeline_mode = #tpu.pipeline_mode<synchronous>, transform_indices = @transform_7, window_bounds = array<i64: 1, 256>}, {pipeline_mode = #tpu.pipeline_mode<synchronous>, transform_indices = @transform_8, window_bounds = array<i64: 128, 256>}, {pipeline_mode = #tpu.pipeline_mode<synchronous>, transform_indices = @transform_9, window_bounds = array<i64: 1, 256>}, {pipeline_mode = #tpu.pipeline_mode<synchronous>, transform_indices = @transform_10, window_bounds = array<i64: 128, 128>}, {pipeline_mode = #tpu.pipeline_mode<synchronous>, transform_indices = @transform_11, window_bounds = array<i64: 1, 128>}, {pipeline_mode = #tpu.pipeline_mode<synchronous>, transform_indices = @transform_12, window_bounds = array<i64: 128, 128>}, {pipeline_mode = #tpu.pipeline_mode<synchronous>, transform_indices = @transform_13, window_bounds = array<i64: 1, 128>}, {pipeline_mode = #tpu.pipeline_mode<synchronous>, transform_indices = @transform_14, window_bounds = array<i64: 128, 128>}, {pipeline_mode = #tpu.pipeline_mode<synchronous>, transform_indices = @transform_15, window_bounds = array<i64: 128, 128>}, {pipeline_mode = #tpu.pipeline_mode<synchronous>, transform_indices = @transform_16, window_bounds = array<i64: 128, 128>}, {pipeline_mode = #tpu.pipeline_mode<synchronous>, transform_indices = @transform_17, window_bounds = array<i64: 1, 128>}, {transform_indices = @transform_18, window_bounds = array<i64: 200, 128>}, {transform_indices = @transform_19, window_bounds = array<i64: 200, 128>}]} {
    %get3A = arith.constant 0 : index
    %get3A_0 = arith.constant 0 : index
    %get3A_1 = vector.load %arg3[%get3A, %get3A_0] : memref<200x128xf32, #tpu.memory_space<vmem>>, vector<200x128xf32>
    %get3A_2 = arith.constant 0 : index
    %get3A_3 = arith.constant 0 : index
    %get3A_4 = vector.load %arg4[%get3A_2, %get3A_3] : memref<200x128xf32, #tpu.memory_space<vmem>>, vector<200x128xf32>
    %get3A_5 = arith.constant 0 : index
    %get3A_6 = arith.constant 0 : index
    %get3A_7 = vector.load %arg1[%get3A_5, %get3A_6] : memref<6400x128xf32, #tpu.memory_space<vmem>>, vector<6400x128xf32>
    %bitcast_convert_type3A = tpu.bitcast %get3A_7 : vector<6400x128xf32> -> vector<6400x128xi32>
    %shift_left3A = arith.constant 16 : i32
    %shift_left3A_8 = vector.broadcast %shift_left3A : i32 to vector<6400x128xi32>
    %shift_left3A_9 = arith.shli %bitcast_convert_type3A, %shift_left3A_8 : vector<6400x128xi32>
    %bitcast_convert_type3A_10 = tpu.bitcast %shift_left3A_9 : vector<6400x128xi32> -> vector<6400x128xf32>
    %and3A = arith.constant -65536 : i32
    %and3A_11 = vector.broadcast %and3A : i32 to vector<6400x128xi32>
    %and3A_12 = arith.andi %bitcast_convert_type3A, %and3A_11 : vector<6400x128xi32>
    %bitcast_convert_type3A_13 = tpu.bitcast %and3A_12 : vector<6400x128xi32> -> vector<6400x128xf32>
    %get3A_14 = arith.constant 0 : index
    %get3A_15 = arith.constant 0 : index
    %get3A_16 = arith.constant 0 : index
    %get3A_17 = vector.load %arg2[%get3A_14, %get3A_15, %get3A_16] : memref<200x32x16xf32, #tpu.memory_space<vmem>>, vector<200x32x16xf32>
    %reshape3A = vector.shape_cast %get3A_17 : vector<200x32x16xf32> to vector<6400x16xf32>
    %broadcast_in_dim3A = vector.shape_cast %get3A_4 : vector<200x128xf32> to vector<200x1x128xf32>
    %broadcast_in_dim3A_18 = vector.shape_cast %broadcast_in_dim3A : vector<200x1x128xf32> to vector<200x1x128xf32>
    %broadcast_in_dim3A_19 = vector.broadcast %broadcast_in_dim3A_18 : vector<200x1x128xf32> to vector<200x32x128xf32>
    %reshape3A_20 = vector.shape_cast %broadcast_in_dim3A_19 : vector<200x32x128xf32> to vector<6400x128xf32>
    %mul3A = arith.mulf %reshape3A_20, %bitcast_convert_type3A_13 : vector<6400x128xf32>
    %concatenate3A = tpu.concatenate %bitcast_convert_type3A_10, %mul3A in 1 : vector<6400x128xf32>, vector<6400x128xf32> -> vector<6400x256xf32>
    %get3A_21 = arith.constant 0 : index
    %get3A_22 = arith.constant 0 : index
    %get3A_23 = vector.load %arg5[%get3A_21, %get3A_22] : memref<256x256xf32, #tpu.memory_space<vmem>>, vector<256x256xf32>
    %dot_general3A = arith.constant dense<0.000000e+00> : vector<6400x256xf32>
    %dot_general3A_24 = tpu.matmul %concatenate3A, %get3A_23, %dot_general3A {dimension_numbers = #tpu.dot_dimension_numbers<[1], [0], [0], [1], [0, 0, 1, 1], [], []>, transpose_lhs_hint = false} : vector<6400x256xf32>, vector<256x256xf32>, vector<6400x256xf32> -> vector<6400x256xf32>
    %get3A_25 = arith.constant 0 : index
    %get3A_26 = arith.constant 0 : index
    %get3A_27 = vector.load %arg6[%get3A_25, %get3A_26] : memref<16x256xf32, #tpu.memory_space<vmem>>, vector<16x256xf32>
    %dot_general3A_28 = arith.constant dense<0.000000e+00> : vector<6400x256xf32>
    %dot_general3A_29 = tpu.matmul %reshape3A, %get3A_27, %dot_general3A_28 {dimension_numbers = #tpu.dot_dimension_numbers<[1], [0], [0], [1], [0, 0, 1, 1], [], []>, transpose_lhs_hint = false} : vector<6400x16xf32>, vector<16x256xf32>, vector<6400x256xf32> -> vector<6400x256xf32>
    %add3A = arith.addf %dot_general3A_24, %dot_general3A_29 : vector<6400x256xf32>
    %get3A_30 = arith.constant 0 : index
    %get3A_31 = arith.constant 0 : index
    %get3A_32 = vector.load %arg7[%get3A_30, %get3A_31] : memref<128x256xf32, #tpu.memory_space<vmem>>, vector<128x256xf32>
    %dot_general3A_33 = arith.constant dense<0.000000e+00> : vector<200x256xf32>
    %dot_general3A_34 = tpu.matmul %get3A_1, %get3A_32, %dot_general3A_33 {dimension_numbers = #tpu.dot_dimension_numbers<[1], [0], [0], [1], [0, 0, 1, 1], [], []>, transpose_lhs_hint = false} : vector<200x128xf32>, vector<128x256xf32>, vector<200x256xf32> -> vector<200x256xf32>
    %broadcast_in_dim3A_35 = vector.shape_cast %dot_general3A_34 : vector<200x256xf32> to vector<200x1x256xf32>
    %broadcast_in_dim3A_36 = vector.shape_cast %broadcast_in_dim3A_35 : vector<200x1x256xf32> to vector<200x1x256xf32>
    %broadcast_in_dim3A_37 = vector.broadcast %broadcast_in_dim3A_36 : vector<200x1x256xf32> to vector<200x32x256xf32>
    %reshape3A_38 = vector.shape_cast %broadcast_in_dim3A_37 : vector<200x32x256xf32> to vector<6400x256xf32>
    %add3A_39 = arith.addf %add3A, %reshape3A_38 : vector<6400x256xf32>
    %get3A_40 = arith.constant 0 : index
    %get3A_41 = arith.constant 0 : index
    %get3A_42 = vector.load %arg8[%get3A_40, %get3A_41] : memref<1x256xf32, #tpu.memory_space<vmem>>, vector<1x256xf32>
    %add3A_43 = vector.broadcast %get3A_42 : vector<1x256xf32> to vector<6400x256xf32>
    %add3A_44 = arith.addf %add3A_39, %add3A_43 : vector<6400x256xf32>
    %max3A = arith.constant 0.000000e+00 : f32
    %max3A_45 = vector.broadcast %max3A : f32 to vector<6400x256xf32>
    %max3A_46 = arith.maximumf %add3A_44, %max3A_45 : vector<6400x256xf32>
    %abs3A = math.absf %add3A_44 : vector<6400x256xf32>
    %neg3A = arith.constant 0.000000e+00 : f32
    %neg3A_47 = vector.broadcast %neg3A : f32 to vector<6400x256xf32>
    %neg3A_48 = arith.subf %neg3A_47, %abs3A : vector<6400x256xf32>
    %exp3A = math.exp %neg3A_48 : vector<6400x256xf32>
    %add3A_49 = arith.constant 1.000000e+00 : f32
    %add3A_50 = vector.broadcast %add3A_49 : f32 to vector<6400x256xf32>
    %add3A_51 = arith.addf %add3A_50, %exp3A : vector<6400x256xf32>
    %log3A = math.log %add3A_51 : vector<6400x256xf32>
    %add3A_52 = arith.addf %max3A_46, %log3A : vector<6400x256xf32>
    %slice3A = vector.extract_strided_slice %add3A_52 {offsets = [0, 0], sizes = [6400, 128], strides = [1, 1]} : vector<6400x256xf32> to vector<6400x128xf32>
    %slice3A_53 = vector.extract_strided_slice %add3A_52 {offsets = [0, 128], sizes = [6400, 128], strides = [1, 1]} : vector<6400x256xf32> to vector<6400x128xf32>
    %get3A_54 = arith.constant 0 : index
    %get3A_55 = arith.constant 0 : index
    %get3A_56 = vector.load %arg9[%get3A_54, %get3A_55] : memref<128x256xf32, #tpu.memory_space<vmem>>, vector<128x256xf32>
    %dot_general3A_57 = arith.constant dense<0.000000e+00> : vector<6400x256xf32>
    %dot_general3A_58 = tpu.matmul %slice3A, %get3A_56, %dot_general3A_57 {dimension_numbers = #tpu.dot_dimension_numbers<[1], [0], [0], [1], [0, 0, 1, 1], [], []>, transpose_lhs_hint = false} : vector<6400x128xf32>, vector<128x256xf32>, vector<6400x256xf32> -> vector<6400x256xf32>
    %get3A_59 = arith.constant 0 : index
    %get3A_60 = arith.constant 0 : index
    %get3A_61 = vector.load %arg10[%get3A_59, %get3A_60] : memref<1x256xf32, #tpu.memory_space<vmem>>, vector<1x256xf32>
    %add3A_62 = vector.broadcast %get3A_61 : vector<1x256xf32> to vector<6400x256xf32>
    %add3A_63 = arith.addf %dot_general3A_58, %add3A_62 : vector<6400x256xf32>
    %slice3A_64 = vector.extract_strided_slice %add3A_63 {offsets = [0, 0], sizes = [6400, 128], strides = [1, 1]} : vector<6400x256xf32> to vector<6400x128xf32>
    %logistic3A = arith.negf %slice3A_64 : vector<6400x128xf32>
    %logistic3A_65 = math.exp %logistic3A : vector<6400x128xf32>
    %logistic3A_66 = arith.constant 1.000000e+00 : f32
    %logistic3A_67 = vector.broadcast %logistic3A_66 : f32 to vector<6400x128xf32>
    %logistic3A_68 = arith.addf %logistic3A_67, %logistic3A_65 : vector<6400x128xf32>
    %logistic3A_69 = arith.divf %logistic3A_67, %logistic3A_68 : vector<6400x128xf32>
    %slice3A_70 = vector.extract_strided_slice %add3A_63 {offsets = [0, 128], sizes = [6400, 128], strides = [1, 1]} : vector<6400x256xf32> to vector<6400x128xf32>
    %max3A_71 = arith.constant 0.000000e+00 : f32
    %max3A_72 = vector.broadcast %max3A_71 : f32 to vector<6400x128xf32>
    %max3A_73 = arith.maximumf %slice3A_70, %max3A_72 : vector<6400x128xf32>
    %abs3A_74 = math.absf %slice3A_70 : vector<6400x128xf32>
    %neg3A_75 = arith.constant 0.000000e+00 : f32
    %neg3A_76 = vector.broadcast %neg3A_75 : f32 to vector<6400x128xf32>
    %neg3A_77 = arith.subf %neg3A_76, %abs3A_74 : vector<6400x128xf32>
    %exp3A_78 = math.exp %neg3A_77 : vector<6400x128xf32>
    %add3A_79 = arith.constant 1.000000e+00 : f32
    %add3A_80 = vector.broadcast %add3A_79 : f32 to vector<6400x128xf32>
    %add3A_81 = arith.addf %add3A_80, %exp3A_78 : vector<6400x128xf32>
    %log3A_82 = math.log %add3A_81 : vector<6400x128xf32>
    %add3A_83 = arith.addf %max3A_73, %log3A_82 : vector<6400x128xf32>
    %mul3A_84 = arith.mulf %logistic3A_69, %add3A_83 : vector<6400x128xf32>
    %reshape3A_85 = vector.shape_cast %mul3A_84 : vector<6400x128xf32> to vector<200x32x128xf32>
    %reduce_sum3A = arith.constant dense<0.000000e+00> : vector<200x128xf32>
    %reduce_sum3A_86 = vector.multi_reduction <add>, %reshape3A_85, %reduce_sum3A [1] : vector<200x32x128xf32> to vector<200x128xf32>
    %broadcast_in_dim3A_87 = vector.shape_cast %get3A_4 : vector<200x128xf32> to vector<200x1x128xf32>
    %broadcast_in_dim3A_88 = vector.shape_cast %broadcast_in_dim3A_87 : vector<200x1x128xf32> to vector<200x1x128xf32>
    %broadcast_in_dim3A_89 = vector.broadcast %broadcast_in_dim3A_88 : vector<200x1x128xf32> to vector<200x32x128xf32>
    %reshape3A_90 = vector.shape_cast %broadcast_in_dim3A_89 : vector<200x32x128xf32> to vector<6400x128xf32>
    %get3A_91 = arith.constant 0 : index
    %get3A_92 = arith.constant 0 : index
    %get3A_93 = vector.load %arg11[%get3A_91, %get3A_92] : memref<128x128xf32, #tpu.memory_space<vmem>>, vector<128x128xf32>
    %dot_general3A_94 = arith.constant dense<0.000000e+00> : vector<6400x128xf32>
    %dot_general3A_95 = tpu.matmul %bitcast_convert_type3A_10, %get3A_93, %dot_general3A_94 {dimension_numbers = #tpu.dot_dimension_numbers<[1], [0], [0], [1], [0, 0, 1, 1], [], []>, transpose_lhs_hint = false} : vector<6400x128xf32>, vector<128x128xf32>, vector<6400x128xf32> -> vector<6400x128xf32>
    %get3A_96 = arith.constant 0 : index
    %get3A_97 = arith.constant 0 : index
    %get3A_98 = vector.load %arg12[%get3A_96, %get3A_97] : memref<1x128xf32, #tpu.memory_space<vmem>>, vector<1x128xf32>
    %add3A_99 = vector.broadcast %get3A_98 : vector<1x128xf32> to vector<6400x128xf32>
    %add3A_100 = arith.addf %dot_general3A_95, %add3A_99 : vector<6400x128xf32>
    %mul3A_101 = arith.mulf %reshape3A_90, %add3A_100 : vector<6400x128xf32>
    %get3A_102 = arith.constant 0 : index
    %get3A_103 = arith.constant 0 : index
    %get3A_104 = vector.load %arg13[%get3A_102, %get3A_103] : memref<128x128xf32, #tpu.memory_space<vmem>>, vector<128x128xf32>
    %dot_general3A_105 = arith.constant dense<0.000000e+00> : vector<200x128xf32>
    %dot_general3A_106 = tpu.matmul %get3A_1, %get3A_104, %dot_general3A_105 {dimension_numbers = #tpu.dot_dimension_numbers<[1], [0], [0], [1], [0, 0, 1, 1], [], []>, transpose_lhs_hint = false} : vector<200x128xf32>, vector<128x128xf32>, vector<200x128xf32> -> vector<200x128xf32>
    %get3A_107 = arith.constant 0 : index
    %get3A_108 = arith.constant 0 : index
    %get3A_109 = vector.load %arg14[%get3A_107, %get3A_108] : memref<1x128xf32, #tpu.memory_space<vmem>>, vector<1x128xf32>
    %add3A_110 = vector.broadcast %get3A_109 : vector<1x128xf32> to vector<200x128xf32>
    %add3A_111 = arith.addf %dot_general3A_106, %add3A_110 : vector<200x128xf32>
    %broadcast_in_dim3A_112 = vector.shape_cast %add3A_111 : vector<200x128xf32> to vector<200x1x128xf32>
    %broadcast_in_dim3A_113 = vector.shape_cast %broadcast_in_dim3A_112 : vector<200x1x128xf32> to vector<200x1x128xf32>
    %broadcast_in_dim3A_114 = vector.broadcast %broadcast_in_dim3A_113 : vector<200x1x128xf32> to vector<200x32x128xf32>
    %reshape3A_115 = vector.shape_cast %broadcast_in_dim3A_114 : vector<200x32x128xf32> to vector<6400x128xf32>
    %mul3A_116 = arith.mulf %reshape3A_115, %bitcast_convert_type3A_13 : vector<6400x128xf32>
    %get3A_117 = arith.constant 0 : index
    %get3A_118 = arith.constant 0 : index
    %get3A_119 = vector.load %arg15[%get3A_117, %get3A_118] : memref<128x128xf32, #tpu.memory_space<vmem>>, vector<128x128xf32>
    %dot_general3A_120 = arith.constant dense<0.000000e+00> : vector<6400x128xf32>
    %dot_general3A_121 = tpu.matmul %mul3A_101, %get3A_119, %dot_general3A_120 {dimension_numbers = #tpu.dot_dimension_numbers<[1], [0], [0], [1], [0, 0, 1, 1], [], []>, transpose_lhs_hint = false} : vector<6400x128xf32>, vector<128x128xf32>, vector<6400x128xf32> -> vector<6400x128xf32>
    %get3A_122 = arith.constant 0 : index
    %get3A_123 = arith.constant 0 : index
    %get3A_124 = vector.load %arg16[%get3A_122, %get3A_123] : memref<128x128xf32, #tpu.memory_space<vmem>>, vector<128x128xf32>
    %dot_general3A_125 = arith.constant dense<0.000000e+00> : vector<6400x128xf32>
    %dot_general3A_126 = tpu.matmul %mul3A_116, %get3A_124, %dot_general3A_125 {dimension_numbers = #tpu.dot_dimension_numbers<[1], [0], [0], [1], [0, 0, 1, 1], [], []>, transpose_lhs_hint = false} : vector<6400x128xf32>, vector<128x128xf32>, vector<6400x128xf32> -> vector<6400x128xf32>
    %add3A_127 = arith.addf %dot_general3A_121, %dot_general3A_126 : vector<6400x128xf32>
    %tanh3A = math.tanh %add3A_127 : vector<6400x128xf32>
    %get3A_128 = arith.constant 0 : index
    %get3A_129 = arith.constant 0 : index
    %get3A_130 = vector.load %arg17[%get3A_128, %get3A_129] : memref<128x128xf32, #tpu.memory_space<vmem>>, vector<128x128xf32>
    %dot_general3A_131 = arith.constant dense<0.000000e+00> : vector<6400x128xf32>
    %dot_general3A_132 = tpu.matmul %slice3A_53, %get3A_130, %dot_general3A_131 {dimension_numbers = #tpu.dot_dimension_numbers<[1], [0], [0], [1], [0, 0, 1, 1], [], []>, transpose_lhs_hint = false} : vector<6400x128xf32>, vector<128x128xf32>, vector<6400x128xf32> -> vector<6400x128xf32>
    %get3A_133 = arith.constant 0 : index
    %get3A_134 = arith.constant 0 : index
    %get3A_135 = vector.load %arg18[%get3A_133, %get3A_134] : memref<1x128xf32, #tpu.memory_space<vmem>>, vector<1x128xf32>
    %add3A_136 = vector.broadcast %get3A_135 : vector<1x128xf32> to vector<6400x128xf32>
    %add3A_137 = arith.addf %dot_general3A_132, %add3A_136 : vector<6400x128xf32>
    %logistic3A_138 = arith.negf %add3A_137 : vector<6400x128xf32>
    %logistic3A_139 = math.exp %logistic3A_138 : vector<6400x128xf32>
    %logistic3A_140 = arith.constant 1.000000e+00 : f32
    %logistic3A_141 = vector.broadcast %logistic3A_140 : f32 to vector<6400x128xf32>
    %logistic3A_142 = arith.addf %logistic3A_141, %logistic3A_139 : vector<6400x128xf32>
    %logistic3A_143 = arith.divf %logistic3A_141, %logistic3A_142 : vector<6400x128xf32>
    %mul3A_144 = arith.mulf %logistic3A_143, %tanh3A : vector<6400x128xf32>
    %reshape3A_145 = vector.shape_cast %mul3A_144 : vector<6400x128xf32> to vector<200x32x128xf32>
    %reduce_sum3A_146 = arith.constant dense<0.000000e+00> : vector<200x128xf32>
    %reduce_sum3A_147 = vector.multi_reduction <add>, %reshape3A_145, %reduce_sum3A_146 [1] : vector<200x32x128xf32> to vector<200x128xf32>
    %add3A_148 = arith.addf %get3A_1, %reduce_sum3A_86 : vector<200x128xf32>
    %swap3A = arith.constant 0 : index
    %swap3A_149 = arith.constant 0 : index
    %swap3A_150 = vector.load %arg19[%swap3A, %swap3A_149] : memref<200x128xf32, #tpu.memory_space<vmem>>, vector<200x128xf32>
    tpu.vector_store %arg19[%swap3A, %swap3A_149], %add3A_148 {strides = array<i32>} : memref<200x128xf32, #tpu.memory_space<vmem>>, vector<200x128xf32>,
    %add3A_151 = arith.addf %get3A_4, %reduce_sum3A_147 : vector<200x128xf32>
    %swap3A_152 = arith.constant 0 : index
    %swap3A_153 = arith.constant 0 : index
    %swap3A_154 = vector.load %arg20[%swap3A_152, %swap3A_153] : memref<200x128xf32, #tpu.memory_space<vmem>>, vector<200x128xf32>
    tpu.vector_store %arg20[%swap3A_152, %swap3A_153], %add3A_151 {strides = array<i32>} : memref<200x128xf32, #tpu.memory_space<vmem>>, vector<200x128xf32>,
    return
  }
  func.func @transform_0(%arg0: i32) -> (i32, i32) {
    %c0_i32 = arith.constant 0 : i32
    %c0_i32_0 = arith.constant 0 : i32
    return %arg0, %c0_i32 : i32, i32
  }
  func.func @transform_1(%arg0: i32) -> (i32, i32, i32) {
    %add3A = arith.constant 0 : i32
    %add3A_0 = arith.addi %arg0, %add3A : i32
    %c0_i32 = arith.constant 0 : i32
    %c0_i32_1 = arith.constant 0 : i32
    %c0_i32_2 = arith.constant 0 : i32
    return %add3A_0, %c0_i32, %c0_i32_1 : i32, i32, i32
  }
  func.func @transform_2(%arg0: i32) -> (i32, i32) {
    %add3A = arith.constant 0 : i32
    %add3A_0 = arith.addi %arg0, %add3A : i32
    %c0_i32 = arith.constant 0 : i32
    %c0_i32_1 = arith.constant 0 : i32
    return %add3A_0, %c0_i32 : i32, i32
  }
  func.func @transform_3(%arg0: i32) -> (i32, i32) {
    %add3A = arith.constant 0 : i32
    %add3A_0 = arith.addi %arg0, %add3A : i32
    %c0_i32 = arith.constant 0 : i32
    %c0_i32_1 = arith.constant 0 : i32
    return %add3A_0, %c0_i32 : i32, i32
  }
  func.func @transform_4(%arg0: i32) -> (i32, i32) {
    %c0_i32 = arith.constant 0 : i32
    %c0_i32_0 = arith.constant 0 : i32
    %c0_i32_1 = arith.constant 0 : i32
    return %c0_i32, %c0_i32_0 : i32, i32
  }
  func.func @transform_5(%arg0: i32) -> (i32, i32) {
    %c0_i32 = arith.constant 0 : i32
    %c0_i32_0 = arith.constant 0 : i32
    %c0_i32_1 = arith.constant 0 : i32
    return %c0_i32, %c0_i32_0 : i32, i32
  }
  func.func @transform_6(%arg0: i32) -> (i32, i32) {
    %c0_i32 = arith.constant 0 : i32
    %c0_i32_0 = arith.constant 0 : i32
    %c0_i32_1 = arith.constant 0 : i32
    return %c0_i32, %c0_i32_0 : i32, i32
  }
  func.func @transform_7(%arg0: i32) -> (i32, i32) {
    %c0_i32 = arith.constant 0 : i32
    %c0_i32_0 = arith.constant 0 : i32
    %c0_i32_1 = arith.constant 0 : i32
    return %c0_i32, %c0_i32_0 : i32, i32
  }
  func.func @transform_8(%arg0: i32) -> (i32, i32) {
    %c0_i32 = arith.constant 0 : i32
    %c0_i32_0 = arith.constant 0 : i32
    %c0_i32_1 = arith.constant 0 : i32
    return %c0_i32, %c0_i32_0 : i32, i32
  }
  func.func @transform_9(%arg0: i32) -> (i32, i32) {
    %c0_i32 = arith.constant 0 : i32
    %c0_i32_0 = arith.constant 0 : i32
    %c0_i32_1 = arith.constant 0 : i32
    return %c0_i32, %c0_i32_0 : i32, i32
  }
  func.func @transform_10(%arg0: i32) -> (i32, i32) {
    %c0_i32 = arith.constant 0 : i32
    %c0_i32_0 = arith.constant 0 : i32
    %c0_i32_1 = arith.constant 0 : i32
    return %c0_i32, %c0_i32_0 : i32, i32
  }
  func.func @transform_11(%arg0: i32) -> (i32, i32) {
    %c0_i32 = arith.constant 0 : i32
    %c0_i32_0 = arith.constant 0 : i32
    %c0_i32_1 = arith.constant 0 : i32
    return %c0_i32, %c0_i32_0 : i32, i32
  }
  func.func @transform_12(%arg0: i32) -> (i32, i32) {
    %c0_i32 = arith.constant 0 : i32
    %c0_i32_0 = arith.constant 0 : i32
    %c0_i32_1 = arith.constant 0 : i32
    return %c0_i32, %c0_i32_0 : i32, i32
  }
  func.func @transform_13(%arg0: i32) -> (i32, i32) {
    %c0_i32 = arith.constant 0 : i32
    %c0_i32_0 = arith.constant 0 : i32
    %c0_i32_1 = arith.constant 0 : i32
    return %c0_i32, %c0_i32_0 : i32, i32
  }
  func.func @transform_14(%arg0: i32) -> (i32, i32) {
    %c0_i32 = arith.constant 0 : i32
    %c0_i32_0 = arith.constant 0 : i32
    %c0_i32_1 = arith.constant 0 : i32
    return %c0_i32, %c0_i32_0 : i32, i32
  }
  func.func @transform_15(%arg0: i32) -> (i32, i32) {
    %c0_i32 = arith.constant 0 : i32
    %c0_i32_0 = arith.constant 0 : i32
    %c0_i32_1 = arith.constant 0 : i32
    return %c0_i32, %c0_i32_0 : i32, i32
  }
  func.func @transform_16(%arg0: i32) -> (i32, i32) {
    %c0_i32 = arith.constant 0 : i32
    %c0_i32_0 = arith.constant 0 : i32
    %c0_i32_1 = arith.constant 0 : i32
    return %c0_i32, %c0_i32_0 : i32, i32
  }
  func.func @transform_17(%arg0: i32) -> (i32, i32) {
    %c0_i32 = arith.constant 0 : i32
    %c0_i32_0 = arith.constant 0 : i32
    %c0_i32_1 = arith.constant 0 : i32
    return %c0_i32, %c0_i32_0 : i32, i32
  }
  func.func @transform_18(%arg0: i32) -> (i32, i32) {
    %c0_i32 = arith.constant 0 : i32
    %c0_i32_0 = arith.constant 0 : i32
    return %arg0, %c0_i32 : i32, i32
  }
  func.func @transform_19(%arg0: i32) -> (i32, i32) {
    %c0_i32 = arith.constant 0 : i32
    %c0_i32_0 = arith.constant 0 : i32
    return %arg0, %c0_i32 : i32, i32
  }
}

module attributes {stable_mosaic.version = 14 : i64} {
  func.func @_tc_body(%arg0: i32, %arg1: memref<6400x128xf32, #tpu.memory_space<vmem>>, %arg2: memref<200x32x16xf32, #tpu.memory_space<vmem>>, %arg3: memref<200x128xf32, #tpu.memory_space<vmem>>, %arg4: memref<200x128xf32, #tpu.memory_space<vmem>>, %arg5: memref<256x256xf32, #tpu.memory_space<vmem>>, %arg6: memref<16x256xf32, #tpu.memory_space<vmem>>, %arg7: memref<128x256xf32, #tpu.memory_space<vmem>>, %arg8: memref<1x256xf32, #tpu.memory_space<vmem>>, %arg9: memref<128x256xf32, #tpu.memory_space<vmem>>, %arg10: memref<1x256xf32, #tpu.memory_space<vmem>>, %arg11: memref<128x128xf32, #tpu.memory_space<vmem>>, %arg12: memref<1x128xf32, #tpu.memory_space<vmem>>, %arg13: memref<128x128xf32, #tpu.memory_space<vmem>>, %arg14: memref<1x128xf32, #tpu.memory_space<vmem>>, %arg15: memref<128x128xf32, #tpu.memory_space<vmem>>, %arg16: memref<128x128xf32, #tpu.memory_space<vmem>>, %arg17: memref<128x128xf32, #tpu.memory_space<vmem>>, %arg18: memref<1x128xf32, #tpu.memory_space<vmem>>, %arg19: memref<200x128xf32, #tpu.memory_space<vmem>>, %arg20: memref<200x128xf32, #tpu.memory_space<vmem>>) attributes {dimension_semantics = [#tpu.dimension_semantics<arbitrary>], iteration_bounds = array<i64: 8>, scalar_prefetch = 0 : i64, scratch_operands = 0 : i64, tpu.core_type = #tpu.core_type<tc>, window_params = [{transform_indices = @transform_0, window_bounds = array<i64: 6400, 128>}, {transform_indices = @transform_1, window_bounds = array<i64: 200, 32, 16>}, {transform_indices = @transform_2, window_bounds = array<i64: 200, 128>}, {transform_indices = @transform_3, window_bounds = array<i64: 200, 128>}, {pipeline_mode = #tpu.pipeline_mode<synchronous>, transform_indices = @transform_4, window_bounds = array<i64: 256, 256>}, {pipeline_mode = #tpu.pipeline_mode<synchronous>, transform_indices = @transform_5, window_bounds = array<i64: 16, 256>}, {pipeline_mode = #tpu.pipeline_mode<synchronous>, transform_indices = @transform_6, window_bounds = array<i64: 128, 256>}, {pipeline_mode = #tpu.pipeline_mode<synchronous>, transform_indices = @transform_7, window_bounds = array<i64: 1, 256>}, {pipeline_mode = #tpu.pipeline_mode<synchronous>, transform_indices = @transform_8, window_bounds = array<i64: 128, 256>}, {pipeline_mode = #tpu.pipeline_mode<synchronous>, transform_indices = @transform_9, window_bounds = array<i64: 1, 256>}, {pipeline_mode = #tpu.pipeline_mode<synchronous>, transform_indices = @transform_10, window_bounds = array<i64: 128, 128>}, {pipeline_mode = #tpu.pipeline_mode<synchronous>, transform_indices = @transform_11, window_bounds = array<i64: 1, 128>}, {pipeline_mode = #tpu.pipeline_mode<synchronous>, transform_indices = @transform_12, window_bounds = array<i64: 128, 128>}, {pipeline_mode = #tpu.pipeline_mode<synchronous>, transform_indices = @transform_13, window_bounds = array<i64: 1, 128>}, {pipeline_mode = #tpu.pipeline_mode<synchronous>, transform_indices = @transform_14, window_bounds = array<i64: 128, 128>}, {pipeline_mode = #tpu.pipeline_mode<synchronous>, transform_indices = @transform_15, window_bounds = array<i64: 128, 128>}, {pipeline_mode = #tpu.pipeline_mode<synchronous>, transform_indices = @transform_16, window_bounds = array<i64: 128, 128>}, {pipeline_mode = #tpu.pipeline_mode<synchronous>, transform_indices = @transform_17, window_bounds = array<i64: 1, 128>}, {transform_indices = @transform_18, window_bounds = array<i64: 200, 128>}, {transform_indices = @transform_19, window_bounds = array<i64: 200, 128>}]} {
    %get3A = arith.constant 0 : index
    %get3A_0 = arith.constant 0 : index
    %get3A_1 = vector.load %arg3[%get3A, %get3A_0] : memref<200x128xf32, #tpu.memory_space<vmem>>, vector<200x128xf32>
    %get3A_2 = arith.constant 0 : index
    %get3A_3 = arith.constant 0 : index
    %get3A_4 = vector.load %arg4[%get3A_2, %get3A_3] : memref<200x128xf32, #tpu.memory_space<vmem>>, vector<200x128xf32>
    %get3A_5 = arith.constant 0 : index
    %get3A_6 = arith.constant 0 : index
    %get3A_7 = vector.load %arg1[%get3A_5, %get3A_6] : memref<6400x128xf32, #tpu.memory_space<vmem>>, vector<6400x128xf32>
    %bitcast_convert_type3A = tpu.bitcast %get3A_7 : vector<6400x128xf32> -> vector<6400x128xi32>
    %shift_left3A = arith.constant 16 : i32
    %shift_left3A_8 = vector.broadcast %shift_left3A : i32 to vector<6400x128xi32>
    %shift_left3A_9 = arith.shli %bitcast_convert_type3A, %shift_left3A_8 : vector<6400x128xi32>
    %bitcast_convert_type3A_10 = tpu.bitcast %shift_left3A_9 : vector<6400x128xi32> -> vector<6400x128xf32>
    %and3A = arith.constant -65536 : i32
    %and3A_11 = vector.broadcast %and3A : i32 to vector<6400x128xi32>
    %and3A_12 = arith.andi %bitcast_convert_type3A, %and3A_11 : vector<6400x128xi32>
    %bitcast_convert_type3A_13 = tpu.bitcast %and3A_12 : vector<6400x128xi32> -> vector<6400x128xf32>
    %get3A_14 = arith.constant 0 : index
    %get3A_15 = arith.constant 0 : index
    %get3A_16 = arith.constant 0 : index
    %get3A_17 = vector.load %arg2[%get3A_14, %get3A_15, %get3A_16] : memref<200x32x16xf32, #tpu.memory_space<vmem>>, vector<200x32x16xf32>
    %reshape3A = vector.shape_cast %get3A_17 : vector<200x32x16xf32> to vector<6400x16xf32>
    %broadcast_in_dim3A = vector.shape_cast %get3A_4 : vector<200x128xf32> to vector<200x1x128xf32>
    %broadcast_in_dim3A_18 = vector.shape_cast %broadcast_in_dim3A : vector<200x1x128xf32> to vector<200x1x128xf32>
    %broadcast_in_dim3A_19 = vector.broadcast %broadcast_in_dim3A_18 : vector<200x1x128xf32> to vector<200x32x128xf32>
    %reshape3A_20 = vector.shape_cast %broadcast_in_dim3A_19 : vector<200x32x128xf32> to vector<6400x128xf32>
    %mul3A = arith.mulf %reshape3A_20, %bitcast_convert_type3A_13 : vector<6400x128xf32>
    %concatenate3A = tpu.concatenate %bitcast_convert_type3A_10, %mul3A in 1 : vector<6400x128xf32>, vector<6400x128xf32> -> vector<6400x256xf32>
    %get3A_21 = arith.constant 0 : index
    %get3A_22 = arith.constant 0 : index
    %get3A_23 = vector.load %arg5[%get3A_21, %get3A_22] : memref<256x256xf32, #tpu.memory_space<vmem>>, vector<256x256xf32>
    %dot_general3A = arith.constant dense<0.000000e+00> : vector<6400x256xf32>
    %dot_general3A_24 = tpu.matmul %concatenate3A, %get3A_23, %dot_general3A {dimension_numbers = #tpu.dot_dimension_numbers<[1], [0], [0], [1], [0, 0, 1, 1], [], []>, transpose_lhs_hint = false} : vector<6400x256xf32>, vector<256x256xf32>, vector<6400x256xf32> -> vector<6400x256xf32>
    %get3A_25 = arith.constant 0 : index
    %get3A_26 = arith.constant 0 : index
    %get3A_27 = vector.load %arg6[%get3A_25, %get3A_26] : memref<16x256xf32, #tpu.memory_space<vmem>>, vector<16x256xf32>
    %dot_general3A_28 = arith.constant dense<0.000000e+00> : vector<6400x256xf32>
    %dot_general3A_29 = tpu.matmul %reshape3A, %get3A_27, %dot_general3A_28 {dimension_numbers = #tpu.dot_dimension_numbers<[1], [0], [0], [1], [0, 0, 1, 1], [], []>, transpose_lhs_hint = false} : vector<6400x16xf32>, vector<16x256xf32>, vector<6400x256xf32> -> vector<6400x256xf32>
    %add3A = arith.addf %dot_general3A_24, %dot_general3A_29 : vector<6400x256xf32>
    %get3A_30 = arith.constant 0 : index
    %get3A_31 = arith.constant 0 : index
    %get3A_32 = vector.load %arg7[%get3A_30, %get3A_31] : memref<128x256xf32, #tpu.memory_space<vmem>>, vector<128x256xf32>
    %dot_general3A_33 = arith.constant dense<0.000000e+00> : vector<200x256xf32>
    %dot_general3A_34 = tpu.matmul %get3A_1, %get3A_32, %dot_general3A_33 {dimension_numbers = #tpu.dot_dimension_numbers<[1], [0], [0], [1], [0, 0, 1, 1], [], []>, transpose_lhs_hint = false} : vector<200x128xf32>, vector<128x256xf32>, vector<200x256xf32> -> vector<200x256xf32>
    %broadcast_in_dim3A_35 = vector.shape_cast %dot_general3A_34 : vector<200x256xf32> to vector<200x1x256xf32>
    %broadcast_in_dim3A_36 = vector.shape_cast %broadcast_in_dim3A_35 : vector<200x1x256xf32> to vector<200x1x256xf32>
    %broadcast_in_dim3A_37 = vector.broadcast %broadcast_in_dim3A_36 : vector<200x1x256xf32> to vector<200x32x256xf32>
    %reshape3A_38 = vector.shape_cast %broadcast_in_dim3A_37 : vector<200x32x256xf32> to vector<6400x256xf32>
    %add3A_39 = arith.addf %add3A, %reshape3A_38 : vector<6400x256xf32>
    %get3A_40 = arith.constant 0 : index
    %get3A_41 = arith.constant 0 : index
    %get3A_42 = vector.load %arg8[%get3A_40, %get3A_41] : memref<1x256xf32, #tpu.memory_space<vmem>>, vector<1x256xf32>
    %add3A_43 = vector.broadcast %get3A_42 : vector<1x256xf32> to vector<6400x256xf32>
    %add3A_44 = arith.addf %add3A_39, %add3A_43 : vector<6400x256xf32>
    %max3A = arith.constant 0.000000e+00 : f32
    %max3A_45 = vector.broadcast %max3A : f32 to vector<6400x256xf32>
    %max3A_46 = arith.maximumf %add3A_44, %max3A_45 : vector<6400x256xf32>
    %abs3A = math.absf %add3A_44 : vector<6400x256xf32>
    %neg3A = arith.constant 0.000000e+00 : f32
    %neg3A_47 = vector.broadcast %neg3A : f32 to vector<6400x256xf32>
    %neg3A_48 = arith.subf %neg3A_47, %abs3A : vector<6400x256xf32>
    %exp3A = math.exp %neg3A_48 : vector<6400x256xf32>
    %add3A_49 = arith.constant 1.000000e+00 : f32
    %add3A_50 = vector.broadcast %add3A_49 : f32 to vector<6400x256xf32>
    %add3A_51 = arith.addf %add3A_50, %exp3A : vector<6400x256xf32>
    %log3A = math.log %add3A_51 : vector<6400x256xf32>
    %add3A_52 = arith.addf %max3A_46, %log3A : vector<6400x256xf32>
    %slice3A = vector.extract_strided_slice %add3A_52 {offsets = [0, 0], sizes = [6400, 128], strides = [1, 1]} : vector<6400x256xf32> to vector<6400x128xf32>
    %slice3A_53 = vector.extract_strided_slice %add3A_52 {offsets = [0, 128], sizes = [6400, 128], strides = [1, 1]} : vector<6400x256xf32> to vector<6400x128xf32>
    %get3A_54 = arith.constant 0 : index
    %get3A_55 = arith.constant 0 : index
    %get3A_56 = vector.load %arg9[%get3A_54, %get3A_55] : memref<128x256xf32, #tpu.memory_space<vmem>>, vector<128x256xf32>
    %dot_general3A_57 = arith.constant dense<0.000000e+00> : vector<6400x256xf32>
    %dot_general3A_58 = tpu.matmul %slice3A, %get3A_56, %dot_general3A_57 {dimension_numbers = #tpu.dot_dimension_numbers<[1], [0], [0], [1], [0, 0, 1, 1], [], []>, transpose_lhs_hint = false} : vector<6400x128xf32>, vector<128x256xf32>, vector<6400x256xf32> -> vector<6400x256xf32>
    %get3A_59 = arith.constant 0 : index
    %get3A_60 = arith.constant 0 : index
    %get3A_61 = vector.load %arg10[%get3A_59, %get3A_60] : memref<1x256xf32, #tpu.memory_space<vmem>>, vector<1x256xf32>
    %add3A_62 = vector.broadcast %get3A_61 : vector<1x256xf32> to vector<6400x256xf32>
    %add3A_63 = arith.addf %dot_general3A_58, %add3A_62 : vector<6400x256xf32>
    %slice3A_64 = vector.extract_strided_slice %add3A_63 {offsets = [0, 0], sizes = [6400, 128], strides = [1, 1]} : vector<6400x256xf32> to vector<6400x128xf32>
    %logistic3A = arith.negf %slice3A_64 : vector<6400x128xf32>
    %logistic3A_65 = math.exp %logistic3A : vector<6400x128xf32>
    %logistic3A_66 = arith.constant 1.000000e+00 : f32
    %logistic3A_67 = vector.broadcast %logistic3A_66 : f32 to vector<6400x128xf32>
    %logistic3A_68 = arith.addf %logistic3A_67, %logistic3A_65 : vector<6400x128xf32>
    %logistic3A_69 = arith.divf %logistic3A_67, %logistic3A_68 : vector<6400x128xf32>
    %slice3A_70 = vector.extract_strided_slice %add3A_63 {offsets = [0, 128], sizes = [6400, 128], strides = [1, 1]} : vector<6400x256xf32> to vector<6400x128xf32>
    %max3A_71 = arith.constant 0.000000e+00 : f32
    %max3A_72 = vector.broadcast %max3A_71 : f32 to vector<6400x128xf32>
    %max3A_73 = arith.maximumf %slice3A_70, %max3A_72 : vector<6400x128xf32>
    %abs3A_74 = math.absf %slice3A_70 : vector<6400x128xf32>
    %neg3A_75 = arith.constant 0.000000e+00 : f32
    %neg3A_76 = vector.broadcast %neg3A_75 : f32 to vector<6400x128xf32>
    %neg3A_77 = arith.subf %neg3A_76, %abs3A_74 : vector<6400x128xf32>
    %exp3A_78 = math.exp %neg3A_77 : vector<6400x128xf32>
    %add3A_79 = arith.constant 1.000000e+00 : f32
    %add3A_80 = vector.broadcast %add3A_79 : f32 to vector<6400x128xf32>
    %add3A_81 = arith.addf %add3A_80, %exp3A_78 : vector<6400x128xf32>
    %log3A_82 = math.log %add3A_81 : vector<6400x128xf32>
    %add3A_83 = arith.addf %max3A_73, %log3A_82 : vector<6400x128xf32>
    %mul3A_84 = arith.mulf %logistic3A_69, %add3A_83 : vector<6400x128xf32>
    %reshape3A_85 = vector.shape_cast %mul3A_84 : vector<6400x128xf32> to vector<200x32x128xf32>
    %reduce_sum3A = arith.constant dense<0.000000e+00> : vector<200x128xf32>
    %reduce_sum3A_86 = vector.multi_reduction <add>, %reshape3A_85, %reduce_sum3A [1] : vector<200x32x128xf32> to vector<200x128xf32>
    %broadcast_in_dim3A_87 = vector.shape_cast %get3A_4 : vector<200x128xf32> to vector<200x1x128xf32>
    %broadcast_in_dim3A_88 = vector.shape_cast %broadcast_in_dim3A_87 : vector<200x1x128xf32> to vector<200x1x128xf32>
    %broadcast_in_dim3A_89 = vector.broadcast %broadcast_in_dim3A_88 : vector<200x1x128xf32> to vector<200x32x128xf32>
    %reshape3A_90 = vector.shape_cast %broadcast_in_dim3A_89 : vector<200x32x128xf32> to vector<6400x128xf32>
    %get3A_91 = arith.constant 0 : index
    %get3A_92 = arith.constant 0 : index
    %get3A_93 = vector.load %arg11[%get3A_91, %get3A_92] : memref<128x128xf32, #tpu.memory_space<vmem>>, vector<128x128xf32>
    %dot_general3A_94 = arith.constant dense<0.000000e+00> : vector<6400x128xf32>
    %dot_general3A_95 = tpu.matmul %bitcast_convert_type3A_10, %get3A_93, %dot_general3A_94 {dimension_numbers = #tpu.dot_dimension_numbers<[1], [0], [0], [1], [0, 0, 1, 1], [], []>, transpose_lhs_hint = false} : vector<6400x128xf32>, vector<128x128xf32>, vector<6400x128xf32> -> vector<6400x128xf32>
    %get3A_96 = arith.constant 0 : index
    %get3A_97 = arith.constant 0 : index
    %get3A_98 = vector.load %arg12[%get3A_96, %get3A_97] : memref<1x128xf32, #tpu.memory_space<vmem>>, vector<1x128xf32>
    %add3A_99 = vector.broadcast %get3A_98 : vector<1x128xf32> to vector<6400x128xf32>
    %add3A_100 = arith.addf %dot_general3A_95, %add3A_99 : vector<6400x128xf32>
    %mul3A_101 = arith.mulf %reshape3A_90, %add3A_100 : vector<6400x128xf32>
    %get3A_102 = arith.constant 0 : index
    %get3A_103 = arith.constant 0 : index
    %get3A_104 = vector.load %arg13[%get3A_102, %get3A_103] : memref<128x128xf32, #tpu.memory_space<vmem>>, vector<128x128xf32>
    %dot_general3A_105 = arith.constant dense<0.000000e+00> : vector<200x128xf32>
    %dot_general3A_106 = tpu.matmul %get3A_1, %get3A_104, %dot_general3A_105 {dimension_numbers = #tpu.dot_dimension_numbers<[1], [0], [0], [1], [0, 0, 1, 1], [], []>, transpose_lhs_hint = false} : vector<200x128xf32>, vector<128x128xf32>, vector<200x128xf32> -> vector<200x128xf32>
    %get3A_107 = arith.constant 0 : index
    %get3A_108 = arith.constant 0 : index
    %get3A_109 = vector.load %arg14[%get3A_107, %get3A_108] : memref<1x128xf32, #tpu.memory_space<vmem>>, vector<1x128xf32>
    %add3A_110 = vector.broadcast %get3A_109 : vector<1x128xf32> to vector<200x128xf32>
    %add3A_111 = arith.addf %dot_general3A_106, %add3A_110 : vector<200x128xf32>
    %broadcast_in_dim3A_112 = vector.shape_cast %add3A_111 : vector<200x128xf32> to vector<200x1x128xf32>
    %broadcast_in_dim3A_113 = vector.shape_cast %broadcast_in_dim3A_112 : vector<200x1x128xf32> to vector<200x1x128xf32>
    %broadcast_in_dim3A_114 = vector.broadcast %broadcast_in_dim3A_113 : vector<200x1x128xf32> to vector<200x32x128xf32>
    %reshape3A_115 = vector.shape_cast %broadcast_in_dim3A_114 : vector<200x32x128xf32> to vector<6400x128xf32>
    %mul3A_116 = arith.mulf %reshape3A_115, %bitcast_convert_type3A_13 : vector<6400x128xf32>
    %get3A_117 = arith.constant 0 : index
    %get3A_118 = arith.constant 0 : index
    %get3A_119 = vector.load %arg15[%get3A_117, %get3A_118] : memref<128x128xf32, #tpu.memory_space<vmem>>, vector<128x128xf32>
    %dot_general3A_120 = arith.constant dense<0.000000e+00> : vector<6400x128xf32>
    %dot_general3A_121 = tpu.matmul %mul3A_101, %get3A_119, %dot_general3A_120 {dimension_numbers = #tpu.dot_dimension_numbers<[1], [0], [0], [1], [0, 0, 1, 1], [], []>, transpose_lhs_hint = false} : vector<6400x128xf32>, vector<128x128xf32>, vector<6400x128xf32> -> vector<6400x128xf32>
    %get3A_122 = arith.constant 0 : index
    %get3A_123 = arith.constant 0 : index
    %get3A_124 = vector.load %arg16[%get3A_122, %get3A_123] : memref<128x128xf32, #tpu.memory_space<vmem>>, vector<128x128xf32>
    %dot_general3A_125 = arith.constant dense<0.000000e+00> : vector<6400x128xf32>
    %dot_general3A_126 = tpu.matmul %mul3A_116, %get3A_124, %dot_general3A_125 {dimension_numbers = #tpu.dot_dimension_numbers<[1], [0], [0], [1], [0, 0, 1, 1], [], []>, transpose_lhs_hint = false} : vector<6400x128xf32>, vector<128x128xf32>, vector<6400x128xf32> -> vector<6400x128xf32>
    %add3A_127 = arith.addf %dot_general3A_121, %dot_general3A_126 : vector<6400x128xf32>
    %tanh3A = math.tanh %add3A_127 : vector<6400x128xf32>
    %get3A_128 = arith.constant 0 : index
    %get3A_129 = arith.constant 0 : index
    %get3A_130 = vector.load %arg17[%get3A_128, %get3A_129] : memref<128x128xf32, #tpu.memory_space<vmem>>, vector<128x128xf32>
    %dot_general3A_131 = arith.constant dense<0.000000e+00> : vector<6400x128xf32>
    %dot_general3A_132 = tpu.matmul %slice3A_53, %get3A_130, %dot_general3A_131 {dimension_numbers = #tpu.dot_dimension_numbers<[1], [0], [0], [1], [0, 0, 1, 1], [], []>, transpose_lhs_hint = false} : vector<6400x128xf32>, vector<128x128xf32>, vector<6400x128xf32> -> vector<6400x128xf32>
    %get3A_133 = arith.constant 0 : index
    %get3A_134 = arith.constant 0 : index
    %get3A_135 = vector.load %arg18[%get3A_133, %get3A_134] : memref<1x128xf32, #tpu.memory_space<vmem>>, vector<1x128xf32>
    %add3A_136 = vector.broadcast %get3A_135 : vector<1x128xf32> to vector<6400x128xf32>
    %add3A_137 = arith.addf %dot_general3A_132, %add3A_136 : vector<6400x128xf32>
    %logistic3A_138 = arith.negf %add3A_137 : vector<6400x128xf32>
    %logistic3A_139 = math.exp %logistic3A_138 : vector<6400x128xf32>
    %logistic3A_140 = arith.constant 1.000000e+00 : f32
    %logistic3A_141 = vector.broadcast %logistic3A_140 : f32 to vector<6400x128xf32>
    %logistic3A_142 = arith.addf %logistic3A_141, %logistic3A_139 : vector<6400x128xf32>
    %logistic3A_143 = arith.divf %logistic3A_141, %logistic3A_142 : vector<6400x128xf32>
    %mul3A_144 = arith.mulf %logistic3A_143, %tanh3A : vector<6400x128xf32>
    %reshape3A_145 = vector.shape_cast %mul3A_144 : vector<6400x128xf32> to vector<200x32x128xf32>
    %reduce_sum3A_146 = arith.constant dense<0.000000e+00> : vector<200x128xf32>
    %reduce_sum3A_147 = vector.multi_reduction <add>, %reshape3A_145, %reduce_sum3A_146 [1] : vector<200x32x128xf32> to vector<200x128xf32>
    %add3A_148 = arith.addf %get3A_1, %reduce_sum3A_86 : vector<200x128xf32>
    %swap3A = arith.constant 0 : index
    %swap3A_149 = arith.constant 0 : index
    %swap3A_150 = vector.load %arg19[%swap3A, %swap3A_149] : memref<200x128xf32, #tpu.memory_space<vmem>>, vector<200x128xf32>
    tpu.vector_store %arg19[%swap3A, %swap3A_149], %add3A_148 {strides = array<i32>} : memref<200x128xf32, #tpu.memory_space<vmem>>, vector<200x128xf32>,
    %add3A_151 = arith.addf %get3A_4, %reduce_sum3A_147 : vector<200x128xf32>
    %swap3A_152 = arith.constant 0 : index
    %swap3A_153 = arith.constant 0 : index
    %swap3A_154 = vector.load %arg20[%swap3A_152, %swap3A_153] : memref<200x128xf32, #tpu.memory_space<vmem>>, vector<200x128xf32>
    tpu.vector_store %arg20[%swap3A_152, %swap3A_153], %add3A_151 {strides = array<i32>} : memref<200x128xf32, #tpu.memory_space<vmem>>, vector<200x128xf32>,
    return
  }
  func.func @transform_0(%arg0: i32) -> (i32, i32) {
    %c0_i32 = arith.constant 0 : i32
    %c0_i32_0 = arith.constant 0 : i32
    return %arg0, %c0_i32 : i32, i32
  }
  func.func @transform_1(%arg0: i32) -> (i32, i32, i32) {
    %add3A = arith.constant 4 : i32
    %add3A_0 = arith.addi %arg0, %add3A : i32
    %c0_i32 = arith.constant 0 : i32
    %c0_i32_1 = arith.constant 0 : i32
    %c0_i32_2 = arith.constant 0 : i32
    return %add3A_0, %c0_i32, %c0_i32_1 : i32, i32, i32
  }
  func.func @transform_2(%arg0: i32) -> (i32, i32) {
    %add3A = arith.constant 4 : i32
    %add3A_0 = arith.addi %arg0, %add3A : i32
    %c0_i32 = arith.constant 0 : i32
    %c0_i32_1 = arith.constant 0 : i32
    return %add3A_0, %c0_i32 : i32, i32
  }
  func.func @transform_3(%arg0: i32) -> (i32, i32) {
    %add3A = arith.constant 4 : i32
    %add3A_0 = arith.addi %arg0, %add3A : i32
    %c0_i32 = arith.constant 0 : i32
    %c0_i32_1 = arith.constant 0 : i32
    return %add3A_0, %c0_i32 : i32, i32
  }
  func.func @transform_4(%arg0: i32) -> (i32, i32) {
    %c0_i32 = arith.constant 0 : i32
    %c0_i32_0 = arith.constant 0 : i32
    %c0_i32_1 = arith.constant 0 : i32
    return %c0_i32, %c0_i32_0 : i32, i32
  }
  func.func @transform_5(%arg0: i32) -> (i32, i32) {
    %c0_i32 = arith.constant 0 : i32
    %c0_i32_0 = arith.constant 0 : i32
    %c0_i32_1 = arith.constant 0 : i32
    return %c0_i32, %c0_i32_0 : i32, i32
  }
  func.func @transform_6(%arg0: i32) -> (i32, i32) {
    %c0_i32 = arith.constant 0 : i32
    %c0_i32_0 = arith.constant 0 : i32
    %c0_i32_1 = arith.constant 0 : i32
    return %c0_i32, %c0_i32_0 : i32, i32
  }
  func.func @transform_7(%arg0: i32) -> (i32, i32) {
    %c0_i32 = arith.constant 0 : i32
    %c0_i32_0 = arith.constant 0 : i32
    %c0_i32_1 = arith.constant 0 : i32
    return %c0_i32, %c0_i32_0 : i32, i32
  }
  func.func @transform_8(%arg0: i32) -> (i32, i32) {
    %c0_i32 = arith.constant 0 : i32
    %c0_i32_0 = arith.constant 0 : i32
    %c0_i32_1 = arith.constant 0 : i32
    return %c0_i32, %c0_i32_0 : i32, i32
  }
  func.func @transform_9(%arg0: i32) -> (i32, i32) {
    %c0_i32 = arith.constant 0 : i32
    %c0_i32_0 = arith.constant 0 : i32
    %c0_i32_1 = arith.constant 0 : i32
    return %c0_i32, %c0_i32_0 : i32, i32
  }
  func.func @transform_10(%arg0: i32) -> (i32, i32) {
    %c0_i32 = arith.constant 0 : i32
    %c0_i32_0 = arith.constant 0 : i32
    %c0_i32_1 = arith.constant 0 : i32
    return %c0_i32, %c0_i32_0 : i32, i32
  }
  func.func @transform_11(%arg0: i32) -> (i32, i32) {
    %c0_i32 = arith.constant 0 : i32
    %c0_i32_0 = arith.constant 0 : i32
    %c0_i32_1 = arith.constant 0 : i32
    return %c0_i32, %c0_i32_0 : i32, i32
  }
  func.func @transform_12(%arg0: i32) -> (i32, i32) {
    %c0_i32 = arith.constant 0 : i32
    %c0_i32_0 = arith.constant 0 : i32
    %c0_i32_1 = arith.constant 0 : i32
    return %c0_i32, %c0_i32_0 : i32, i32
  }
  func.func @transform_13(%arg0: i32) -> (i32, i32) {
    %c0_i32 = arith.constant 0 : i32
    %c0_i32_0 = arith.constant 0 : i32
    %c0_i32_1 = arith.constant 0 : i32
    return %c0_i32, %c0_i32_0 : i32, i32
  }
  func.func @transform_14(%arg0: i32) -> (i32, i32) {
    %c0_i32 = arith.constant 0 : i32
    %c0_i32_0 = arith.constant 0 : i32
    %c0_i32_1 = arith.constant 0 : i32
    return %c0_i32, %c0_i32_0 : i32, i32
  }
  func.func @transform_15(%arg0: i32) -> (i32, i32) {
    %c0_i32 = arith.constant 0 : i32
    %c0_i32_0 = arith.constant 0 : i32
    %c0_i32_1 = arith.constant 0 : i32
    return %c0_i32, %c0_i32_0 : i32, i32
  }
  func.func @transform_16(%arg0: i32) -> (i32, i32) {
    %c0_i32 = arith.constant 0 : i32
    %c0_i32_0 = arith.constant 0 : i32
    %c0_i32_1 = arith.constant 0 : i32
    return %c0_i32, %c0_i32_0 : i32, i32
  }
  func.func @transform_17(%arg0: i32) -> (i32, i32) {
    %c0_i32 = arith.constant 0 : i32
    %c0_i32_0 = arith.constant 0 : i32
    %c0_i32_1 = arith.constant 0 : i32
    return %c0_i32, %c0_i32_0 : i32, i32
  }
  func.func @transform_18(%arg0: i32) -> (i32, i32) {
    %c0_i32 = arith.constant 0 : i32
    %c0_i32_0 = arith.constant 0 : i32
    return %arg0, %c0_i32 : i32, i32
  }
  func.func @transform_19(%arg0: i32) -> (i32, i32) {
    %c0_i32 = arith.constant 0 : i32
    %c0_i32_0 = arith.constant 0 : i32
    return %arg0, %c0_i32 : i32, i32
  }
}

module attributes {stable_mosaic.version = 14 : i64} {
  func.func @_tc_body(%arg0: i32, %arg1: memref<6400x128xf32, #tpu.memory_space<vmem>>, %arg2: memref<200x32x16xf32, #tpu.memory_space<vmem>>, %arg3: memref<200x128xf32, #tpu.memory_space<vmem>>, %arg4: memref<200x128xf32, #tpu.memory_space<vmem>>, %arg5: memref<256x256xf32, #tpu.memory_space<vmem>>, %arg6: memref<16x256xf32, #tpu.memory_space<vmem>>, %arg7: memref<128x256xf32, #tpu.memory_space<vmem>>, %arg8: memref<1x256xf32, #tpu.memory_space<vmem>>, %arg9: memref<128x256xf32, #tpu.memory_space<vmem>>, %arg10: memref<1x256xf32, #tpu.memory_space<vmem>>, %arg11: memref<128x128xf32, #tpu.memory_space<vmem>>, %arg12: memref<1x128xf32, #tpu.memory_space<vmem>>, %arg13: memref<128x128xf32, #tpu.memory_space<vmem>>, %arg14: memref<1x128xf32, #tpu.memory_space<vmem>>, %arg15: memref<128x128xf32, #tpu.memory_space<vmem>>, %arg16: memref<128x128xf32, #tpu.memory_space<vmem>>, %arg17: memref<128x128xf32, #tpu.memory_space<vmem>>, %arg18: memref<1x128xf32, #tpu.memory_space<vmem>>, %arg19: memref<200x128xf32, #tpu.memory_space<vmem>>, %arg20: memref<200x128xf32, #tpu.memory_space<vmem>>) attributes {dimension_semantics = [#tpu.dimension_semantics<arbitrary>], iteration_bounds = array<i64: 12>, scalar_prefetch = 0 : i64, scratch_operands = 0 : i64, tpu.core_type = #tpu.core_type<tc>, window_params = [{transform_indices = @transform_0, window_bounds = array<i64: 6400, 128>}, {transform_indices = @transform_1, window_bounds = array<i64: 200, 32, 16>}, {transform_indices = @transform_2, window_bounds = array<i64: 200, 128>}, {transform_indices = @transform_3, window_bounds = array<i64: 200, 128>}, {pipeline_mode = #tpu.pipeline_mode<synchronous>, transform_indices = @transform_4, window_bounds = array<i64: 256, 256>}, {pipeline_mode = #tpu.pipeline_mode<synchronous>, transform_indices = @transform_5, window_bounds = array<i64: 16, 256>}, {pipeline_mode = #tpu.pipeline_mode<synchronous>, transform_indices = @transform_6, window_bounds = array<i64: 128, 256>}, {pipeline_mode = #tpu.pipeline_mode<synchronous>, transform_indices = @transform_7, window_bounds = array<i64: 1, 256>}, {pipeline_mode = #tpu.pipeline_mode<synchronous>, transform_indices = @transform_8, window_bounds = array<i64: 128, 256>}, {pipeline_mode = #tpu.pipeline_mode<synchronous>, transform_indices = @transform_9, window_bounds = array<i64: 1, 256>}, {pipeline_mode = #tpu.pipeline_mode<synchronous>, transform_indices = @transform_10, window_bounds = array<i64: 128, 128>}, {pipeline_mode = #tpu.pipeline_mode<synchronous>, transform_indices = @transform_11, window_bounds = array<i64: 1, 128>}, {pipeline_mode = #tpu.pipeline_mode<synchronous>, transform_indices = @transform_12, window_bounds = array<i64: 128, 128>}, {pipeline_mode = #tpu.pipeline_mode<synchronous>, transform_indices = @transform_13, window_bounds = array<i64: 1, 128>}, {pipeline_mode = #tpu.pipeline_mode<synchronous>, transform_indices = @transform_14, window_bounds = array<i64: 128, 128>}, {pipeline_mode = #tpu.pipeline_mode<synchronous>, transform_indices = @transform_15, window_bounds = array<i64: 128, 128>}, {pipeline_mode = #tpu.pipeline_mode<synchronous>, transform_indices = @transform_16, window_bounds = array<i64: 128, 128>}, {pipeline_mode = #tpu.pipeline_mode<synchronous>, transform_indices = @transform_17, window_bounds = array<i64: 1, 128>}, {transform_indices = @transform_18, window_bounds = array<i64: 200, 128>}, {transform_indices = @transform_19, window_bounds = array<i64: 200, 128>}]} {
    %get3A = arith.constant 0 : index
    %get3A_0 = arith.constant 0 : index
    %get3A_1 = vector.load %arg3[%get3A, %get3A_0] : memref<200x128xf32, #tpu.memory_space<vmem>>, vector<200x128xf32>
    %get3A_2 = arith.constant 0 : index
    %get3A_3 = arith.constant 0 : index
    %get3A_4 = vector.load %arg4[%get3A_2, %get3A_3] : memref<200x128xf32, #tpu.memory_space<vmem>>, vector<200x128xf32>
    %get3A_5 = arith.constant 0 : index
    %get3A_6 = arith.constant 0 : index
    %get3A_7 = vector.load %arg1[%get3A_5, %get3A_6] : memref<6400x128xf32, #tpu.memory_space<vmem>>, vector<6400x128xf32>
    %bitcast_convert_type3A = tpu.bitcast %get3A_7 : vector<6400x128xf32> -> vector<6400x128xi32>
    %shift_left3A = arith.constant 16 : i32
    %shift_left3A_8 = vector.broadcast %shift_left3A : i32 to vector<6400x128xi32>
    %shift_left3A_9 = arith.shli %bitcast_convert_type3A, %shift_left3A_8 : vector<6400x128xi32>
    %bitcast_convert_type3A_10 = tpu.bitcast %shift_left3A_9 : vector<6400x128xi32> -> vector<6400x128xf32>
    %and3A = arith.constant -65536 : i32
    %and3A_11 = vector.broadcast %and3A : i32 to vector<6400x128xi32>
    %and3A_12 = arith.andi %bitcast_convert_type3A, %and3A_11 : vector<6400x128xi32>
    %bitcast_convert_type3A_13 = tpu.bitcast %and3A_12 : vector<6400x128xi32> -> vector<6400x128xf32>
    %get3A_14 = arith.constant 0 : index
    %get3A_15 = arith.constant 0 : index
    %get3A_16 = arith.constant 0 : index
    %get3A_17 = vector.load %arg2[%get3A_14, %get3A_15, %get3A_16] : memref<200x32x16xf32, #tpu.memory_space<vmem>>, vector<200x32x16xf32>
    %reshape3A = vector.shape_cast %get3A_17 : vector<200x32x16xf32> to vector<6400x16xf32>
    %broadcast_in_dim3A = vector.shape_cast %get3A_4 : vector<200x128xf32> to vector<200x1x128xf32>
    %broadcast_in_dim3A_18 = vector.shape_cast %broadcast_in_dim3A : vector<200x1x128xf32> to vector<200x1x128xf32>
    %broadcast_in_dim3A_19 = vector.broadcast %broadcast_in_dim3A_18 : vector<200x1x128xf32> to vector<200x32x128xf32>
    %reshape3A_20 = vector.shape_cast %broadcast_in_dim3A_19 : vector<200x32x128xf32> to vector<6400x128xf32>
    %mul3A = arith.mulf %reshape3A_20, %bitcast_convert_type3A_13 : vector<6400x128xf32>
    %concatenate3A = tpu.concatenate %bitcast_convert_type3A_10, %mul3A in 1 : vector<6400x128xf32>, vector<6400x128xf32> -> vector<6400x256xf32>
    %get3A_21 = arith.constant 0 : index
    %get3A_22 = arith.constant 0 : index
    %get3A_23 = vector.load %arg5[%get3A_21, %get3A_22] : memref<256x256xf32, #tpu.memory_space<vmem>>, vector<256x256xf32>
    %dot_general3A = arith.constant dense<0.000000e+00> : vector<6400x256xf32>
    %dot_general3A_24 = tpu.matmul %concatenate3A, %get3A_23, %dot_general3A {dimension_numbers = #tpu.dot_dimension_numbers<[1], [0], [0], [1], [0, 0, 1, 1], [], []>, transpose_lhs_hint = false} : vector<6400x256xf32>, vector<256x256xf32>, vector<6400x256xf32> -> vector<6400x256xf32>
    %get3A_25 = arith.constant 0 : index
    %get3A_26 = arith.constant 0 : index
    %get3A_27 = vector.load %arg6[%get3A_25, %get3A_26] : memref<16x256xf32, #tpu.memory_space<vmem>>, vector<16x256xf32>
    %dot_general3A_28 = arith.constant dense<0.000000e+00> : vector<6400x256xf32>
    %dot_general3A_29 = tpu.matmul %reshape3A, %get3A_27, %dot_general3A_28 {dimension_numbers = #tpu.dot_dimension_numbers<[1], [0], [0], [1], [0, 0, 1, 1], [], []>, transpose_lhs_hint = false} : vector<6400x16xf32>, vector<16x256xf32>, vector<6400x256xf32> -> vector<6400x256xf32>
    %add3A = arith.addf %dot_general3A_24, %dot_general3A_29 : vector<6400x256xf32>
    %get3A_30 = arith.constant 0 : index
    %get3A_31 = arith.constant 0 : index
    %get3A_32 = vector.load %arg7[%get3A_30, %get3A_31] : memref<128x256xf32, #tpu.memory_space<vmem>>, vector<128x256xf32>
    %dot_general3A_33 = arith.constant dense<0.000000e+00> : vector<200x256xf32>
    %dot_general3A_34 = tpu.matmul %get3A_1, %get3A_32, %dot_general3A_33 {dimension_numbers = #tpu.dot_dimension_numbers<[1], [0], [0], [1], [0, 0, 1, 1], [], []>, transpose_lhs_hint = false} : vector<200x128xf32>, vector<128x256xf32>, vector<200x256xf32> -> vector<200x256xf32>
    %broadcast_in_dim3A_35 = vector.shape_cast %dot_general3A_34 : vector<200x256xf32> to vector<200x1x256xf32>
    %broadcast_in_dim3A_36 = vector.shape_cast %broadcast_in_dim3A_35 : vector<200x1x256xf32> to vector<200x1x256xf32>
    %broadcast_in_dim3A_37 = vector.broadcast %broadcast_in_dim3A_36 : vector<200x1x256xf32> to vector<200x32x256xf32>
    %reshape3A_38 = vector.shape_cast %broadcast_in_dim3A_37 : vector<200x32x256xf32> to vector<6400x256xf32>
    %add3A_39 = arith.addf %add3A, %reshape3A_38 : vector<6400x256xf32>
    %get3A_40 = arith.constant 0 : index
    %get3A_41 = arith.constant 0 : index
    %get3A_42 = vector.load %arg8[%get3A_40, %get3A_41] : memref<1x256xf32, #tpu.memory_space<vmem>>, vector<1x256xf32>
    %add3A_43 = vector.broadcast %get3A_42 : vector<1x256xf32> to vector<6400x256xf32>
    %add3A_44 = arith.addf %add3A_39, %add3A_43 : vector<6400x256xf32>
    %max3A = arith.constant 0.000000e+00 : f32
    %max3A_45 = vector.broadcast %max3A : f32 to vector<6400x256xf32>
    %max3A_46 = arith.maximumf %add3A_44, %max3A_45 : vector<6400x256xf32>
    %abs3A = math.absf %add3A_44 : vector<6400x256xf32>
    %neg3A = arith.constant 0.000000e+00 : f32
    %neg3A_47 = vector.broadcast %neg3A : f32 to vector<6400x256xf32>
    %neg3A_48 = arith.subf %neg3A_47, %abs3A : vector<6400x256xf32>
    %exp3A = math.exp %neg3A_48 : vector<6400x256xf32>
    %add3A_49 = arith.constant 1.000000e+00 : f32
    %add3A_50 = vector.broadcast %add3A_49 : f32 to vector<6400x256xf32>
    %add3A_51 = arith.addf %add3A_50, %exp3A : vector<6400x256xf32>
    %log3A = math.log %add3A_51 : vector<6400x256xf32>
    %add3A_52 = arith.addf %max3A_46, %log3A : vector<6400x256xf32>
    %slice3A = vector.extract_strided_slice %add3A_52 {offsets = [0, 0], sizes = [6400, 128], strides = [1, 1]} : vector<6400x256xf32> to vector<6400x128xf32>
    %slice3A_53 = vector.extract_strided_slice %add3A_52 {offsets = [0, 128], sizes = [6400, 128], strides = [1, 1]} : vector<6400x256xf32> to vector<6400x128xf32>
    %get3A_54 = arith.constant 0 : index
    %get3A_55 = arith.constant 0 : index
    %get3A_56 = vector.load %arg9[%get3A_54, %get3A_55] : memref<128x256xf32, #tpu.memory_space<vmem>>, vector<128x256xf32>
    %dot_general3A_57 = arith.constant dense<0.000000e+00> : vector<6400x256xf32>
    %dot_general3A_58 = tpu.matmul %slice3A, %get3A_56, %dot_general3A_57 {dimension_numbers = #tpu.dot_dimension_numbers<[1], [0], [0], [1], [0, 0, 1, 1], [], []>, transpose_lhs_hint = false} : vector<6400x128xf32>, vector<128x256xf32>, vector<6400x256xf32> -> vector<6400x256xf32>
    %get3A_59 = arith.constant 0 : index
    %get3A_60 = arith.constant 0 : index
    %get3A_61 = vector.load %arg10[%get3A_59, %get3A_60] : memref<1x256xf32, #tpu.memory_space<vmem>>, vector<1x256xf32>
    %add3A_62 = vector.broadcast %get3A_61 : vector<1x256xf32> to vector<6400x256xf32>
    %add3A_63 = arith.addf %dot_general3A_58, %add3A_62 : vector<6400x256xf32>
    %slice3A_64 = vector.extract_strided_slice %add3A_63 {offsets = [0, 0], sizes = [6400, 128], strides = [1, 1]} : vector<6400x256xf32> to vector<6400x128xf32>
    %logistic3A = arith.negf %slice3A_64 : vector<6400x128xf32>
    %logistic3A_65 = math.exp %logistic3A : vector<6400x128xf32>
    %logistic3A_66 = arith.constant 1.000000e+00 : f32
    %logistic3A_67 = vector.broadcast %logistic3A_66 : f32 to vector<6400x128xf32>
    %logistic3A_68 = arith.addf %logistic3A_67, %logistic3A_65 : vector<6400x128xf32>
    %logistic3A_69 = arith.divf %logistic3A_67, %logistic3A_68 : vector<6400x128xf32>
    %slice3A_70 = vector.extract_strided_slice %add3A_63 {offsets = [0, 128], sizes = [6400, 128], strides = [1, 1]} : vector<6400x256xf32> to vector<6400x128xf32>
    %max3A_71 = arith.constant 0.000000e+00 : f32
    %max3A_72 = vector.broadcast %max3A_71 : f32 to vector<6400x128xf32>
    %max3A_73 = arith.maximumf %slice3A_70, %max3A_72 : vector<6400x128xf32>
    %abs3A_74 = math.absf %slice3A_70 : vector<6400x128xf32>
    %neg3A_75 = arith.constant 0.000000e+00 : f32
    %neg3A_76 = vector.broadcast %neg3A_75 : f32 to vector<6400x128xf32>
    %neg3A_77 = arith.subf %neg3A_76, %abs3A_74 : vector<6400x128xf32>
    %exp3A_78 = math.exp %neg3A_77 : vector<6400x128xf32>
    %add3A_79 = arith.constant 1.000000e+00 : f32
    %add3A_80 = vector.broadcast %add3A_79 : f32 to vector<6400x128xf32>
    %add3A_81 = arith.addf %add3A_80, %exp3A_78 : vector<6400x128xf32>
    %log3A_82 = math.log %add3A_81 : vector<6400x128xf32>
    %add3A_83 = arith.addf %max3A_73, %log3A_82 : vector<6400x128xf32>
    %mul3A_84 = arith.mulf %logistic3A_69, %add3A_83 : vector<6400x128xf32>
    %reshape3A_85 = vector.shape_cast %mul3A_84 : vector<6400x128xf32> to vector<200x32x128xf32>
    %reduce_sum3A = arith.constant dense<0.000000e+00> : vector<200x128xf32>
    %reduce_sum3A_86 = vector.multi_reduction <add>, %reshape3A_85, %reduce_sum3A [1] : vector<200x32x128xf32> to vector<200x128xf32>
    %broadcast_in_dim3A_87 = vector.shape_cast %get3A_4 : vector<200x128xf32> to vector<200x1x128xf32>
    %broadcast_in_dim3A_88 = vector.shape_cast %broadcast_in_dim3A_87 : vector<200x1x128xf32> to vector<200x1x128xf32>
    %broadcast_in_dim3A_89 = vector.broadcast %broadcast_in_dim3A_88 : vector<200x1x128xf32> to vector<200x32x128xf32>
    %reshape3A_90 = vector.shape_cast %broadcast_in_dim3A_89 : vector<200x32x128xf32> to vector<6400x128xf32>
    %get3A_91 = arith.constant 0 : index
    %get3A_92 = arith.constant 0 : index
    %get3A_93 = vector.load %arg11[%get3A_91, %get3A_92] : memref<128x128xf32, #tpu.memory_space<vmem>>, vector<128x128xf32>
    %dot_general3A_94 = arith.constant dense<0.000000e+00> : vector<6400x128xf32>
    %dot_general3A_95 = tpu.matmul %bitcast_convert_type3A_10, %get3A_93, %dot_general3A_94 {dimension_numbers = #tpu.dot_dimension_numbers<[1], [0], [0], [1], [0, 0, 1, 1], [], []>, transpose_lhs_hint = false} : vector<6400x128xf32>, vector<128x128xf32>, vector<6400x128xf32> -> vector<6400x128xf32>
    %get3A_96 = arith.constant 0 : index
    %get3A_97 = arith.constant 0 : index
    %get3A_98 = vector.load %arg12[%get3A_96, %get3A_97] : memref<1x128xf32, #tpu.memory_space<vmem>>, vector<1x128xf32>
    %add3A_99 = vector.broadcast %get3A_98 : vector<1x128xf32> to vector<6400x128xf32>
    %add3A_100 = arith.addf %dot_general3A_95, %add3A_99 : vector<6400x128xf32>
    %mul3A_101 = arith.mulf %reshape3A_90, %add3A_100 : vector<6400x128xf32>
    %get3A_102 = arith.constant 0 : index
    %get3A_103 = arith.constant 0 : index
    %get3A_104 = vector.load %arg13[%get3A_102, %get3A_103] : memref<128x128xf32, #tpu.memory_space<vmem>>, vector<128x128xf32>
    %dot_general3A_105 = arith.constant dense<0.000000e+00> : vector<200x128xf32>
    %dot_general3A_106 = tpu.matmul %get3A_1, %get3A_104, %dot_general3A_105 {dimension_numbers = #tpu.dot_dimension_numbers<[1], [0], [0], [1], [0, 0, 1, 1], [], []>, transpose_lhs_hint = false} : vector<200x128xf32>, vector<128x128xf32>, vector<200x128xf32> -> vector<200x128xf32>
    %get3A_107 = arith.constant 0 : index
    %get3A_108 = arith.constant 0 : index
    %get3A_109 = vector.load %arg14[%get3A_107, %get3A_108] : memref<1x128xf32, #tpu.memory_space<vmem>>, vector<1x128xf32>
    %add3A_110 = vector.broadcast %get3A_109 : vector<1x128xf32> to vector<200x128xf32>
    %add3A_111 = arith.addf %dot_general3A_106, %add3A_110 : vector<200x128xf32>
    %broadcast_in_dim3A_112 = vector.shape_cast %add3A_111 : vector<200x128xf32> to vector<200x1x128xf32>
    %broadcast_in_dim3A_113 = vector.shape_cast %broadcast_in_dim3A_112 : vector<200x1x128xf32> to vector<200x1x128xf32>
    %broadcast_in_dim3A_114 = vector.broadcast %broadcast_in_dim3A_113 : vector<200x1x128xf32> to vector<200x32x128xf32>
    %reshape3A_115 = vector.shape_cast %broadcast_in_dim3A_114 : vector<200x32x128xf32> to vector<6400x128xf32>
    %mul3A_116 = arith.mulf %reshape3A_115, %bitcast_convert_type3A_13 : vector<6400x128xf32>
    %get3A_117 = arith.constant 0 : index
    %get3A_118 = arith.constant 0 : index
    %get3A_119 = vector.load %arg15[%get3A_117, %get3A_118] : memref<128x128xf32, #tpu.memory_space<vmem>>, vector<128x128xf32>
    %dot_general3A_120 = arith.constant dense<0.000000e+00> : vector<6400x128xf32>
    %dot_general3A_121 = tpu.matmul %mul3A_101, %get3A_119, %dot_general3A_120 {dimension_numbers = #tpu.dot_dimension_numbers<[1], [0], [0], [1], [0, 0, 1, 1], [], []>, transpose_lhs_hint = false} : vector<6400x128xf32>, vector<128x128xf32>, vector<6400x128xf32> -> vector<6400x128xf32>
    %get3A_122 = arith.constant 0 : index
    %get3A_123 = arith.constant 0 : index
    %get3A_124 = vector.load %arg16[%get3A_122, %get3A_123] : memref<128x128xf32, #tpu.memory_space<vmem>>, vector<128x128xf32>
    %dot_general3A_125 = arith.constant dense<0.000000e+00> : vector<6400x128xf32>
    %dot_general3A_126 = tpu.matmul %mul3A_116, %get3A_124, %dot_general3A_125 {dimension_numbers = #tpu.dot_dimension_numbers<[1], [0], [0], [1], [0, 0, 1, 1], [], []>, transpose_lhs_hint = false} : vector<6400x128xf32>, vector<128x128xf32>, vector<6400x128xf32> -> vector<6400x128xf32>
    %add3A_127 = arith.addf %dot_general3A_121, %dot_general3A_126 : vector<6400x128xf32>
    %tanh3A = math.tanh %add3A_127 : vector<6400x128xf32>
    %get3A_128 = arith.constant 0 : index
    %get3A_129 = arith.constant 0 : index
    %get3A_130 = vector.load %arg17[%get3A_128, %get3A_129] : memref<128x128xf32, #tpu.memory_space<vmem>>, vector<128x128xf32>
    %dot_general3A_131 = arith.constant dense<0.000000e+00> : vector<6400x128xf32>
    %dot_general3A_132 = tpu.matmul %slice3A_53, %get3A_130, %dot_general3A_131 {dimension_numbers = #tpu.dot_dimension_numbers<[1], [0], [0], [1], [0, 0, 1, 1], [], []>, transpose_lhs_hint = false} : vector<6400x128xf32>, vector<128x128xf32>, vector<6400x128xf32> -> vector<6400x128xf32>
    %get3A_133 = arith.constant 0 : index
    %get3A_134 = arith.constant 0 : index
    %get3A_135 = vector.load %arg18[%get3A_133, %get3A_134] : memref<1x128xf32, #tpu.memory_space<vmem>>, vector<1x128xf32>
    %add3A_136 = vector.broadcast %get3A_135 : vector<1x128xf32> to vector<6400x128xf32>
    %add3A_137 = arith.addf %dot_general3A_132, %add3A_136 : vector<6400x128xf32>
    %logistic3A_138 = arith.negf %add3A_137 : vector<6400x128xf32>
    %logistic3A_139 = math.exp %logistic3A_138 : vector<6400x128xf32>
    %logistic3A_140 = arith.constant 1.000000e+00 : f32
    %logistic3A_141 = vector.broadcast %logistic3A_140 : f32 to vector<6400x128xf32>
    %logistic3A_142 = arith.addf %logistic3A_141, %logistic3A_139 : vector<6400x128xf32>
    %logistic3A_143 = arith.divf %logistic3A_141, %logistic3A_142 : vector<6400x128xf32>
    %mul3A_144 = arith.mulf %logistic3A_143, %tanh3A : vector<6400x128xf32>
    %reshape3A_145 = vector.shape_cast %mul3A_144 : vector<6400x128xf32> to vector<200x32x128xf32>
    %reduce_sum3A_146 = arith.constant dense<0.000000e+00> : vector<200x128xf32>
    %reduce_sum3A_147 = vector.multi_reduction <add>, %reshape3A_145, %reduce_sum3A_146 [1] : vector<200x32x128xf32> to vector<200x128xf32>
    %add3A_148 = arith.addf %get3A_1, %reduce_sum3A_86 : vector<200x128xf32>
    %swap3A = arith.constant 0 : index
    %swap3A_149 = arith.constant 0 : index
    %swap3A_150 = vector.load %arg19[%swap3A, %swap3A_149] : memref<200x128xf32, #tpu.memory_space<vmem>>, vector<200x128xf32>
    tpu.vector_store %arg19[%swap3A, %swap3A_149], %add3A_148 {strides = array<i32>} : memref<200x128xf32, #tpu.memory_space<vmem>>, vector<200x128xf32>,
    %add3A_151 = arith.addf %get3A_4, %reduce_sum3A_147 : vector<200x128xf32>
    %swap3A_152 = arith.constant 0 : index
    %swap3A_153 = arith.constant 0 : index
    %swap3A_154 = vector.load %arg20[%swap3A_152, %swap3A_153] : memref<200x128xf32, #tpu.memory_space<vmem>>, vector<200x128xf32>
    tpu.vector_store %arg20[%swap3A_152, %swap3A_153], %add3A_151 {strides = array<i32>} : memref<200x128xf32, #tpu.memory_space<vmem>>, vector<200x128xf32>,
    return
  }
  func.func @transform_0(%arg0: i32) -> (i32, i32) {
    %c0_i32 = arith.constant 0 : i32
    %c0_i32_0 = arith.constant 0 : i32
    return %arg0, %c0_i32 : i32, i32
  }
  func.func @transform_1(%arg0: i32) -> (i32, i32, i32) {
    %add3A = arith.constant 12 : i32
    %add3A_0 = arith.addi %arg0, %add3A : i32
    %c0_i32 = arith.constant 0 : i32
    %c0_i32_1 = arith.constant 0 : i32
    %c0_i32_2 = arith.constant 0 : i32
    return %add3A_0, %c0_i32, %c0_i32_1 : i32, i32, i32
  }
  func.func @transform_2(%arg0: i32) -> (i32, i32) {
    %add3A = arith.constant 12 : i32
    %add3A_0 = arith.addi %arg0, %add3A : i32
    %c0_i32 = arith.constant 0 : i32
    %c0_i32_1 = arith.constant 0 : i32
    return %add3A_0, %c0_i32 : i32, i32
  }
  func.func @transform_3(%arg0: i32) -> (i32, i32) {
    %add3A = arith.constant 12 : i32
    %add3A_0 = arith.addi %arg0, %add3A : i32
    %c0_i32 = arith.constant 0 : i32
    %c0_i32_1 = arith.constant 0 : i32
    return %add3A_0, %c0_i32 : i32, i32
  }
  func.func @transform_4(%arg0: i32) -> (i32, i32) {
    %c0_i32 = arith.constant 0 : i32
    %c0_i32_0 = arith.constant 0 : i32
    %c0_i32_1 = arith.constant 0 : i32
    return %c0_i32, %c0_i32_0 : i32, i32
  }
  func.func @transform_5(%arg0: i32) -> (i32, i32) {
    %c0_i32 = arith.constant 0 : i32
    %c0_i32_0 = arith.constant 0 : i32
    %c0_i32_1 = arith.constant 0 : i32
    return %c0_i32, %c0_i32_0 : i32, i32
  }
  func.func @transform_6(%arg0: i32) -> (i32, i32) {
    %c0_i32 = arith.constant 0 : i32
    %c0_i32_0 = arith.constant 0 : i32
    %c0_i32_1 = arith.constant 0 : i32
    return %c0_i32, %c0_i32_0 : i32, i32
  }
  func.func @transform_7(%arg0: i32) -> (i32, i32) {
    %c0_i32 = arith.constant 0 : i32
    %c0_i32_0 = arith.constant 0 : i32
    %c0_i32_1 = arith.constant 0 : i32
    return %c0_i32, %c0_i32_0 : i32, i32
  }
  func.func @transform_8(%arg0: i32) -> (i32, i32) {
    %c0_i32 = arith.constant 0 : i32
    %c0_i32_0 = arith.constant 0 : i32
    %c0_i32_1 = arith.constant 0 : i32
    return %c0_i32, %c0_i32_0 : i32, i32
  }
  func.func @transform_9(%arg0: i32) -> (i32, i32) {
    %c0_i32 = arith.constant 0 : i32
    %c0_i32_0 = arith.constant 0 : i32
    %c0_i32_1 = arith.constant 0 : i32
    return %c0_i32, %c0_i32_0 : i32, i32
  }
  func.func @transform_10(%arg0: i32) -> (i32, i32) {
    %c0_i32 = arith.constant 0 : i32
    %c0_i32_0 = arith.constant 0 : i32
    %c0_i32_1 = arith.constant 0 : i32
    return %c0_i32, %c0_i32_0 : i32, i32
  }
  func.func @transform_11(%arg0: i32) -> (i32, i32) {
    %c0_i32 = arith.constant 0 : i32
    %c0_i32_0 = arith.constant 0 : i32
    %c0_i32_1 = arith.constant 0 : i32
    return %c0_i32, %c0_i32_0 : i32, i32
  }
  func.func @transform_12(%arg0: i32) -> (i32, i32) {
    %c0_i32 = arith.constant 0 : i32
    %c0_i32_0 = arith.constant 0 : i32
    %c0_i32_1 = arith.constant 0 : i32
    return %c0_i32, %c0_i32_0 : i32, i32
  }
  func.func @transform_13(%arg0: i32) -> (i32, i32) {
    %c0_i32 = arith.constant 0 : i32
    %c0_i32_0 = arith.constant 0 : i32
    %c0_i32_1 = arith.constant 0 : i32
    return %c0_i32, %c0_i32_0 : i32, i32
  }
  func.func @transform_14(%arg0: i32) -> (i32, i32) {
    %c0_i32 = arith.constant 0 : i32
    %c0_i32_0 = arith.constant 0 : i32
    %c0_i32_1 = arith.constant 0 : i32
    return %c0_i32, %c0_i32_0 : i32, i32
  }
  func.func @transform_15(%arg0: i32) -> (i32, i32) {
    %c0_i32 = arith.constant 0 : i32
    %c0_i32_0 = arith.constant 0 : i32
    %c0_i32_1 = arith.constant 0 : i32
    return %c0_i32, %c0_i32_0 : i32, i32
  }
  func.func @transform_16(%arg0: i32) -> (i32, i32) {
    %c0_i32 = arith.constant 0 : i32
    %c0_i32_0 = arith.constant 0 : i32
    %c0_i32_1 = arith.constant 0 : i32
    return %c0_i32, %c0_i32_0 : i32, i32
  }
  func.func @transform_17(%arg0: i32) -> (i32, i32) {
    %c0_i32 = arith.constant 0 : i32
    %c0_i32_0 = arith.constant 0 : i32
    %c0_i32_1 = arith.constant 0 : i32
    return %c0_i32, %c0_i32_0 : i32, i32
  }
  func.func @transform_18(%arg0: i32) -> (i32, i32) {
    %c0_i32 = arith.constant 0 : i32
    %c0_i32_0 = arith.constant 0 : i32
    return %arg0, %c0_i32 : i32, i32
  }
  func.func @transform_19(%arg0: i32) -> (i32, i32) {
    %c0_i32 = arith.constant 0 : i32
    %c0_i32_0 = arith.constant 0 : i32
    return %arg0, %c0_i32 : i32, i32
  }
}

module attributes {stable_mosaic.version = 14 : i64} {
  func.func @_tc_body(%arg0: i32, %arg1: memref<6400x128xf32, #tpu.memory_space<vmem>>, %arg2: memref<200x32x16xf32, #tpu.memory_space<vmem>>, %arg3: memref<200x128xf32, #tpu.memory_space<vmem>>, %arg4: memref<200x128xf32, #tpu.memory_space<vmem>>, %arg5: memref<256x256xf32, #tpu.memory_space<vmem>>, %arg6: memref<16x256xf32, #tpu.memory_space<vmem>>, %arg7: memref<128x256xf32, #tpu.memory_space<vmem>>, %arg8: memref<1x256xf32, #tpu.memory_space<vmem>>, %arg9: memref<128x256xf32, #tpu.memory_space<vmem>>, %arg10: memref<1x256xf32, #tpu.memory_space<vmem>>, %arg11: memref<128x128xf32, #tpu.memory_space<vmem>>, %arg12: memref<1x128xf32, #tpu.memory_space<vmem>>, %arg13: memref<128x128xf32, #tpu.memory_space<vmem>>, %arg14: memref<1x128xf32, #tpu.memory_space<vmem>>, %arg15: memref<128x128xf32, #tpu.memory_space<vmem>>, %arg16: memref<128x128xf32, #tpu.memory_space<vmem>>, %arg17: memref<128x128xf32, #tpu.memory_space<vmem>>, %arg18: memref<1x128xf32, #tpu.memory_space<vmem>>, %arg19: memref<200x128xf32, #tpu.memory_space<vmem>>, %arg20: memref<200x128xf32, #tpu.memory_space<vmem>>) attributes {dimension_semantics = [#tpu.dimension_semantics<arbitrary>], iteration_bounds = array<i64: 12>, scalar_prefetch = 0 : i64, scratch_operands = 0 : i64, tpu.core_type = #tpu.core_type<tc>, window_params = [{transform_indices = @transform_0, window_bounds = array<i64: 6400, 128>}, {transform_indices = @transform_1, window_bounds = array<i64: 200, 32, 16>}, {transform_indices = @transform_2, window_bounds = array<i64: 200, 128>}, {transform_indices = @transform_3, window_bounds = array<i64: 200, 128>}, {pipeline_mode = #tpu.pipeline_mode<synchronous>, transform_indices = @transform_4, window_bounds = array<i64: 256, 256>}, {pipeline_mode = #tpu.pipeline_mode<synchronous>, transform_indices = @transform_5, window_bounds = array<i64: 16, 256>}, {pipeline_mode = #tpu.pipeline_mode<synchronous>, transform_indices = @transform_6, window_bounds = array<i64: 128, 256>}, {pipeline_mode = #tpu.pipeline_mode<synchronous>, transform_indices = @transform_7, window_bounds = array<i64: 1, 256>}, {pipeline_mode = #tpu.pipeline_mode<synchronous>, transform_indices = @transform_8, window_bounds = array<i64: 128, 256>}, {pipeline_mode = #tpu.pipeline_mode<synchronous>, transform_indices = @transform_9, window_bounds = array<i64: 1, 256>}, {pipeline_mode = #tpu.pipeline_mode<synchronous>, transform_indices = @transform_10, window_bounds = array<i64: 128, 128>}, {pipeline_mode = #tpu.pipeline_mode<synchronous>, transform_indices = @transform_11, window_bounds = array<i64: 1, 128>}, {pipeline_mode = #tpu.pipeline_mode<synchronous>, transform_indices = @transform_12, window_bounds = array<i64: 128, 128>}, {pipeline_mode = #tpu.pipeline_mode<synchronous>, transform_indices = @transform_13, window_bounds = array<i64: 1, 128>}, {pipeline_mode = #tpu.pipeline_mode<synchronous>, transform_indices = @transform_14, window_bounds = array<i64: 128, 128>}, {pipeline_mode = #tpu.pipeline_mode<synchronous>, transform_indices = @transform_15, window_bounds = array<i64: 128, 128>}, {pipeline_mode = #tpu.pipeline_mode<synchronous>, transform_indices = @transform_16, window_bounds = array<i64: 128, 128>}, {pipeline_mode = #tpu.pipeline_mode<synchronous>, transform_indices = @transform_17, window_bounds = array<i64: 1, 128>}, {transform_indices = @transform_18, window_bounds = array<i64: 200, 128>}, {transform_indices = @transform_19, window_bounds = array<i64: 200, 128>}]} {
    %get3A = arith.constant 0 : index
    %get3A_0 = arith.constant 0 : index
    %get3A_1 = vector.load %arg3[%get3A, %get3A_0] : memref<200x128xf32, #tpu.memory_space<vmem>>, vector<200x128xf32>
    %get3A_2 = arith.constant 0 : index
    %get3A_3 = arith.constant 0 : index
    %get3A_4 = vector.load %arg4[%get3A_2, %get3A_3] : memref<200x128xf32, #tpu.memory_space<vmem>>, vector<200x128xf32>
    %get3A_5 = arith.constant 0 : index
    %get3A_6 = arith.constant 0 : index
    %get3A_7 = vector.load %arg1[%get3A_5, %get3A_6] : memref<6400x128xf32, #tpu.memory_space<vmem>>, vector<6400x128xf32>
    %bitcast_convert_type3A = tpu.bitcast %get3A_7 : vector<6400x128xf32> -> vector<6400x128xi32>
    %shift_left3A = arith.constant 16 : i32
    %shift_left3A_8 = vector.broadcast %shift_left3A : i32 to vector<6400x128xi32>
    %shift_left3A_9 = arith.shli %bitcast_convert_type3A, %shift_left3A_8 : vector<6400x128xi32>
    %bitcast_convert_type3A_10 = tpu.bitcast %shift_left3A_9 : vector<6400x128xi32> -> vector<6400x128xf32>
    %and3A = arith.constant -65536 : i32
    %and3A_11 = vector.broadcast %and3A : i32 to vector<6400x128xi32>
    %and3A_12 = arith.andi %bitcast_convert_type3A, %and3A_11 : vector<6400x128xi32>
    %bitcast_convert_type3A_13 = tpu.bitcast %and3A_12 : vector<6400x128xi32> -> vector<6400x128xf32>
    %get3A_14 = arith.constant 0 : index
    %get3A_15 = arith.constant 0 : index
    %get3A_16 = arith.constant 0 : index
    %get3A_17 = vector.load %arg2[%get3A_14, %get3A_15, %get3A_16] : memref<200x32x16xf32, #tpu.memory_space<vmem>>, vector<200x32x16xf32>
    %reshape3A = vector.shape_cast %get3A_17 : vector<200x32x16xf32> to vector<6400x16xf32>
    %broadcast_in_dim3A = vector.shape_cast %get3A_4 : vector<200x128xf32> to vector<200x1x128xf32>
    %broadcast_in_dim3A_18 = vector.shape_cast %broadcast_in_dim3A : vector<200x1x128xf32> to vector<200x1x128xf32>
    %broadcast_in_dim3A_19 = vector.broadcast %broadcast_in_dim3A_18 : vector<200x1x128xf32> to vector<200x32x128xf32>
    %reshape3A_20 = vector.shape_cast %broadcast_in_dim3A_19 : vector<200x32x128xf32> to vector<6400x128xf32>
    %mul3A = arith.mulf %reshape3A_20, %bitcast_convert_type3A_13 : vector<6400x128xf32>
    %concatenate3A = tpu.concatenate %bitcast_convert_type3A_10, %mul3A in 1 : vector<6400x128xf32>, vector<6400x128xf32> -> vector<6400x256xf32>
    %get3A_21 = arith.constant 0 : index
    %get3A_22 = arith.constant 0 : index
    %get3A_23 = vector.load %arg5[%get3A_21, %get3A_22] : memref<256x256xf32, #tpu.memory_space<vmem>>, vector<256x256xf32>
    %dot_general3A = arith.constant dense<0.000000e+00> : vector<6400x256xf32>
    %dot_general3A_24 = tpu.matmul %concatenate3A, %get3A_23, %dot_general3A {dimension_numbers = #tpu.dot_dimension_numbers<[1], [0], [0], [1], [0, 0, 1, 1], [], []>, transpose_lhs_hint = false} : vector<6400x256xf32>, vector<256x256xf32>, vector<6400x256xf32> -> vector<6400x256xf32>
    %get3A_25 = arith.constant 0 : index
    %get3A_26 = arith.constant 0 : index
    %get3A_27 = vector.load %arg6[%get3A_25, %get3A_26] : memref<16x256xf32, #tpu.memory_space<vmem>>, vector<16x256xf32>
    %dot_general3A_28 = arith.constant dense<0.000000e+00> : vector<6400x256xf32>
    %dot_general3A_29 = tpu.matmul %reshape3A, %get3A_27, %dot_general3A_28 {dimension_numbers = #tpu.dot_dimension_numbers<[1], [0], [0], [1], [0, 0, 1, 1], [], []>, transpose_lhs_hint = false} : vector<6400x16xf32>, vector<16x256xf32>, vector<6400x256xf32> -> vector<6400x256xf32>
    %add3A = arith.addf %dot_general3A_24, %dot_general3A_29 : vector<6400x256xf32>
    %get3A_30 = arith.constant 0 : index
    %get3A_31 = arith.constant 0 : index
    %get3A_32 = vector.load %arg7[%get3A_30, %get3A_31] : memref<128x256xf32, #tpu.memory_space<vmem>>, vector<128x256xf32>
    %dot_general3A_33 = arith.constant dense<0.000000e+00> : vector<200x256xf32>
    %dot_general3A_34 = tpu.matmul %get3A_1, %get3A_32, %dot_general3A_33 {dimension_numbers = #tpu.dot_dimension_numbers<[1], [0], [0], [1], [0, 0, 1, 1], [], []>, transpose_lhs_hint = false} : vector<200x128xf32>, vector<128x256xf32>, vector<200x256xf32> -> vector<200x256xf32>
    %broadcast_in_dim3A_35 = vector.shape_cast %dot_general3A_34 : vector<200x256xf32> to vector<200x1x256xf32>
    %broadcast_in_dim3A_36 = vector.shape_cast %broadcast_in_dim3A_35 : vector<200x1x256xf32> to vector<200x1x256xf32>
    %broadcast_in_dim3A_37 = vector.broadcast %broadcast_in_dim3A_36 : vector<200x1x256xf32> to vector<200x32x256xf32>
    %reshape3A_38 = vector.shape_cast %broadcast_in_dim3A_37 : vector<200x32x256xf32> to vector<6400x256xf32>
    %add3A_39 = arith.addf %add3A, %reshape3A_38 : vector<6400x256xf32>
    %get3A_40 = arith.constant 0 : index
    %get3A_41 = arith.constant 0 : index
    %get3A_42 = vector.load %arg8[%get3A_40, %get3A_41] : memref<1x256xf32, #tpu.memory_space<vmem>>, vector<1x256xf32>
    %add3A_43 = vector.broadcast %get3A_42 : vector<1x256xf32> to vector<6400x256xf32>
    %add3A_44 = arith.addf %add3A_39, %add3A_43 : vector<6400x256xf32>
    %max3A = arith.constant 0.000000e+00 : f32
    %max3A_45 = vector.broadcast %max3A : f32 to vector<6400x256xf32>
    %max3A_46 = arith.maximumf %add3A_44, %max3A_45 : vector<6400x256xf32>
    %abs3A = math.absf %add3A_44 : vector<6400x256xf32>
    %neg3A = arith.constant 0.000000e+00 : f32
    %neg3A_47 = vector.broadcast %neg3A : f32 to vector<6400x256xf32>
    %neg3A_48 = arith.subf %neg3A_47, %abs3A : vector<6400x256xf32>
    %exp3A = math.exp %neg3A_48 : vector<6400x256xf32>
    %add3A_49 = arith.constant 1.000000e+00 : f32
    %add3A_50 = vector.broadcast %add3A_49 : f32 to vector<6400x256xf32>
    %add3A_51 = arith.addf %add3A_50, %exp3A : vector<6400x256xf32>
    %log3A = math.log %add3A_51 : vector<6400x256xf32>
    %add3A_52 = arith.addf %max3A_46, %log3A : vector<6400x256xf32>
    %slice3A = vector.extract_strided_slice %add3A_52 {offsets = [0, 0], sizes = [6400, 128], strides = [1, 1]} : vector<6400x256xf32> to vector<6400x128xf32>
    %slice3A_53 = vector.extract_strided_slice %add3A_52 {offsets = [0, 128], sizes = [6400, 128], strides = [1, 1]} : vector<6400x256xf32> to vector<6400x128xf32>
    %get3A_54 = arith.constant 0 : index
    %get3A_55 = arith.constant 0 : index
    %get3A_56 = vector.load %arg9[%get3A_54, %get3A_55] : memref<128x256xf32, #tpu.memory_space<vmem>>, vector<128x256xf32>
    %dot_general3A_57 = arith.constant dense<0.000000e+00> : vector<6400x256xf32>
    %dot_general3A_58 = tpu.matmul %slice3A, %get3A_56, %dot_general3A_57 {dimension_numbers = #tpu.dot_dimension_numbers<[1], [0], [0], [1], [0, 0, 1, 1], [], []>, transpose_lhs_hint = false} : vector<6400x128xf32>, vector<128x256xf32>, vector<6400x256xf32> -> vector<6400x256xf32>
    %get3A_59 = arith.constant 0 : index
    %get3A_60 = arith.constant 0 : index
    %get3A_61 = vector.load %arg10[%get3A_59, %get3A_60] : memref<1x256xf32, #tpu.memory_space<vmem>>, vector<1x256xf32>
    %add3A_62 = vector.broadcast %get3A_61 : vector<1x256xf32> to vector<6400x256xf32>
    %add3A_63 = arith.addf %dot_general3A_58, %add3A_62 : vector<6400x256xf32>
    %slice3A_64 = vector.extract_strided_slice %add3A_63 {offsets = [0, 0], sizes = [6400, 128], strides = [1, 1]} : vector<6400x256xf32> to vector<6400x128xf32>
    %logistic3A = arith.negf %slice3A_64 : vector<6400x128xf32>
    %logistic3A_65 = math.exp %logistic3A : vector<6400x128xf32>
    %logistic3A_66 = arith.constant 1.000000e+00 : f32
    %logistic3A_67 = vector.broadcast %logistic3A_66 : f32 to vector<6400x128xf32>
    %logistic3A_68 = arith.addf %logistic3A_67, %logistic3A_65 : vector<6400x128xf32>
    %logistic3A_69 = arith.divf %logistic3A_67, %logistic3A_68 : vector<6400x128xf32>
    %slice3A_70 = vector.extract_strided_slice %add3A_63 {offsets = [0, 128], sizes = [6400, 128], strides = [1, 1]} : vector<6400x256xf32> to vector<6400x128xf32>
    %max3A_71 = arith.constant 0.000000e+00 : f32
    %max3A_72 = vector.broadcast %max3A_71 : f32 to vector<6400x128xf32>
    %max3A_73 = arith.maximumf %slice3A_70, %max3A_72 : vector<6400x128xf32>
    %abs3A_74 = math.absf %slice3A_70 : vector<6400x128xf32>
    %neg3A_75 = arith.constant 0.000000e+00 : f32
    %neg3A_76 = vector.broadcast %neg3A_75 : f32 to vector<6400x128xf32>
    %neg3A_77 = arith.subf %neg3A_76, %abs3A_74 : vector<6400x128xf32>
    %exp3A_78 = math.exp %neg3A_77 : vector<6400x128xf32>
    %add3A_79 = arith.constant 1.000000e+00 : f32
    %add3A_80 = vector.broadcast %add3A_79 : f32 to vector<6400x128xf32>
    %add3A_81 = arith.addf %add3A_80, %exp3A_78 : vector<6400x128xf32>
    %log3A_82 = math.log %add3A_81 : vector<6400x128xf32>
    %add3A_83 = arith.addf %max3A_73, %log3A_82 : vector<6400x128xf32>
    %mul3A_84 = arith.mulf %logistic3A_69, %add3A_83 : vector<6400x128xf32>
    %reshape3A_85 = vector.shape_cast %mul3A_84 : vector<6400x128xf32> to vector<200x32x128xf32>
    %reduce_sum3A = arith.constant dense<0.000000e+00> : vector<200x128xf32>
    %reduce_sum3A_86 = vector.multi_reduction <add>, %reshape3A_85, %reduce_sum3A [1] : vector<200x32x128xf32> to vector<200x128xf32>
    %broadcast_in_dim3A_87 = vector.shape_cast %get3A_4 : vector<200x128xf32> to vector<200x1x128xf32>
    %broadcast_in_dim3A_88 = vector.shape_cast %broadcast_in_dim3A_87 : vector<200x1x128xf32> to vector<200x1x128xf32>
    %broadcast_in_dim3A_89 = vector.broadcast %broadcast_in_dim3A_88 : vector<200x1x128xf32> to vector<200x32x128xf32>
    %reshape3A_90 = vector.shape_cast %broadcast_in_dim3A_89 : vector<200x32x128xf32> to vector<6400x128xf32>
    %get3A_91 = arith.constant 0 : index
    %get3A_92 = arith.constant 0 : index
    %get3A_93 = vector.load %arg11[%get3A_91, %get3A_92] : memref<128x128xf32, #tpu.memory_space<vmem>>, vector<128x128xf32>
    %dot_general3A_94 = arith.constant dense<0.000000e+00> : vector<6400x128xf32>
    %dot_general3A_95 = tpu.matmul %bitcast_convert_type3A_10, %get3A_93, %dot_general3A_94 {dimension_numbers = #tpu.dot_dimension_numbers<[1], [0], [0], [1], [0, 0, 1, 1], [], []>, transpose_lhs_hint = false} : vector<6400x128xf32>, vector<128x128xf32>, vector<6400x128xf32> -> vector<6400x128xf32>
    %get3A_96 = arith.constant 0 : index
    %get3A_97 = arith.constant 0 : index
    %get3A_98 = vector.load %arg12[%get3A_96, %get3A_97] : memref<1x128xf32, #tpu.memory_space<vmem>>, vector<1x128xf32>
    %add3A_99 = vector.broadcast %get3A_98 : vector<1x128xf32> to vector<6400x128xf32>
    %add3A_100 = arith.addf %dot_general3A_95, %add3A_99 : vector<6400x128xf32>
    %mul3A_101 = arith.mulf %reshape3A_90, %add3A_100 : vector<6400x128xf32>
    %get3A_102 = arith.constant 0 : index
    %get3A_103 = arith.constant 0 : index
    %get3A_104 = vector.load %arg13[%get3A_102, %get3A_103] : memref<128x128xf32, #tpu.memory_space<vmem>>, vector<128x128xf32>
    %dot_general3A_105 = arith.constant dense<0.000000e+00> : vector<200x128xf32>
    %dot_general3A_106 = tpu.matmul %get3A_1, %get3A_104, %dot_general3A_105 {dimension_numbers = #tpu.dot_dimension_numbers<[1], [0], [0], [1], [0, 0, 1, 1], [], []>, transpose_lhs_hint = false} : vector<200x128xf32>, vector<128x128xf32>, vector<200x128xf32> -> vector<200x128xf32>
    %get3A_107 = arith.constant 0 : index
    %get3A_108 = arith.constant 0 : index
    %get3A_109 = vector.load %arg14[%get3A_107, %get3A_108] : memref<1x128xf32, #tpu.memory_space<vmem>>, vector<1x128xf32>
    %add3A_110 = vector.broadcast %get3A_109 : vector<1x128xf32> to vector<200x128xf32>
    %add3A_111 = arith.addf %dot_general3A_106, %add3A_110 : vector<200x128xf32>
    %broadcast_in_dim3A_112 = vector.shape_cast %add3A_111 : vector<200x128xf32> to vector<200x1x128xf32>
    %broadcast_in_dim3A_113 = vector.shape_cast %broadcast_in_dim3A_112 : vector<200x1x128xf32> to vector<200x1x128xf32>
    %broadcast_in_dim3A_114 = vector.broadcast %broadcast_in_dim3A_113 : vector<200x1x128xf32> to vector<200x32x128xf32>
    %reshape3A_115 = vector.shape_cast %broadcast_in_dim3A_114 : vector<200x32x128xf32> to vector<6400x128xf32>
    %mul3A_116 = arith.mulf %reshape3A_115, %bitcast_convert_type3A_13 : vector<6400x128xf32>
    %get3A_117 = arith.constant 0 : index
    %get3A_118 = arith.constant 0 : index
    %get3A_119 = vector.load %arg15[%get3A_117, %get3A_118] : memref<128x128xf32, #tpu.memory_space<vmem>>, vector<128x128xf32>
    %dot_general3A_120 = arith.constant dense<0.000000e+00> : vector<6400x128xf32>
    %dot_general3A_121 = tpu.matmul %mul3A_101, %get3A_119, %dot_general3A_120 {dimension_numbers = #tpu.dot_dimension_numbers<[1], [0], [0], [1], [0, 0, 1, 1], [], []>, transpose_lhs_hint = false} : vector<6400x128xf32>, vector<128x128xf32>, vector<6400x128xf32> -> vector<6400x128xf32>
    %get3A_122 = arith.constant 0 : index
    %get3A_123 = arith.constant 0 : index
    %get3A_124 = vector.load %arg16[%get3A_122, %get3A_123] : memref<128x128xf32, #tpu.memory_space<vmem>>, vector<128x128xf32>
    %dot_general3A_125 = arith.constant dense<0.000000e+00> : vector<6400x128xf32>
    %dot_general3A_126 = tpu.matmul %mul3A_116, %get3A_124, %dot_general3A_125 {dimension_numbers = #tpu.dot_dimension_numbers<[1], [0], [0], [1], [0, 0, 1, 1], [], []>, transpose_lhs_hint = false} : vector<6400x128xf32>, vector<128x128xf32>, vector<6400x128xf32> -> vector<6400x128xf32>
    %add3A_127 = arith.addf %dot_general3A_121, %dot_general3A_126 : vector<6400x128xf32>
    %tanh3A = math.tanh %add3A_127 : vector<6400x128xf32>
    %get3A_128 = arith.constant 0 : index
    %get3A_129 = arith.constant 0 : index
    %get3A_130 = vector.load %arg17[%get3A_128, %get3A_129] : memref<128x128xf32, #tpu.memory_space<vmem>>, vector<128x128xf32>
    %dot_general3A_131 = arith.constant dense<0.000000e+00> : vector<6400x128xf32>
    %dot_general3A_132 = tpu.matmul %slice3A_53, %get3A_130, %dot_general3A_131 {dimension_numbers = #tpu.dot_dimension_numbers<[1], [0], [0], [1], [0, 0, 1, 1], [], []>, transpose_lhs_hint = false} : vector<6400x128xf32>, vector<128x128xf32>, vector<6400x128xf32> -> vector<6400x128xf32>
    %get3A_133 = arith.constant 0 : index
    %get3A_134 = arith.constant 0 : index
    %get3A_135 = vector.load %arg18[%get3A_133, %get3A_134] : memref<1x128xf32, #tpu.memory_space<vmem>>, vector<1x128xf32>
    %add3A_136 = vector.broadcast %get3A_135 : vector<1x128xf32> to vector<6400x128xf32>
    %add3A_137 = arith.addf %dot_general3A_132, %add3A_136 : vector<6400x128xf32>
    %logistic3A_138 = arith.negf %add3A_137 : vector<6400x128xf32>
    %logistic3A_139 = math.exp %logistic3A_138 : vector<6400x128xf32>
    %logistic3A_140 = arith.constant 1.000000e+00 : f32
    %logistic3A_141 = vector.broadcast %logistic3A_140 : f32 to vector<6400x128xf32>
    %logistic3A_142 = arith.addf %logistic3A_141, %logistic3A_139 : vector<6400x128xf32>
    %logistic3A_143 = arith.divf %logistic3A_141, %logistic3A_142 : vector<6400x128xf32>
    %mul3A_144 = arith.mulf %logistic3A_143, %tanh3A : vector<6400x128xf32>
    %reshape3A_145 = vector.shape_cast %mul3A_144 : vector<6400x128xf32> to vector<200x32x128xf32>
    %reduce_sum3A_146 = arith.constant dense<0.000000e+00> : vector<200x128xf32>
    %reduce_sum3A_147 = vector.multi_reduction <add>, %reshape3A_145, %reduce_sum3A_146 [1] : vector<200x32x128xf32> to vector<200x128xf32>
    %add3A_148 = arith.addf %get3A_1, %reduce_sum3A_86 : vector<200x128xf32>
    %swap3A = arith.constant 0 : index
    %swap3A_149 = arith.constant 0 : index
    %swap3A_150 = vector.load %arg19[%swap3A, %swap3A_149] : memref<200x128xf32, #tpu.memory_space<vmem>>, vector<200x128xf32>
    tpu.vector_store %arg19[%swap3A, %swap3A_149], %add3A_148 {strides = array<i32>} : memref<200x128xf32, #tpu.memory_space<vmem>>, vector<200x128xf32>,
    %add3A_151 = arith.addf %get3A_4, %reduce_sum3A_147 : vector<200x128xf32>
    %swap3A_152 = arith.constant 0 : index
    %swap3A_153 = arith.constant 0 : index
    %swap3A_154 = vector.load %arg20[%swap3A_152, %swap3A_153] : memref<200x128xf32, #tpu.memory_space<vmem>>, vector<200x128xf32>
    tpu.vector_store %arg20[%swap3A_152, %swap3A_153], %add3A_151 {strides = array<i32>} : memref<200x128xf32, #tpu.memory_space<vmem>>, vector<200x128xf32>,
    return
  }
  func.func @transform_0(%arg0: i32) -> (i32, i32) {
    %c0_i32 = arith.constant 0 : i32
    %c0_i32_0 = arith.constant 0 : i32
    return %arg0, %c0_i32 : i32, i32
  }
  func.func @transform_1(%arg0: i32) -> (i32, i32, i32) {
    %add3A = arith.constant 24 : i32
    %add3A_0 = arith.addi %arg0, %add3A : i32
    %c0_i32 = arith.constant 0 : i32
    %c0_i32_1 = arith.constant 0 : i32
    %c0_i32_2 = arith.constant 0 : i32
    return %add3A_0, %c0_i32, %c0_i32_1 : i32, i32, i32
  }
  func.func @transform_2(%arg0: i32) -> (i32, i32) {
    %add3A = arith.constant 24 : i32
    %add3A_0 = arith.addi %arg0, %add3A : i32
    %c0_i32 = arith.constant 0 : i32
    %c0_i32_1 = arith.constant 0 : i32
    return %add3A_0, %c0_i32 : i32, i32
  }
  func.func @transform_3(%arg0: i32) -> (i32, i32) {
    %add3A = arith.constant 24 : i32
    %add3A_0 = arith.addi %arg0, %add3A : i32
    %c0_i32 = arith.constant 0 : i32
    %c0_i32_1 = arith.constant 0 : i32
    return %add3A_0, %c0_i32 : i32, i32
  }
  func.func @transform_4(%arg0: i32) -> (i32, i32) {
    %c0_i32 = arith.constant 0 : i32
    %c0_i32_0 = arith.constant 0 : i32
    %c0_i32_1 = arith.constant 0 : i32
    return %c0_i32, %c0_i32_0 : i32, i32
  }
  func.func @transform_5(%arg0: i32) -> (i32, i32) {
    %c0_i32 = arith.constant 0 : i32
    %c0_i32_0 = arith.constant 0 : i32
    %c0_i32_1 = arith.constant 0 : i32
    return %c0_i32, %c0_i32_0 : i32, i32
  }
  func.func @transform_6(%arg0: i32) -> (i32, i32) {
    %c0_i32 = arith.constant 0 : i32
    %c0_i32_0 = arith.constant 0 : i32
    %c0_i32_1 = arith.constant 0 : i32
    return %c0_i32, %c0_i32_0 : i32, i32
  }
  func.func @transform_7(%arg0: i32) -> (i32, i32) {
    %c0_i32 = arith.constant 0 : i32
    %c0_i32_0 = arith.constant 0 : i32
    %c0_i32_1 = arith.constant 0 : i32
    return %c0_i32, %c0_i32_0 : i32, i32
  }
  func.func @transform_8(%arg0: i32) -> (i32, i32) {
    %c0_i32 = arith.constant 0 : i32
    %c0_i32_0 = arith.constant 0 : i32
    %c0_i32_1 = arith.constant 0 : i32
    return %c0_i32, %c0_i32_0 : i32, i32
  }
  func.func @transform_9(%arg0: i32) -> (i32, i32) {
    %c0_i32 = arith.constant 0 : i32
    %c0_i32_0 = arith.constant 0 : i32
    %c0_i32_1 = arith.constant 0 : i32
    return %c0_i32, %c0_i32_0 : i32, i32
  }
  func.func @transform_10(%arg0: i32) -> (i32, i32) {
    %c0_i32 = arith.constant 0 : i32
    %c0_i32_0 = arith.constant 0 : i32
    %c0_i32_1 = arith.constant 0 : i32
    return %c0_i32, %c0_i32_0 : i32, i32
  }
  func.func @transform_11(%arg0: i32) -> (i32, i32) {
    %c0_i32 = arith.constant 0 : i32
    %c0_i32_0 = arith.constant 0 : i32
    %c0_i32_1 = arith.constant 0 : i32
    return %c0_i32, %c0_i32_0 : i32, i32
  }
  func.func @transform_12(%arg0: i32) -> (i32, i32) {
    %c0_i32 = arith.constant 0 : i32
    %c0_i32_0 = arith.constant 0 : i32
    %c0_i32_1 = arith.constant 0 : i32
    return %c0_i32, %c0_i32_0 : i32, i32
  }
  func.func @transform_13(%arg0: i32) -> (i32, i32) {
    %c0_i32 = arith.constant 0 : i32
    %c0_i32_0 = arith.constant 0 : i32
    %c0_i32_1 = arith.constant 0 : i32
    return %c0_i32, %c0_i32_0 : i32, i32
  }
  func.func @transform_14(%arg0: i32) -> (i32, i32) {
    %c0_i32 = arith.constant 0 : i32
    %c0_i32_0 = arith.constant 0 : i32
    %c0_i32_1 = arith.constant 0 : i32
    return %c0_i32, %c0_i32_0 : i32, i32
  }
  func.func @transform_15(%arg0: i32) -> (i32, i32) {
    %c0_i32 = arith.constant 0 : i32
    %c0_i32_0 = arith.constant 0 : i32
    %c0_i32_1 = arith.constant 0 : i32
    return %c0_i32, %c0_i32_0 : i32, i32
  }
  func.func @transform_16(%arg0: i32) -> (i32, i32) {
    %c0_i32 = arith.constant 0 : i32
    %c0_i32_0 = arith.constant 0 : i32
    %c0_i32_1 = arith.constant 0 : i32
    return %c0_i32, %c0_i32_0 : i32, i32
  }
  func.func @transform_17(%arg0: i32) -> (i32, i32) {
    %c0_i32 = arith.constant 0 : i32
    %c0_i32_0 = arith.constant 0 : i32
    %c0_i32_1 = arith.constant 0 : i32
    return %c0_i32, %c0_i32_0 : i32, i32
  }
  func.func @transform_18(%arg0: i32) -> (i32, i32) {
    %c0_i32 = arith.constant 0 : i32
    %c0_i32_0 = arith.constant 0 : i32
    return %arg0, %c0_i32 : i32, i32
  }
  func.func @transform_19(%arg0: i32) -> (i32, i32) {
    %c0_i32 = arith.constant 0 : i32
    %c0_i32_0 = arith.constant 0 : i32
    return %arg0, %c0_i32 : i32, i32
  }
}

module attributes {stable_mosaic.version = 14 : i64} {
  func.func @_tc_body(%arg0: i32, %arg1: memref<6400x128xf32, #tpu.memory_space<vmem>>, %arg2: memref<200x32x16xf32, #tpu.memory_space<vmem>>, %arg3: memref<200x128xf32, #tpu.memory_space<vmem>>, %arg4: memref<200x128xf32, #tpu.memory_space<vmem>>, %arg5: memref<256x256xf32, #tpu.memory_space<vmem>>, %arg6: memref<16x256xf32, #tpu.memory_space<vmem>>, %arg7: memref<128x256xf32, #tpu.memory_space<vmem>>, %arg8: memref<1x256xf32, #tpu.memory_space<vmem>>, %arg9: memref<128x256xf32, #tpu.memory_space<vmem>>, %arg10: memref<1x256xf32, #tpu.memory_space<vmem>>, %arg11: memref<128x128xf32, #tpu.memory_space<vmem>>, %arg12: memref<1x128xf32, #tpu.memory_space<vmem>>, %arg13: memref<128x128xf32, #tpu.memory_space<vmem>>, %arg14: memref<1x128xf32, #tpu.memory_space<vmem>>, %arg15: memref<128x128xf32, #tpu.memory_space<vmem>>, %arg16: memref<128x128xf32, #tpu.memory_space<vmem>>, %arg17: memref<128x128xf32, #tpu.memory_space<vmem>>, %arg18: memref<1x128xf32, #tpu.memory_space<vmem>>, %arg19: memref<200x128xf32, #tpu.memory_space<vmem>>, %arg20: memref<200x128xf32, #tpu.memory_space<vmem>>) attributes {dimension_semantics = [#tpu.dimension_semantics<arbitrary>], iteration_bounds = array<i64: 14>, scalar_prefetch = 0 : i64, scratch_operands = 0 : i64, tpu.core_type = #tpu.core_type<tc>, window_params = [{transform_indices = @transform_0, window_bounds = array<i64: 6400, 128>}, {transform_indices = @transform_1, window_bounds = array<i64: 200, 32, 16>}, {transform_indices = @transform_2, window_bounds = array<i64: 200, 128>}, {transform_indices = @transform_3, window_bounds = array<i64: 200, 128>}, {pipeline_mode = #tpu.pipeline_mode<synchronous>, transform_indices = @transform_4, window_bounds = array<i64: 256, 256>}, {pipeline_mode = #tpu.pipeline_mode<synchronous>, transform_indices = @transform_5, window_bounds = array<i64: 16, 256>}, {pipeline_mode = #tpu.pipeline_mode<synchronous>, transform_indices = @transform_6, window_bounds = array<i64: 128, 256>}, {pipeline_mode = #tpu.pipeline_mode<synchronous>, transform_indices = @transform_7, window_bounds = array<i64: 1, 256>}, {pipeline_mode = #tpu.pipeline_mode<synchronous>, transform_indices = @transform_8, window_bounds = array<i64: 128, 256>}, {pipeline_mode = #tpu.pipeline_mode<synchronous>, transform_indices = @transform_9, window_bounds = array<i64: 1, 256>}, {pipeline_mode = #tpu.pipeline_mode<synchronous>, transform_indices = @transform_10, window_bounds = array<i64: 128, 128>}, {pipeline_mode = #tpu.pipeline_mode<synchronous>, transform_indices = @transform_11, window_bounds = array<i64: 1, 128>}, {pipeline_mode = #tpu.pipeline_mode<synchronous>, transform_indices = @transform_12, window_bounds = array<i64: 128, 128>}, {pipeline_mode = #tpu.pipeline_mode<synchronous>, transform_indices = @transform_13, window_bounds = array<i64: 1, 128>}, {pipeline_mode = #tpu.pipeline_mode<synchronous>, transform_indices = @transform_14, window_bounds = array<i64: 128, 128>}, {pipeline_mode = #tpu.pipeline_mode<synchronous>, transform_indices = @transform_15, window_bounds = array<i64: 128, 128>}, {pipeline_mode = #tpu.pipeline_mode<synchronous>, transform_indices = @transform_16, window_bounds = array<i64: 128, 128>}, {pipeline_mode = #tpu.pipeline_mode<synchronous>, transform_indices = @transform_17, window_bounds = array<i64: 1, 128>}, {transform_indices = @transform_18, window_bounds = array<i64: 200, 128>}, {transform_indices = @transform_19, window_bounds = array<i64: 200, 128>}]} {
    %get3A = arith.constant 0 : index
    %get3A_0 = arith.constant 0 : index
    %get3A_1 = vector.load %arg3[%get3A, %get3A_0] : memref<200x128xf32, #tpu.memory_space<vmem>>, vector<200x128xf32>
    %get3A_2 = arith.constant 0 : index
    %get3A_3 = arith.constant 0 : index
    %get3A_4 = vector.load %arg4[%get3A_2, %get3A_3] : memref<200x128xf32, #tpu.memory_space<vmem>>, vector<200x128xf32>
    %get3A_5 = arith.constant 0 : index
    %get3A_6 = arith.constant 0 : index
    %get3A_7 = vector.load %arg1[%get3A_5, %get3A_6] : memref<6400x128xf32, #tpu.memory_space<vmem>>, vector<6400x128xf32>
    %bitcast_convert_type3A = tpu.bitcast %get3A_7 : vector<6400x128xf32> -> vector<6400x128xi32>
    %shift_left3A = arith.constant 16 : i32
    %shift_left3A_8 = vector.broadcast %shift_left3A : i32 to vector<6400x128xi32>
    %shift_left3A_9 = arith.shli %bitcast_convert_type3A, %shift_left3A_8 : vector<6400x128xi32>
    %bitcast_convert_type3A_10 = tpu.bitcast %shift_left3A_9 : vector<6400x128xi32> -> vector<6400x128xf32>
    %and3A = arith.constant -65536 : i32
    %and3A_11 = vector.broadcast %and3A : i32 to vector<6400x128xi32>
    %and3A_12 = arith.andi %bitcast_convert_type3A, %and3A_11 : vector<6400x128xi32>
    %bitcast_convert_type3A_13 = tpu.bitcast %and3A_12 : vector<6400x128xi32> -> vector<6400x128xf32>
    %get3A_14 = arith.constant 0 : index
    %get3A_15 = arith.constant 0 : index
    %get3A_16 = arith.constant 0 : index
    %get3A_17 = vector.load %arg2[%get3A_14, %get3A_15, %get3A_16] : memref<200x32x16xf32, #tpu.memory_space<vmem>>, vector<200x32x16xf32>
    %reshape3A = vector.shape_cast %get3A_17 : vector<200x32x16xf32> to vector<6400x16xf32>
    %broadcast_in_dim3A = vector.shape_cast %get3A_4 : vector<200x128xf32> to vector<200x1x128xf32>
    %broadcast_in_dim3A_18 = vector.shape_cast %broadcast_in_dim3A : vector<200x1x128xf32> to vector<200x1x128xf32>
    %broadcast_in_dim3A_19 = vector.broadcast %broadcast_in_dim3A_18 : vector<200x1x128xf32> to vector<200x32x128xf32>
    %reshape3A_20 = vector.shape_cast %broadcast_in_dim3A_19 : vector<200x32x128xf32> to vector<6400x128xf32>
    %mul3A = arith.mulf %reshape3A_20, %bitcast_convert_type3A_13 : vector<6400x128xf32>
    %concatenate3A = tpu.concatenate %bitcast_convert_type3A_10, %mul3A in 1 : vector<6400x128xf32>, vector<6400x128xf32> -> vector<6400x256xf32>
    %get3A_21 = arith.constant 0 : index
    %get3A_22 = arith.constant 0 : index
    %get3A_23 = vector.load %arg5[%get3A_21, %get3A_22] : memref<256x256xf32, #tpu.memory_space<vmem>>, vector<256x256xf32>
    %dot_general3A = arith.constant dense<0.000000e+00> : vector<6400x256xf32>
    %dot_general3A_24 = tpu.matmul %concatenate3A, %get3A_23, %dot_general3A {dimension_numbers = #tpu.dot_dimension_numbers<[1], [0], [0], [1], [0, 0, 1, 1], [], []>, transpose_lhs_hint = false} : vector<6400x256xf32>, vector<256x256xf32>, vector<6400x256xf32> -> vector<6400x256xf32>
    %get3A_25 = arith.constant 0 : index
    %get3A_26 = arith.constant 0 : index
    %get3A_27 = vector.load %arg6[%get3A_25, %get3A_26] : memref<16x256xf32, #tpu.memory_space<vmem>>, vector<16x256xf32>
    %dot_general3A_28 = arith.constant dense<0.000000e+00> : vector<6400x256xf32>
    %dot_general3A_29 = tpu.matmul %reshape3A, %get3A_27, %dot_general3A_28 {dimension_numbers = #tpu.dot_dimension_numbers<[1], [0], [0], [1], [0, 0, 1, 1], [], []>, transpose_lhs_hint = false} : vector<6400x16xf32>, vector<16x256xf32>, vector<6400x256xf32> -> vector<6400x256xf32>
    %add3A = arith.addf %dot_general3A_24, %dot_general3A_29 : vector<6400x256xf32>
    %get3A_30 = arith.constant 0 : index
    %get3A_31 = arith.constant 0 : index
    %get3A_32 = vector.load %arg7[%get3A_30, %get3A_31] : memref<128x256xf32, #tpu.memory_space<vmem>>, vector<128x256xf32>
    %dot_general3A_33 = arith.constant dense<0.000000e+00> : vector<200x256xf32>
    %dot_general3A_34 = tpu.matmul %get3A_1, %get3A_32, %dot_general3A_33 {dimension_numbers = #tpu.dot_dimension_numbers<[1], [0], [0], [1], [0, 0, 1, 1], [], []>, transpose_lhs_hint = false} : vector<200x128xf32>, vector<128x256xf32>, vector<200x256xf32> -> vector<200x256xf32>
    %broadcast_in_dim3A_35 = vector.shape_cast %dot_general3A_34 : vector<200x256xf32> to vector<200x1x256xf32>
    %broadcast_in_dim3A_36 = vector.shape_cast %broadcast_in_dim3A_35 : vector<200x1x256xf32> to vector<200x1x256xf32>
    %broadcast_in_dim3A_37 = vector.broadcast %broadcast_in_dim3A_36 : vector<200x1x256xf32> to vector<200x32x256xf32>
    %reshape3A_38 = vector.shape_cast %broadcast_in_dim3A_37 : vector<200x32x256xf32> to vector<6400x256xf32>
    %add3A_39 = arith.addf %add3A, %reshape3A_38 : vector<6400x256xf32>
    %get3A_40 = arith.constant 0 : index
    %get3A_41 = arith.constant 0 : index
    %get3A_42 = vector.load %arg8[%get3A_40, %get3A_41] : memref<1x256xf32, #tpu.memory_space<vmem>>, vector<1x256xf32>
    %add3A_43 = vector.broadcast %get3A_42 : vector<1x256xf32> to vector<6400x256xf32>
    %add3A_44 = arith.addf %add3A_39, %add3A_43 : vector<6400x256xf32>
    %max3A = arith.constant 0.000000e+00 : f32
    %max3A_45 = vector.broadcast %max3A : f32 to vector<6400x256xf32>
    %max3A_46 = arith.maximumf %add3A_44, %max3A_45 : vector<6400x256xf32>
    %abs3A = math.absf %add3A_44 : vector<6400x256xf32>
    %neg3A = arith.constant 0.000000e+00 : f32
    %neg3A_47 = vector.broadcast %neg3A : f32 to vector<6400x256xf32>
    %neg3A_48 = arith.subf %neg3A_47, %abs3A : vector<6400x256xf32>
    %exp3A = math.exp %neg3A_48 : vector<6400x256xf32>
    %add3A_49 = arith.constant 1.000000e+00 : f32
    %add3A_50 = vector.broadcast %add3A_49 : f32 to vector<6400x256xf32>
    %add3A_51 = arith.addf %add3A_50, %exp3A : vector<6400x256xf32>
    %log3A = math.log %add3A_51 : vector<6400x256xf32>
    %add3A_52 = arith.addf %max3A_46, %log3A : vector<6400x256xf32>
    %slice3A = vector.extract_strided_slice %add3A_52 {offsets = [0, 0], sizes = [6400, 128], strides = [1, 1]} : vector<6400x256xf32> to vector<6400x128xf32>
    %slice3A_53 = vector.extract_strided_slice %add3A_52 {offsets = [0, 128], sizes = [6400, 128], strides = [1, 1]} : vector<6400x256xf32> to vector<6400x128xf32>
    %get3A_54 = arith.constant 0 : index
    %get3A_55 = arith.constant 0 : index
    %get3A_56 = vector.load %arg9[%get3A_54, %get3A_55] : memref<128x256xf32, #tpu.memory_space<vmem>>, vector<128x256xf32>
    %dot_general3A_57 = arith.constant dense<0.000000e+00> : vector<6400x256xf32>
    %dot_general3A_58 = tpu.matmul %slice3A, %get3A_56, %dot_general3A_57 {dimension_numbers = #tpu.dot_dimension_numbers<[1], [0], [0], [1], [0, 0, 1, 1], [], []>, transpose_lhs_hint = false} : vector<6400x128xf32>, vector<128x256xf32>, vector<6400x256xf32> -> vector<6400x256xf32>
    %get3A_59 = arith.constant 0 : index
    %get3A_60 = arith.constant 0 : index
    %get3A_61 = vector.load %arg10[%get3A_59, %get3A_60] : memref<1x256xf32, #tpu.memory_space<vmem>>, vector<1x256xf32>
    %add3A_62 = vector.broadcast %get3A_61 : vector<1x256xf32> to vector<6400x256xf32>
    %add3A_63 = arith.addf %dot_general3A_58, %add3A_62 : vector<6400x256xf32>
    %slice3A_64 = vector.extract_strided_slice %add3A_63 {offsets = [0, 0], sizes = [6400, 128], strides = [1, 1]} : vector<6400x256xf32> to vector<6400x128xf32>
    %logistic3A = arith.negf %slice3A_64 : vector<6400x128xf32>
    %logistic3A_65 = math.exp %logistic3A : vector<6400x128xf32>
    %logistic3A_66 = arith.constant 1.000000e+00 : f32
    %logistic3A_67 = vector.broadcast %logistic3A_66 : f32 to vector<6400x128xf32>
    %logistic3A_68 = arith.addf %logistic3A_67, %logistic3A_65 : vector<6400x128xf32>
    %logistic3A_69 = arith.divf %logistic3A_67, %logistic3A_68 : vector<6400x128xf32>
    %slice3A_70 = vector.extract_strided_slice %add3A_63 {offsets = [0, 128], sizes = [6400, 128], strides = [1, 1]} : vector<6400x256xf32> to vector<6400x128xf32>
    %max3A_71 = arith.constant 0.000000e+00 : f32
    %max3A_72 = vector.broadcast %max3A_71 : f32 to vector<6400x128xf32>
    %max3A_73 = arith.maximumf %slice3A_70, %max3A_72 : vector<6400x128xf32>
    %abs3A_74 = math.absf %slice3A_70 : vector<6400x128xf32>
    %neg3A_75 = arith.constant 0.000000e+00 : f32
    %neg3A_76 = vector.broadcast %neg3A_75 : f32 to vector<6400x128xf32>
    %neg3A_77 = arith.subf %neg3A_76, %abs3A_74 : vector<6400x128xf32>
    %exp3A_78 = math.exp %neg3A_77 : vector<6400x128xf32>
    %add3A_79 = arith.constant 1.000000e+00 : f32
    %add3A_80 = vector.broadcast %add3A_79 : f32 to vector<6400x128xf32>
    %add3A_81 = arith.addf %add3A_80, %exp3A_78 : vector<6400x128xf32>
    %log3A_82 = math.log %add3A_81 : vector<6400x128xf32>
    %add3A_83 = arith.addf %max3A_73, %log3A_82 : vector<6400x128xf32>
    %mul3A_84 = arith.mulf %logistic3A_69, %add3A_83 : vector<6400x128xf32>
    %reshape3A_85 = vector.shape_cast %mul3A_84 : vector<6400x128xf32> to vector<200x32x128xf32>
    %reduce_sum3A = arith.constant dense<0.000000e+00> : vector<200x128xf32>
    %reduce_sum3A_86 = vector.multi_reduction <add>, %reshape3A_85, %reduce_sum3A [1] : vector<200x32x128xf32> to vector<200x128xf32>
    %broadcast_in_dim3A_87 = vector.shape_cast %get3A_4 : vector<200x128xf32> to vector<200x1x128xf32>
    %broadcast_in_dim3A_88 = vector.shape_cast %broadcast_in_dim3A_87 : vector<200x1x128xf32> to vector<200x1x128xf32>
    %broadcast_in_dim3A_89 = vector.broadcast %broadcast_in_dim3A_88 : vector<200x1x128xf32> to vector<200x32x128xf32>
    %reshape3A_90 = vector.shape_cast %broadcast_in_dim3A_89 : vector<200x32x128xf32> to vector<6400x128xf32>
    %get3A_91 = arith.constant 0 : index
    %get3A_92 = arith.constant 0 : index
    %get3A_93 = vector.load %arg11[%get3A_91, %get3A_92] : memref<128x128xf32, #tpu.memory_space<vmem>>, vector<128x128xf32>
    %dot_general3A_94 = arith.constant dense<0.000000e+00> : vector<6400x128xf32>
    %dot_general3A_95 = tpu.matmul %bitcast_convert_type3A_10, %get3A_93, %dot_general3A_94 {dimension_numbers = #tpu.dot_dimension_numbers<[1], [0], [0], [1], [0, 0, 1, 1], [], []>, transpose_lhs_hint = false} : vector<6400x128xf32>, vector<128x128xf32>, vector<6400x128xf32> -> vector<6400x128xf32>
    %get3A_96 = arith.constant 0 : index
    %get3A_97 = arith.constant 0 : index
    %get3A_98 = vector.load %arg12[%get3A_96, %get3A_97] : memref<1x128xf32, #tpu.memory_space<vmem>>, vector<1x128xf32>
    %add3A_99 = vector.broadcast %get3A_98 : vector<1x128xf32> to vector<6400x128xf32>
    %add3A_100 = arith.addf %dot_general3A_95, %add3A_99 : vector<6400x128xf32>
    %mul3A_101 = arith.mulf %reshape3A_90, %add3A_100 : vector<6400x128xf32>
    %get3A_102 = arith.constant 0 : index
    %get3A_103 = arith.constant 0 : index
    %get3A_104 = vector.load %arg13[%get3A_102, %get3A_103] : memref<128x128xf32, #tpu.memory_space<vmem>>, vector<128x128xf32>
    %dot_general3A_105 = arith.constant dense<0.000000e+00> : vector<200x128xf32>
    %dot_general3A_106 = tpu.matmul %get3A_1, %get3A_104, %dot_general3A_105 {dimension_numbers = #tpu.dot_dimension_numbers<[1], [0], [0], [1], [0, 0, 1, 1], [], []>, transpose_lhs_hint = false} : vector<200x128xf32>, vector<128x128xf32>, vector<200x128xf32> -> vector<200x128xf32>
    %get3A_107 = arith.constant 0 : index
    %get3A_108 = arith.constant 0 : index
    %get3A_109 = vector.load %arg14[%get3A_107, %get3A_108] : memref<1x128xf32, #tpu.memory_space<vmem>>, vector<1x128xf32>
    %add3A_110 = vector.broadcast %get3A_109 : vector<1x128xf32> to vector<200x128xf32>
    %add3A_111 = arith.addf %dot_general3A_106, %add3A_110 : vector<200x128xf32>
    %broadcast_in_dim3A_112 = vector.shape_cast %add3A_111 : vector<200x128xf32> to vector<200x1x128xf32>
    %broadcast_in_dim3A_113 = vector.shape_cast %broadcast_in_dim3A_112 : vector<200x1x128xf32> to vector<200x1x128xf32>
    %broadcast_in_dim3A_114 = vector.broadcast %broadcast_in_dim3A_113 : vector<200x1x128xf32> to vector<200x32x128xf32>
    %reshape3A_115 = vector.shape_cast %broadcast_in_dim3A_114 : vector<200x32x128xf32> to vector<6400x128xf32>
    %mul3A_116 = arith.mulf %reshape3A_115, %bitcast_convert_type3A_13 : vector<6400x128xf32>
    %get3A_117 = arith.constant 0 : index
    %get3A_118 = arith.constant 0 : index
    %get3A_119 = vector.load %arg15[%get3A_117, %get3A_118] : memref<128x128xf32, #tpu.memory_space<vmem>>, vector<128x128xf32>
    %dot_general3A_120 = arith.constant dense<0.000000e+00> : vector<6400x128xf32>
    %dot_general3A_121 = tpu.matmul %mul3A_101, %get3A_119, %dot_general3A_120 {dimension_numbers = #tpu.dot_dimension_numbers<[1], [0], [0], [1], [0, 0, 1, 1], [], []>, transpose_lhs_hint = false} : vector<6400x128xf32>, vector<128x128xf32>, vector<6400x128xf32> -> vector<6400x128xf32>
    %get3A_122 = arith.constant 0 : index
    %get3A_123 = arith.constant 0 : index
    %get3A_124 = vector.load %arg16[%get3A_122, %get3A_123] : memref<128x128xf32, #tpu.memory_space<vmem>>, vector<128x128xf32>
    %dot_general3A_125 = arith.constant dense<0.000000e+00> : vector<6400x128xf32>
    %dot_general3A_126 = tpu.matmul %mul3A_116, %get3A_124, %dot_general3A_125 {dimension_numbers = #tpu.dot_dimension_numbers<[1], [0], [0], [1], [0, 0, 1, 1], [], []>, transpose_lhs_hint = false} : vector<6400x128xf32>, vector<128x128xf32>, vector<6400x128xf32> -> vector<6400x128xf32>
    %add3A_127 = arith.addf %dot_general3A_121, %dot_general3A_126 : vector<6400x128xf32>
    %tanh3A = math.tanh %add3A_127 : vector<6400x128xf32>
    %get3A_128 = arith.constant 0 : index
    %get3A_129 = arith.constant 0 : index
    %get3A_130 = vector.load %arg17[%get3A_128, %get3A_129] : memref<128x128xf32, #tpu.memory_space<vmem>>, vector<128x128xf32>
    %dot_general3A_131 = arith.constant dense<0.000000e+00> : vector<6400x128xf32>
    %dot_general3A_132 = tpu.matmul %slice3A_53, %get3A_130, %dot_general3A_131 {dimension_numbers = #tpu.dot_dimension_numbers<[1], [0], [0], [1], [0, 0, 1, 1], [], []>, transpose_lhs_hint = false} : vector<6400x128xf32>, vector<128x128xf32>, vector<6400x128xf32> -> vector<6400x128xf32>
    %get3A_133 = arith.constant 0 : index
    %get3A_134 = arith.constant 0 : index
    %get3A_135 = vector.load %arg18[%get3A_133, %get3A_134] : memref<1x128xf32, #tpu.memory_space<vmem>>, vector<1x128xf32>
    %add3A_136 = vector.broadcast %get3A_135 : vector<1x128xf32> to vector<6400x128xf32>
    %add3A_137 = arith.addf %dot_general3A_132, %add3A_136 : vector<6400x128xf32>
    %logistic3A_138 = arith.negf %add3A_137 : vector<6400x128xf32>
    %logistic3A_139 = math.exp %logistic3A_138 : vector<6400x128xf32>
    %logistic3A_140 = arith.constant 1.000000e+00 : f32
    %logistic3A_141 = vector.broadcast %logistic3A_140 : f32 to vector<6400x128xf32>
    %logistic3A_142 = arith.addf %logistic3A_141, %logistic3A_139 : vector<6400x128xf32>
    %logistic3A_143 = arith.divf %logistic3A_141, %logistic3A_142 : vector<6400x128xf32>
    %mul3A_144 = arith.mulf %logistic3A_143, %tanh3A : vector<6400x128xf32>
    %reshape3A_145 = vector.shape_cast %mul3A_144 : vector<6400x128xf32> to vector<200x32x128xf32>
    %reduce_sum3A_146 = arith.constant dense<0.000000e+00> : vector<200x128xf32>
    %reduce_sum3A_147 = vector.multi_reduction <add>, %reshape3A_145, %reduce_sum3A_146 [1] : vector<200x32x128xf32> to vector<200x128xf32>
    %add3A_148 = arith.addf %get3A_1, %reduce_sum3A_86 : vector<200x128xf32>
    %swap3A = arith.constant 0 : index
    %swap3A_149 = arith.constant 0 : index
    %swap3A_150 = vector.load %arg19[%swap3A, %swap3A_149] : memref<200x128xf32, #tpu.memory_space<vmem>>, vector<200x128xf32>
    tpu.vector_store %arg19[%swap3A, %swap3A_149], %add3A_148 {strides = array<i32>} : memref<200x128xf32, #tpu.memory_space<vmem>>, vector<200x128xf32>,
    %add3A_151 = arith.addf %get3A_4, %reduce_sum3A_147 : vector<200x128xf32>
    %swap3A_152 = arith.constant 0 : index
    %swap3A_153 = arith.constant 0 : index
    %swap3A_154 = vector.load %arg20[%swap3A_152, %swap3A_153] : memref<200x128xf32, #tpu.memory_space<vmem>>, vector<200x128xf32>
    tpu.vector_store %arg20[%swap3A_152, %swap3A_153], %add3A_151 {strides = array<i32>} : memref<200x128xf32, #tpu.memory_space<vmem>>, vector<200x128xf32>,
    return
  }
  func.func @transform_0(%arg0: i32) -> (i32, i32) {
    %c0_i32 = arith.constant 0 : i32
    %c0_i32_0 = arith.constant 0 : i32
    return %arg0, %c0_i32 : i32, i32
  }
  func.func @transform_1(%arg0: i32) -> (i32, i32, i32) {
    %add3A = arith.constant 36 : i32
    %add3A_0 = arith.addi %arg0, %add3A : i32
    %c0_i32 = arith.constant 0 : i32
    %c0_i32_1 = arith.constant 0 : i32
    %c0_i32_2 = arith.constant 0 : i32
    return %add3A_0, %c0_i32, %c0_i32_1 : i32, i32, i32
  }
  func.func @transform_2(%arg0: i32) -> (i32, i32) {
    %add3A = arith.constant 36 : i32
    %add3A_0 = arith.addi %arg0, %add3A : i32
    %c0_i32 = arith.constant 0 : i32
    %c0_i32_1 = arith.constant 0 : i32
    return %add3A_0, %c0_i32 : i32, i32
  }
  func.func @transform_3(%arg0: i32) -> (i32, i32) {
    %add3A = arith.constant 36 : i32
    %add3A_0 = arith.addi %arg0, %add3A : i32
    %c0_i32 = arith.constant 0 : i32
    %c0_i32_1 = arith.constant 0 : i32
    return %add3A_0, %c0_i32 : i32, i32
  }
  func.func @transform_4(%arg0: i32) -> (i32, i32) {
    %c0_i32 = arith.constant 0 : i32
    %c0_i32_0 = arith.constant 0 : i32
    %c0_i32_1 = arith.constant 0 : i32
    return %c0_i32, %c0_i32_0 : i32, i32
  }
  func.func @transform_5(%arg0: i32) -> (i32, i32) {
    %c0_i32 = arith.constant 0 : i32
    %c0_i32_0 = arith.constant 0 : i32
    %c0_i32_1 = arith.constant 0 : i32
    return %c0_i32, %c0_i32_0 : i32, i32
  }
  func.func @transform_6(%arg0: i32) -> (i32, i32) {
    %c0_i32 = arith.constant 0 : i32
    %c0_i32_0 = arith.constant 0 : i32
    %c0_i32_1 = arith.constant 0 : i32
    return %c0_i32, %c0_i32_0 : i32, i32
  }
  func.func @transform_7(%arg0: i32) -> (i32, i32) {
    %c0_i32 = arith.constant 0 : i32
    %c0_i32_0 = arith.constant 0 : i32
    %c0_i32_1 = arith.constant 0 : i32
    return %c0_i32, %c0_i32_0 : i32, i32
  }
  func.func @transform_8(%arg0: i32) -> (i32, i32) {
    %c0_i32 = arith.constant 0 : i32
    %c0_i32_0 = arith.constant 0 : i32
    %c0_i32_1 = arith.constant 0 : i32
    return %c0_i32, %c0_i32_0 : i32, i32
  }
  func.func @transform_9(%arg0: i32) -> (i32, i32) {
    %c0_i32 = arith.constant 0 : i32
    %c0_i32_0 = arith.constant 0 : i32
    %c0_i32_1 = arith.constant 0 : i32
    return %c0_i32, %c0_i32_0 : i32, i32
  }
  func.func @transform_10(%arg0: i32) -> (i32, i32) {
    %c0_i32 = arith.constant 0 : i32
    %c0_i32_0 = arith.constant 0 : i32
    %c0_i32_1 = arith.constant 0 : i32
    return %c0_i32, %c0_i32_0 : i32, i32
  }
  func.func @transform_11(%arg0: i32) -> (i32, i32) {
    %c0_i32 = arith.constant 0 : i32
    %c0_i32_0 = arith.constant 0 : i32
    %c0_i32_1 = arith.constant 0 : i32
    return %c0_i32, %c0_i32_0 : i32, i32
  }
  func.func @transform_12(%arg0: i32) -> (i32, i32) {
    %c0_i32 = arith.constant 0 : i32
    %c0_i32_0 = arith.constant 0 : i32
    %c0_i32_1 = arith.constant 0 : i32
    return %c0_i32, %c0_i32_0 : i32, i32
  }
  func.func @transform_13(%arg0: i32) -> (i32, i32) {
    %c0_i32 = arith.constant 0 : i32
    %c0_i32_0 = arith.constant 0 : i32
    %c0_i32_1 = arith.constant 0 : i32
    return %c0_i32, %c0_i32_0 : i32, i32
  }
  func.func @transform_14(%arg0: i32) -> (i32, i32) {
    %c0_i32 = arith.constant 0 : i32
    %c0_i32_0 = arith.constant 0 : i32
    %c0_i32_1 = arith.constant 0 : i32
    return %c0_i32, %c0_i32_0 : i32, i32
  }
  func.func @transform_15(%arg0: i32) -> (i32, i32) {
    %c0_i32 = arith.constant 0 : i32
    %c0_i32_0 = arith.constant 0 : i32
    %c0_i32_1 = arith.constant 0 : i32
    return %c0_i32, %c0_i32_0 : i32, i32
  }
  func.func @transform_16(%arg0: i32) -> (i32, i32) {
    %c0_i32 = arith.constant 0 : i32
    %c0_i32_0 = arith.constant 0 : i32
    %c0_i32_1 = arith.constant 0 : i32
    return %c0_i32, %c0_i32_0 : i32, i32
  }
  func.func @transform_17(%arg0: i32) -> (i32, i32) {
    %c0_i32 = arith.constant 0 : i32
    %c0_i32_0 = arith.constant 0 : i32
    %c0_i32_1 = arith.constant 0 : i32
    return %c0_i32, %c0_i32_0 : i32, i32
  }
  func.func @transform_18(%arg0: i32) -> (i32, i32) {
    %c0_i32 = arith.constant 0 : i32
    %c0_i32_0 = arith.constant 0 : i32
    return %arg0, %c0_i32 : i32, i32
  }
  func.func @transform_19(%arg0: i32) -> (i32, i32) {
    %c0_i32 = arith.constant 0 : i32
    %c0_i32_0 = arith.constant 0 : i32
    return %arg0, %c0_i32 : i32, i32
  }
}

</mosaic_0001>

<sc_bundles>
// kernel: kernel.12.cloned.1.call-start
scs
__scs_entry_jumppad:
0x0: {  	(pc) =	sbr.rel $0x88, $3  }
0x1: {  	(tag) =	ssettag $0x0;
	lr =	simm.s32 $0x1  }
0x2: {  	[smem:$0x3F8E] =	sst lr;
	_ =	strace $0xD0000000  }
0x3: {  	_ = 	snop  }
0x4: {  	_ = 	snop  }
0x5: {  	_ = 	snop  }
0x6: {  	_ = 	snop  }
0x7: {  	_ = 	snop  }
__scs_overlays_trampoline_lowered:
0x8: {  	[smem:$0x3F9D] =	sst s0  }
0x9: {  	[smem:$0x3F9E] =	sst s1  }
0xa: {  	[smem:$0x3F9F] =	sst s2  }
0xb: {  	[smem:$0x3FA0] =	sst s3  }
0xc: {  	[smem:$0x3FA1] =	sst s4  }
0xd: {  	[smem:$0x3FA2] =	sst s5  }
0xe: {  	[smem:$0x3FA3] =	sst s6  }
0xf: {  	[smem:$0x3FA4] =	sst s7  }
0x10: {  	[smem:$0x3FA5] =	sst s8  }
0x11: {  	[smem:$0x3FA6] =	sst s9;
	s0 =	simm.s32 @!p0 $0x0  }
0x12: {  	s1 =	sld [smem:$0x3F8C];
	s0 =	simm.s32 @p0 $0x1  }
0x13: {  	[smem:$0x3FA7] =	sst s0;
	s0 =	simm.s32 @!p1 $0x0  }
0x14: {  	s2 =	sld [smem:$0x3F8B];
	s0 =	simm.s32 @p1 $0x1  }
0x15: {  	[smem:$0x3FA8] =	sst s0;
	s0 =	simm.s32 @!p2 $0x0  }
0x16: {  	s3 =	sld [smem:$0x3FDB];
	s0 =	simm.s32 @p2 $0x1  }
0x17: {  	s4 =	simm.s32 $0x1BF5;
	[smem:$0x3FAA] =	sst s0  }
0x18: {  	s0 =	sld [smem:$0x3F8D];
	_ =	swait.ge [sflag:s4], $0x0  }
0x19: {  	s7 =	sld [smem:$0x3F8E]  }
0x1a: {  	s8 =	sadd.s32 $0xFFFFE003, lr  }
0x1b: {  	s9 =	sadd.s32 $0xFFFFFEF7, lr;
	s5 =	simm.s32 $0xFFFFFFFF;
	p2 =	slt.u32 s8, $0xFFFFF086  }
0x1c: {  	p1 =	slt.u32 s9, $0xF7A;
	s5 =	simm.s32 @!p2 $0x0  }
0x1d: {  	s5 =	simm.s32 @p1 $0x1;
	p0 =	seq.s32 s7, s2  }
0x1e: {  	s7 =	smul.u32 @!p0 $0xF7A, s2;
	p2 =	seq.s32 @!p0 s5, $0x0  }
0x1f: {  	s9 =	smul.u32 $0xF7A, s1;
	s8 =	simm.s32 @!p0 $0x1BF5;
	p2 =	por !p2, p0  }
0x20: {  	[sflag:s8] =	ssyncset.s32 @!p0 $0xFFFFF086;
	s6 =	sadd.s32 @!p0 s3, s7;
	s7 =	simm.s32 @!p0 $0x108  }
0x21: {  	s3 =	sadd.s32 s3, s9;
	s6 =	sadd.s32 @!p0 $0x88, s6;
	s7 =	simm.s32 @p2 $0x1082  }
0x22: {  	[simem:s7], [sflag:s8] =	dma.local @!p0 [hbm:s6], $0xF7A  }
0x23: {  	s9 =	sor.u32 $0xD0000000, s2;
	s6 =	simm.s32 $0x108;
	_ =	swait.ge @!p0 [sflag:s8], $0x0  }
0x24: {  	s3 =	sadd.s32 $0x88, s3;
	s6 =	simm.s32 @!p1 $0x1082;
	[sflag:s4] =	ssyncset.s32 $0xFFFFF086  }
0x25: {  	[simem:s6], [sflag:s4] =	dma.local [hbm:s3], $0xF7A  }
0x26: {  	[smem:$0x3F8E] =	sst s1;
	(tag) =	ssettag s2;
	_ =	strace s9  }
0x27: {  	s1 =	sld [smem:$0x3F9E]  }
0x28: {  	s2 =	sld [smem:$0x3F9F]  }
0x29: {  	s4 =	sld [smem:$0x3FA1]  }
0x2a: {  	p0 =	seq.s32 s5, $0x0;
	s5 =	sld [smem:$0x3FA2]  }
0x2b: {  	s6 =	sld [smem:$0x3FA3]  }
0x2c: {  	s7 =	sld [smem:$0x3FA4]  }
0x2d: {  	s3 =	simm.s32 $0x108;
	s8 =	sld [smem:$0x3FA5]  }
0x2e: {  	s3 =	simm.s32 @!p0 $0x1082;
	s9 =	sld [smem:$0x3FA6]  }
0x2f: {  	lr =	sadd.s32 s0, s3;
	s0 =	sld [smem:$0x3F9D]  }
0x30: {  	s3 =	sld [smem:$0x3FA0]  }
0x31: {  	[smem:$0x3FA9] =	sst s10  }
0x32: {  	s10 =	sld [smem:$0x3FA7];
	_ =	sdelay $0x3  }
0x33: {  	p0 =	seq.s32 s10, $0x1;
	s10 =	sld [smem:$0x3FA9];
	_ =	sdelay $0x3  }
0x34: {  	[smem:$0x3FA9] =	sst s10  }
0x35: {  	s10 =	sld [smem:$0x3FA8];
	_ =	sdelay $0x3  }
0x36: {  	p1 =	seq.s32 s10, $0x1;
	s10 =	sld [smem:$0x3FA9];
	_ =	sdelay $0x3  }
0x37: {  	[smem:$0x3FA9] =	sst s10  }
0x38: {  	s10 =	sld [smem:$0x3FAA]  }
0x39: {  	_ = 	snop;
	(pc) =	sbr.ind lr, $3  }
0x3a: {  	_ = 	snop  }
0x3b: {  	_ = 	snop  }
0x3c: {  	p2 =	seq.s32 s10, $0x1;
	s10 =	sld [smem:$0x3FA9]  }
0x3d: {  	_ =	shalt  }
0x3e: {  	_ =	shalt  }
0x3f: {  	_ =	shalt  }
0x40: {  	_ =	shalt  }
0x41: {  	_ =	shalt  }
0x42: {  	_ =	shalt  }
0x43: {  	_ =	shalt  }
0x44: {  	_ =	shalt  }
0x45: {  	_ =	shalt  }
0x46: {  	_ =	shalt  }
0x47: {  	_ =	shalt  }
0x48: {  	_ =	shalt  }
0x49: {  	_ =	shalt  }
0x4a: {  	_ =	shalt  }
0x4b: {  	_ =	shalt  }
0x4c: {  	_ =	shalt  }
0x4d: {  	_ =	shalt  }
0x4e: {  	_ =	shalt  }
0x4f: {  	_ =	shalt  }
0x50: {  	_ =	shalt  }
0x51: {  	_ =	shalt  }
0x52: {  	_ =	shalt  }
0x53: {  	_ =	shalt  }
0x54: {  	_ =	shalt  }
0x55: {  	_ =	shalt  }
0x56: {  	_ =	shalt  }
0x57: {  	_ =	shalt  }
0x58: {  	_ =	shalt  }
0x59: {  	_ =	shalt  }
0x5a: {  	_ =	shalt  }
0x5b: {  	_ =	shalt  }
0x5c: {  	_ =	shalt  }
0x5d: {  	_ =	shalt  }
0x5e: {  	_ =	shalt  }
0x5f: {  	_ =	shalt  }
0x60: {  	_ =	shalt  }
0x61: {  	_ =	shalt  }
0x62: {  	_ =	shalt  }
0x63: {  	_ =	shalt  }
0x64: {  	_ =	shalt  }
0x65: {  	_ =	shalt  }
0x66: {  	_ =	shalt  }
0x67: {  	_ =	shalt  }
0x68: {  	_ =	shalt  }
0x69: {  	_ =	shalt  }
0x6a: {  	_ =	shalt  }
0x6b: {  	_ =	shalt  }
0x6c: {  	_ =	shalt  }
0x6d: {  	_ =	shalt  }
0x6e: {  	_ =	shalt  }
0x6f: {  	_ =	shalt  }
0x70: {  	_ =	shalt  }
0x71: {  	_ =	shalt  }
0x72: {  	_ =	shalt  }
0x73: {  	_ =	shalt  }
0x74: {  	_ =	shalt  }
0x75: {  	_ =	shalt  }
0x76: {  	_ =	shalt  }
0x77: {  	_ =	shalt  }
0x78: {  	_ =	shalt  }
0x79: {  	_ =	shalt  }
0x7a: {  	_ =	shalt  }
0x7b: {  	_ =	shalt  }
0x7c: {  	_ =	shalt  }
0x7d: {  	_ =	shalt  }
0x7e: {  	_ =	shalt  }
0x7f: {  	_ =	shalt  }
0x80: {  	_ =	shalt  }
0x81: {  	_ =	shalt  }
0x82: {  	_ =	shalt  }
0x83: {  	_ =	shalt  }
0x84: {  	_ =	shalt  }
0x85: {  	_ =	shalt  }
0x86: {  	_ =	shalt  }
0x87: {  	_ =	shalt  }
.Lfunc_end0:
.L_simem_size_0:
called_computation_lowered:
.L_overlay_start_0:
0x88: {  	s2 =	sld [smem:$0x3FD9]  }
0x89: {  	s3 =	sld [smem:$0x3FFE];
	_ =	sdelay $0x1  }
0x8a: {  	s1 =	srdreg.scid  }
0x8b: {  	s0 =	sand.u32 $0x1, s1  }
0x8c: {  	s14 =	sshll.u32 s0, $0xA;
	s2 =	sadd.s32 s3, s2  }
0x8d: {  	s2 =	sadd.s32 s2, s14  }
0x8e: {  	[smem:$0x3FB5] =	sst s2  }
0x8f: {  	_ = 	snop  }
0x90: {  	s2 =	sld [smem:$0x3FD0];
	_ =	sdelay $0x2  }
0x91: {  	s15 =	simm.s32 $0xE;
	s4 =	simm.s32 $0x10  }
0x92: {  	[smem:s4], [sflag:s15] =	dma.local [hbm:s2], $0x1  }
0x93: {  	_ =	swait.eq [sflag:s15], $0x1  }
0x94: {  	[sflag:s15] =	ssyncset.done $0x0  }
0x95: {  	s16 =	sld [smem:$0x10];
	[sflag:s15] =	ssyncadd.s32 $0xFFFFFFFF  }
0x96: {  	s17 =	sld [smem:$0x11];
	(tm) =	ssettm $0x1  }
0x97: {  	s18 =	sld [smem:$0x3FFB];
	_ =	sdelay $0x3  }
0x98: {  	_ =	strace s18  }
0x99: {  	s4 =	sld [smem:$0x3FFC];
	_ =	sdelay $0x3  }
0x9a: {  	_ =	strace s4  }
0x9b: {  	s4 =	sld [smem:$0x3FFD];
	_ =	sdelay $0x3  }
0x9c: {  	_ =	strace s4  }
0x9d: {  	_ =	strace $0x8FFFFFFF  }
0x9e: {  	s19 =	sld [smem:$0x3FDB];
	_ =	sdelay $0x1  }
0x9f: {  	s5 =	simm.s32 $_scs_section_size  }
0xa0: {  	s6 =	simm.s32 $_size__tile_overlayer_lowered;
	s7 =	simm.s32 $_tile_overlayer_lowered  }
0xa1: {  	s22 =	simm.s32 $0x1BFF;
	s21 =	sshll.u32 s7, $0x1;
	s4 =	sadd.s32 s5, s19  }
0xa2: {  	s8 =	simm.s32 $0x0;
	s20 =	sshll.u32 s6, $0x1;
	s6 =	sadd.s32 s21, s4  }
0xa3: {  	[timem:s8], [sflag:s22] =	dma.local [hbm:s6], s20  }
0xa4: {  	_ =	swait.ge [sflag:s22], s20  }
0xa5: {  	s5 =	ssub.s32 $0x0, s20;
	[sflag:s22] =	ssyncset.done $0x0  }
0xa6: {  	[sflag:s22] =	ssyncadd.s32 s5;
	_ =	sdelay $0x1  }
0xa7: {  	s23 =	simm.s32 $0x1B8B  }
0xa8: {  	_ =	swait.ge [sflag:s23], $0x1  }
0xa9: {  	[sflag:s23] =	ssyncset.done $0x0  }
0xaa: {  	s25 =	simm.s32 $0x1B8E;
	s24 =	sld [smem:$0x3FFE];
	[sflag:s23] =	ssyncadd.s32 $0xFFFFFFFF  }
0xab: {  	s26 =	simm.s32 $execute0_lowered;
	[smem:$0x3FD2] =	sst s25  }
0xac: {  	s6 =	sshll.u32 s26, $0x1;
	_ =	strace $0x80000046;
	[dreg:$0x1] =	wrdreg $0xFFFFFFFF  }
0xad: {  	s28 =	simm.s32 $_size_execute0_lowered;
	s4 =	sadd.s32 s4, s6;
	[dreg:$0x0] =	wrdreg $0x0  }
0xae: {  	s6 =	sshll.u32 s28, $0x1;
	[dreg:$0x2] =	wrdreg s4  }
0xaf: {  	[dreg:$0x3] =	wrdreg s6  }
0xb0: {  	[dreg:$0x4] =	wrdreg $0xC0  }
0xb1: {  	_ =	task [dreg:s8], $0x5FFFF  }
0xb2: {  	[dreg:$0x1] =	wrdreg $0xFFFFFFFF  }
0xb3: {  	[dreg:$0x0] =	wrdreg $0x60  }
0xb4: {  	[dreg:$0x2] =	wrdreg s17  }
0xb5: {  	[dreg:$0x3] =	wrdreg s16  }
0xb6: {  	[dreg:$0x4] =	wrdreg s24  }
0xb7: {  	[dreg:$0x5] =	wrdreg $0x9  }
0xb8: {  	_ =	task.clear_ibuf [dreg:s8], $0x6FFFF;
	_ =	strace $0x90000046  }
0xb9: {  	s29 =	simm.s32 $0x9;
	_ =	strace $0x80000048  }
0xba: {  	_ =	swait.ge [sflag:s29], $0x1  }
0xbb: {  	[sflag:s29] =	ssyncadd.s32 $0xFFFFFFFF  }
0xbc: {  	_ =	strace $0x90000048  }
0xbd: {  	_ =	sfence  }
0xbe: {  	s30 =	sld [smem:$0x0];
	_ =	sdelay $0x2  }
0xbf: {  	s31 =	sshll.u32 s1, $0xD;
	s1 =	sshrl.u32 s1, $0x2  }
0xc0: {  	s3 =	sand.u32 $0x4000, s31;
	s1 =	sadd.s32 s1, s30  }
0xc1: {  	s0 =	sor.u32 s3, s0;
	s1 =	sshll.u32 s1, $0x11  }
0xc2: {  	s0 =	sor.u32 s1, s0  }
0xc3: {  	s0 =	sadd.s32 $0x8F2B, s0  }
0xc4: {  	[sflag:s0] =	ssyncadd.remote.s32 $0x1  }
0xc5: {  	_ =	sfence.sel $0xFFFF  }
0xc6: {  	[dreg:$0x0] =	wrdreg $0xFFFFFFFF;
	(pc) =	sbr.abs _section_cstart, $3  }
0xc7: {  	[dreg:$0x1] =	wrdreg $0xFFFFFFFF  }
0xc8: {  	_ =	task.clear_ibuf [dreg:s8], $0x2FFFF;
	_ =	strace $0x9FFFFFFF  }
0xc9: {  	(tm) =	ssettm $0x7FFFFFFF  }
tec
execute0_lowered:
.L_overlay_start_1:
0x0: {  	(tag) =	ssettag $0x1  }
0x1: {  	s1 =	rddreg [dreg:$0x0]  }
0x2: {  	s0 =	stileid.u32;
	s6 =	rddreg [dreg:$0x1]  }
0x3: {  	s2 =	srdreg.scid;
	s7 =	rddreg [dreg:$0x2]  }
0x4: {  	s3 =	simm.s32 $0x0;
	s11 =	simm.s32 $0x0;
	s4 =	smul.u32 $0x6400, s0  }
0x5: {  	s5 =	sand.u32 $0x1, s2;
	s2 =	rddreg [dreg:$0x3];
	s9 =	smul.u32 $0x640, s0  }
0x6: {  	[smem:$0x7FF] =	sst s3;
	s8 =	smul.u32 $0x3200, s5;
	s10 =	ssub.s32 $0x2, s5  }
0x7: {  	s5 =	smul.u32 $0x320, s5;
	s4 =	sadd.s32 s4, s7;
	s30 =	sshrl.u32 s10, $0x1  }
0x8: {  	_ =	strace $0x80000047;
	s7 =	ssub.s32 s10, s30;
	s8 =	sadd.s32 s8, s4  }
0x9: {  	s9 =	sadd.s32 s5, s9;
	s10 =	simm.s32 $0x1;
	s4 =	smax.u32 s7, $0x1  }
0xa: {  	s5 =	sadd.s32 $0x8800, s8;
	s31 =	sshrl.u32 s9, $0x3;
	s7 =	simm.s32 $0x2  }
0xb: {  	s8 =	simm.s32 $0x50;
	s9 =	simm.s32 $0x80;
	s6 =	sadd.s32 s31, s6  }
.LBB2_1:
0xc: {  	s12 =	sadd.s32 $0x0, s6  }
0xd: {  	[tilespmem:s3], [sflag:$0x2] =	stream.linear.gather [hbm4b:s12+s3], $0x50, $0x38;
	[tilespmem:$0x2880] =	vst v63  }
0xe: {  	_ =	swait.ge [sflag:s7], $0x50  }
0xf: {  	[sflag:s7] =	ssyncset.done $0x0  }
0x10: {  	[sflag:s7] =	ssyncadd.s32 $0xFFFFFFB0  }
0x11: {  	[tilespmem:s9], [sflag:$0x1] =	stream.indirect.gather [hbm4b:s1+s8], $0x80, s3, s8, $0xb8;
	[tilespmem:$0x2880] =	vst v63  }
0x12: {  	_ =	swait.ge [sflag:s10], $0x2800  }
0x13: {  	[sflag:s10] =	ssyncset.done $0x0  }
0x14: {  	[sflag:s10] =	ssyncadd.s32 $0xFFFFD800  }
0x15: {  	[hbm4b:s5+s3] =	stream.linear.scatter [tilespmem:s9], [sflag:$0x2], $0x2800, $0x38;
	[tilespmem:$0x2880] =	vst v63  }
0x16: {  	s13 =	simm.s32 $0xA;
	_ =	swait.ge [sflag:s7], $0x2800  }
0x17: {  	s14 =	simm.s32 $0x14;
	s12 =	sadd.s32 $0x500, s5;
	[sflag:s7] =	ssyncset.done $0x0  }
.LBB2_2:
0x18: {  	s15 =	sadd.s32 s13, s6  }
0x19: {  	[sflag:s7] =	ssyncadd.s32 $0xFFFFD800;
	s13 =	smov.u32 s14;
	s16 =	sadd.s32 $0xA, s14  }
0x1a: {  	[tilespmem:s3], [sflag:$0x2] =	stream.linear.gather [hbm4b:s15+s3], $0x50, $0x38;
	[tilespmem:$0x2880] =	vst v63  }
0x1b: {  	p0 =	sne.s32 s14, $0x5A;
	_ =	swait.ge [sflag:s7], $0x50  }
0x1c: {  	[sflag:s7] =	ssyncset.done $0x0  }
0x1d: {  	[sflag:s7] =	ssyncadd.s32 $0xFFFFFFB0  }
0x1e: {  	[tilespmem:s9], [sflag:$0x1] =	stream.indirect.gather [hbm4b:s1+s8], $0x80, s3, s8, $0xb8;
	[tilespmem:$0x2880] =	vst v63  }
0x1f: {  	_ =	swait.ge [sflag:s10], $0x2800  }
.Ltmp0:
0x20: {  	[sflag:s10] =	ssyncset.done $0x0;
	(pc) =	sbr.rel @p0 .LBB2_2-.Ltmp0, $4  }
0x21: {  	[sflag:s10] =	ssyncadd.s32 $0xFFFFD800  }
0x22: {  	[hbm4b:s12+s3] =	stream.linear.scatter [tilespmem:s9], [sflag:$0x2], $0x2800, $0x38;
	[tilespmem:$0x2880] =	vst v63  }
0x23: {  	_ =	swait.ge [sflag:s7], $0x2800  }
0x24: {  	s14 =	smov.u32 s16;
	s12 =	sadd.s32 $0x500, s12;
	[sflag:s7] =	ssyncset.done $0x0  }
0x25: {  	s13 =	sadd.s32 s13, s6;
	[sflag:s7] =	ssyncadd.s32 $0xFFFFD800  }
0x26: {  	[tilespmem:s3], [sflag:$0x2] =	stream.linear.gather [hbm4b:s13+s3], $0x50, $0x38;
	[tilespmem:$0x2880] =	vst v63  }
0x27: {  	_ =	swait.ge [sflag:s7], $0x50  }
0x28: {  	[sflag:s7] =	ssyncset.done $0x0  }
0x29: {  	[sflag:s7] =	ssyncadd.s32 $0xFFFFFFB0  }
0x2a: {  	[tilespmem:s9], [sflag:$0x1] =	stream.indirect.gather [hbm4b:s1+s8], $0x80, s3, s8, $0xb8;
	[tilespmem:$0x2880] =	vst v63  }
0x2b: {  	s11 =	sadd.s32 $0x1, s11;
	_ =	swait.ge [sflag:s10], $0x2800  }
0x2c: {  	p0 =	sne.s32 s11, s4;
	[sflag:s10] =	ssyncset.done $0x0  }
.Ltmp1:
0x2d: {  	[sflag:s10] =	ssyncadd.s32 $0xFFFFD800;
	(pc) =	sbr.rel @p0 .LBB2_1-.Ltmp1, $4  }
0x2e: {  	[hbm4b:s12+s3] =	stream.linear.scatter [tilespmem:s9], [sflag:$0x2], $0x2800, $0x38;
	[tilespmem:$0x2880] =	vst v63  }
0x2f: {  	_ =	swait.ge [sflag:s7], $0x2800  }
0x30: {  	[sflag:s7] =	ssyncset.done $0x0  }
0x31: {  	[sflag:s7] =	ssyncadd.s32 $0xFFFFD800  }
0x32: {  	_ =	sfence.sel $0x180000  }
0x33: {  	[bflag:$0x0] =	sbarrier.arrive $0xFFFF  }
0x34: {  	p0 =	sne.s32 s0, $0x0;
	_ =	strace $0x90000047  }
0x35: {  	s0 =	sadd.s32 @!p0 $0x100000, s2;
	[bflag:$0x2] =	sbarrier.arrive $0xFFFF  }
0x36: {  	[sflag:s0] =	ssyncadd.tile.s32 @!p0 $0x1;
	_ =	shalt  }
.Lfunc_end2:
_tile_overlayer_lowered:
.L_overlay_start_2:
0x37: {  	(tag) =	ssettag $0x2  }
0x38: {  	s0 =	rddreg [dreg:$0x0];
	s2 =	stileid.u32  }
0x39: {  	s1 =	rddreg [dreg:$0x1];
	p0 =	sne.s32 s2, $0x0  }
0x3a: {  	s3 =	rddreg [dreg:$0x2];
	[bflag:$0x3] =	sbarrier.arrive $0xFFFF;
	s2 =	simm.s32 @!p0 $0x1C02  }
0x3b: {  	[timem:s3], [sflag:s2] =	dma.local @!p0 [hbm:s0], s1  }
0x3c: {  	s0 =	simm.s32 @!p0 $0x2  }
0x3d: {  	_ =	swait.ge @!p0 [sflag:s0], s1  }
0x3e: {  	s1 =	ssub.s32 @!p0 $0x0, s1;
	[sflag:s0] =	ssyncset.done @!p0 $0x0  }
0x3f: {  	[sflag:s0] =	ssyncadd.s32 @!p0 s1  }
0x40: {  	[bflag:$0x3] =	sbarrier.arrive $0xFFFF  }
0x41: {  	_ =	shalt  }

// kernel: kernel.15.cloned.1.call-start
scs
__scs_entry_jumppad:
0x0: {  	(pc) =	sbr.rel $0x88, $3  }
0x1: {  	(tag) =	ssettag $0x0;
	lr =	simm.s32 $0x1  }
0x2: {  	[smem:$0x3F8E] =	sst lr;
	_ =	strace $0xD0000000  }
0x3: {  	_ = 	snop  }
0x4: {  	_ = 	snop  }
0x5: {  	_ = 	snop  }
0x6: {  	_ = 	snop  }
0x7: {  	_ = 	snop  }
__scs_overlays_trampoline_lowered:
0x8: {  	[smem:$0x3F9D] =	sst s0  }
0x9: {  	[smem:$0x3F9E] =	sst s1  }
0xa: {  	[smem:$0x3F9F] =	sst s2  }
0xb: {  	[smem:$0x3FA0] =	sst s3  }
0xc: {  	[smem:$0x3FA1] =	sst s4  }
0xd: {  	[smem:$0x3FA2] =	sst s5  }
0xe: {  	[smem:$0x3FA3] =	sst s6  }
0xf: {  	[smem:$0x3FA4] =	sst s7  }
0x10: {  	[smem:$0x3FA5] =	sst s8  }
0x11: {  	[smem:$0x3FA6] =	sst s9;
	s0 =	simm.s32 @!p0 $0x0  }
0x12: {  	s1 =	sld [smem:$0x3F8C];
	s0 =	simm.s32 @p0 $0x1  }
0x13: {  	[smem:$0x3FA7] =	sst s0;
	s0 =	simm.s32 @!p1 $0x0  }
0x14: {  	s2 =	sld [smem:$0x3F8B];
	s0 =	simm.s32 @p1 $0x1  }
0x15: {  	[smem:$0x3FA8] =	sst s0;
	s0 =	simm.s32 @!p2 $0x0  }
0x16: {  	s3 =	sld [smem:$0x3FDB];
	s0 =	simm.s32 @p2 $0x1  }
0x17: {  	s4 =	simm.s32 $0x1BF5;
	[smem:$0x3FAA] =	sst s0  }
0x18: {  	s0 =	sld [smem:$0x3F8D];
	_ =	swait.ge [sflag:s4], $0x0  }
0x19: {  	s7 =	sld [smem:$0x3F8E]  }
0x1a: {  	s8 =	sadd.s32 $0xFFFFE003, lr  }
0x1b: {  	s9 =	sadd.s32 $0xFFFFFEF7, lr;
	s5 =	simm.s32 $0xFFFFFFFF;
	p2 =	slt.u32 s8, $0xFFFFF086  }
0x1c: {  	p1 =	slt.u32 s9, $0xF7A;
	s5 =	simm.s32 @!p2 $0x0  }
0x1d: {  	s5 =	simm.s32 @p1 $0x1;
	p0 =	seq.s32 s7, s2  }
0x1e: {  	s7 =	smul.u32 @!p0 $0xF7A, s2;
	p2 =	seq.s32 @!p0 s5, $0x0  }
0x1f: {  	s9 =	smul.u32 $0xF7A, s1;
	s8 =	simm.s32 @!p0 $0x1BF5;
	p2 =	por !p2, p0  }
0x20: {  	[sflag:s8] =	ssyncset.s32 @!p0 $0xFFFFF086;
	s6 =	sadd.s32 @!p0 s3, s7;
	s7 =	simm.s32 @!p0 $0x108  }
0x21: {  	s3 =	sadd.s32 s3, s9;
	s6 =	sadd.s32 @!p0 $0x88, s6;
	s7 =	simm.s32 @p2 $0x1082  }
0x22: {  	[simem:s7], [sflag:s8] =	dma.local @!p0 [hbm:s6], $0xF7A  }
0x23: {  	s9 =	sor.u32 $0xD0000000, s2;
	s6 =	simm.s32 $0x108;
	_ =	swait.ge @!p0 [sflag:s8], $0x0  }
0x24: {  	s3 =	sadd.s32 $0x88, s3;
	s6 =	simm.s32 @!p1 $0x1082;
	[sflag:s4] =	ssyncset.s32 $0xFFFFF086  }
0x25: {  	[simem:s6], [sflag:s4] =	dma.local [hbm:s3], $0xF7A  }
0x26: {  	[smem:$0x3F8E] =	sst s1;
	(tag) =	ssettag s2;
	_ =	strace s9  }
0x27: {  	s1 =	sld [smem:$0x3F9E]  }
0x28: {  	s2 =	sld [smem:$0x3F9F]  }
0x29: {  	s4 =	sld [smem:$0x3FA1]  }
0x2a: {  	p0 =	seq.s32 s5, $0x0;
	s5 =	sld [smem:$0x3FA2]  }
0x2b: {  	s6 =	sld [smem:$0x3FA3]  }
0x2c: {  	s7 =	sld [smem:$0x3FA4]  }
0x2d: {  	s3 =	simm.s32 $0x108;
	s8 =	sld [smem:$0x3FA5]  }
0x2e: {  	s3 =	simm.s32 @!p0 $0x1082;
	s9 =	sld [smem:$0x3FA6]  }
0x2f: {  	lr =	sadd.s32 s0, s3;
	s0 =	sld [smem:$0x3F9D]  }
0x30: {  	s3 =	sld [smem:$0x3FA0]  }
0x31: {  	[smem:$0x3FA9] =	sst s10  }
0x32: {  	s10 =	sld [smem:$0x3FA7];
	_ =	sdelay $0x3  }
0x33: {  	p0 =	seq.s32 s10, $0x1;
	s10 =	sld [smem:$0x3FA9];
	_ =	sdelay $0x3  }
0x34: {  	[smem:$0x3FA9] =	sst s10  }
0x35: {  	s10 =	sld [smem:$0x3FA8];
	_ =	sdelay $0x3  }
0x36: {  	p1 =	seq.s32 s10, $0x1;
	s10 =	sld [smem:$0x3FA9];
	_ =	sdelay $0x3  }
0x37: {  	[smem:$0x3FA9] =	sst s10  }
0x38: {  	s10 =	sld [smem:$0x3FAA]  }
0x39: {  	_ = 	snop;
	(pc) =	sbr.ind lr, $3  }
0x3a: {  	_ = 	snop  }
0x3b: {  	_ = 	snop  }
0x3c: {  	p2 =	seq.s32 s10, $0x1;
	s10 =	sld [smem:$0x3FA9]  }
0x3d: {  	_ =	shalt  }
0x3e: {  	_ =	shalt  }
0x3f: {  	_ =	shalt  }
0x40: {  	_ =	shalt  }
0x41: {  	_ =	shalt  }
0x42: {  	_ =	shalt  }
0x43: {  	_ =	shalt  }
0x44: {  	_ =	shalt  }
0x45: {  	_ =	shalt  }
0x46: {  	_ =	shalt  }
0x47: {  	_ =	shalt  }
0x48: {  	_ =	shalt  }
0x49: {  	_ =	shalt  }
0x4a: {  	_ =	shalt  }
0x4b: {  	_ =	shalt  }
0x4c: {  	_ =	shalt  }
0x4d: {  	_ =	shalt  }
0x4e: {  	_ =	shalt  }
0x4f: {  	_ =	shalt  }
0x50: {  	_ =	shalt  }
0x51: {  	_ =	shalt  }
0x52: {  	_ =	shalt  }
0x53: {  	_ =	shalt  }
0x54: {  	_ =	shalt  }
0x55: {  	_ =	shalt  }
0x56: {  	_ =	shalt  }
0x57: {  	_ =	shalt  }
0x58: {  	_ =	shalt  }
0x59: {  	_ =	shalt  }
0x5a: {  	_ =	shalt  }
0x5b: {  	_ =	shalt  }
0x5c: {  	_ =	shalt  }
0x5d: {  	_ =	shalt  }
0x5e: {  	_ =	shalt  }
0x5f: {  	_ =	shalt  }
0x60: {  	_ =	shalt  }
0x61: {  	_ =	shalt  }
0x62: {  	_ =	shalt  }
0x63: {  	_ =	shalt  }
0x64: {  	_ =	shalt  }
0x65: {  	_ =	shalt  }
0x66: {  	_ =	shalt  }
0x67: {  	_ =	shalt  }
0x68: {  	_ =	shalt  }
0x69: {  	_ =	shalt  }
0x6a: {  	_ =	shalt  }
0x6b: {  	_ =	shalt  }
0x6c: {  	_ =	shalt  }
0x6d: {  	_ =	shalt  }
0x6e: {  	_ =	shalt  }
0x6f: {  	_ =	shalt  }
0x70: {  	_ =	shalt  }
0x71: {  	_ =	shalt  }
0x72: {  	_ =	shalt  }
0x73: {  	_ =	shalt  }
0x74: {  	_ =	shalt  }
0x75: {  	_ =	shalt  }
0x76: {  	_ =	shalt  }
0x77: {  	_ =	shalt  }
0x78: {  	_ =	shalt  }
0x79: {  	_ =	shalt  }
0x7a: {  	_ =	shalt  }
0x7b: {  	_ =	shalt  }
0x7c: {  	_ =	shalt  }
0x7d: {  	_ =	shalt  }
0x7e: {  	_ =	shalt  }
0x7f: {  	_ =	shalt  }
0x80: {  	_ =	shalt  }
0x81: {  	_ =	shalt  }
0x82: {  	_ =	shalt  }
0x83: {  	_ =	shalt  }
0x84: {  	_ =	shalt  }
0x85: {  	_ =	shalt  }
0x86: {  	_ =	shalt  }
0x87: {  	_ =	shalt  }
.Lfunc_end0:
.L_simem_size_0:
called_computation.1_lowered:
.L_overlay_start_0:
0x88: {  	s2 =	sld [smem:$0x3FD9]  }
0x89: {  	s3 =	sld [smem:$0x3FFE];
	_ =	sdelay $0x1  }
0x8a: {  	s1 =	srdreg.scid  }
0x8b: {  	s0 =	sand.u32 $0x1, s1  }
0x8c: {  	s15 =	sshll.u32 s0, $0xA;
	s2 =	sadd.s32 s3, s2  }
0x8d: {  	s2 =	sadd.s32 s2, s15  }
0x8e: {  	[smem:$0x3FB5] =	sst s2  }
0x8f: {  	_ = 	snop  }
0x90: {  	s2 =	sld [smem:$0x3FD0];
	_ =	sdelay $0x2  }
0x91: {  	s4 =	simm.s32 $0xE;
	s16 =	simm.s32 $0x10  }
0x92: {  	[smem:s16], [sflag:s4] =	dma.local [hbm:s2], $0x1  }
0x93: {  	_ =	swait.eq [sflag:s4], $0x1  }
0x94: {  	[sflag:s4] =	ssyncset.done $0x0  }
0x95: {  	s17 =	sld [smem:$0x10];
	[sflag:s4] =	ssyncadd.s32 $0xFFFFFFFF  }
0x96: {  	s18 =	sld [smem:$0x11];
	(tm) =	ssettm $0x1  }
0x97: {  	s19 =	sld [smem:$0x3FFB];
	_ =	sdelay $0x3  }
0x98: {  	_ =	strace s19  }
0x99: {  	s2 =	sld [smem:$0x3FFC];
	_ =	sdelay $0x3  }
0x9a: {  	_ =	strace s2  }
0x9b: {  	s2 =	sld [smem:$0x3FFD];
	_ =	sdelay $0x3  }
0x9c: {  	_ =	strace s2  }
0x9d: {  	_ =	strace $0x8FFFFFFF  }
0x9e: {  	s20 =	sld [smem:$0x3FDB];
	_ =	sdelay $0x1  }
0x9f: {  	s5 =	simm.s32 $_scs_section_size  }
0xa0: {  	s6 =	simm.s32 $_size__tile_overlayer_lowered;
	s7 =	simm.s32 $_tile_overlayer_lowered  }
0xa1: {  	s8 =	simm.s32 $0x1BFF;
	s21 =	sshll.u32 s7, $0x1;
	s5 =	sadd.s32 s5, s20  }
0xa2: {  	s22 =	simm.s32 $0x0;
	s6 =	sshll.u32 s6, $0x1;
	s7 =	sadd.s32 s21, s5  }
0xa3: {  	[timem:s22], [sflag:s8] =	dma.local [hbm:s7], s6  }
0xa4: {  	_ =	swait.ge [sflag:s8], s6  }
0xa5: {  	s6 =	ssub.s32 $0x0, s6;
	[sflag:s8] =	ssyncset.done $0x0  }
0xa6: {  	[sflag:s8] =	ssyncadd.s32 s6;
	_ =	sdelay $0x1  }
0xa7: {  	s23 =	simm.s32 $0x1B8B  }
0xa8: {  	_ =	swait.ge [sflag:s23], $0x1  }
0xa9: {  	[sflag:s23] =	ssyncset.done $0x0  }
0xaa: {  	[sflag:s23] =	ssyncadd.s32 $0xFFFFFFFF  }
0xab: {  	s6 =	sld [smem:$0x0]  }
0xac: {  	s7 =	sand.u32 $0xFFFFFFFE, s1  }
0xad: {  	p0 =	sne.s32 s1, s7  }
0xae: {  	s7 =	sshll.u32 @p0 s7, $0xE  }
0xaf: {  	s7 =	sadd.s32 @p0 $0x11B8D, s7;
	s8 =	sshll.u32 @p0 s6, $0x11  }
0xb0: {  	s7 =	sor.u32 @p0 s8, s7  }
0xb1: {  	[sflag:s7] =	ssyncadd.remote.s32 @p0 $0x1;
	_ =	sdelay $0x1  }
0xb2: {  	s7 =	simm.s32 @p0 $0x1B8D  }
0xb3: {  	_ =	swait.eq @p0 [sflag:s7], $0x1  }
0xb4: {  	[sflag:s7] =	ssyncadd.s32 @p0 $0xFFFFFFFF  }
0xb5: {  	s8 =	sshll.u32 @!p0 s1, $0xE  }
0xb6: {  	s8 =	sor.u32 @!p0 $0x4000, s8;
	s7 =	simm.s32 @!p0 $0x1B8D  }
0xb7: {  	s6 =	sshll.u32 @!p0 s6, $0x11;
	s8 =	sadd.s32 @!p0 $0x11B8D, s8;
	_ =	swait.eq @!p0 [sflag:s7], $0x1  }
0xb8: {  	s6 =	sor.u32 @!p0 s6, s8;
	[sflag:s7] =	ssyncadd.s32 @!p0 $0xFFFFFFFF  }
0xb9: {  	s25 =	simm.s32 $0x1B8E;
	s24 =	sld [smem:$0x3FFE];
	[sflag:s6] =	ssyncadd.remote.s32 @!p0 $0x1  }
0xba: {  	s26 =	simm.s32 $execute0_lowered;
	[smem:$0x3FD2] =	sst s25  }
0xbb: {  	s7 =	sshll.u32 s26, $0x1;
	_ =	strace $0x80000049;
	[dreg:$0x1] =	wrdreg $0xFFFFFFFF  }
0xbc: {  	s28 =	simm.s32 $_size_execute0_lowered;
	s5 =	sadd.s32 s5, s7;
	[dreg:$0x0] =	wrdreg $0x0  }
0xbd: {  	s7 =	sshll.u32 s28, $0x1;
	[dreg:$0x2] =	wrdreg s5  }
0xbe: {  	[dreg:$0x3] =	wrdreg s7  }
0xbf: {  	[dreg:$0x4] =	wrdreg $0xC0  }
0xc0: {  	_ =	task [dreg:s22], $0x5FFFF  }
0xc1: {  	[dreg:$0x1] =	wrdreg $0xFFFFFFFF  }
0xc2: {  	[dreg:$0x0] =	wrdreg $0x60  }
0xc3: {  	[dreg:$0x2] =	wrdreg s18  }
0xc4: {  	[dreg:$0x3] =	wrdreg s17  }
0xc5: {  	[dreg:$0x4] =	wrdreg s24  }
0xc6: {  	[dreg:$0x5] =	wrdreg $0xA  }
0xc7: {  	_ =	task.clear_ibuf [dreg:s22], $0x6FFFF;
	_ =	strace $0x90000049  }
0xc8: {  	s29 =	simm.s32 $0xA;
	_ =	strace $0x8000004B  }
0xc9: {  	_ =	swait.ge [sflag:s29], $0x1  }
0xca: {  	[sflag:s29] =	ssyncadd.s32 $0xFFFFFFFF  }
0xcb: {  	_ =	strace $0x9000004B  }
0xcc: {  	_ =	sfence  }
0xcd: {  	s30 =	sld [smem:$0x0];
	_ =	sdelay $0x2  }
0xce: {  	s31 =	sshll.u32 s1, $0xD;
	s1 =	sshrl.u32 s1, $0x2  }
0xcf: {  	s4 =	sand.u32 $0x4000, s31;
	s1 =	sadd.s32 s1, s30  }
0xd0: {  	s0 =	sor.u32 s4, s0;
	s1 =	sshll.u32 s1, $0x11  }
0xd1: {  	s0 =	sor.u32 s1, s0  }
0xd2: {  	s0 =	sadd.s32 $0x8F2B, s0  }
0xd3: {  	[sflag:s0] =	ssyncadd.remote.s32 $0x1  }
0xd4: {  	_ =	sfence.sel $0xFFFF  }
0xd5: {  	[dreg:$0x0] =	wrdreg $0xFFFFFFFF;
	(pc) =	sbr.abs _section_cstart, $3  }
0xd6: {  	[dreg:$0x1] =	wrdreg $0xFFFFFFFF  }
0xd7: {  	_ =	task.clear_ibuf [dreg:s22], $0x2FFFF;
	_ =	strace $0x9FFFFFFF  }
0xd8: {  	(tm) =	ssettm $0x7FFFFFFF  }
0xd9: {  	_ =	shalt  }
tec
execute0_lowered:
.L_overlay_start_1:
0x0: {  	(tag) =	ssettag $0x1  }
0x1: {  	s2 =	rddreg [dreg:$0x0]  }
0x2: {  	s6 =	rddreg [dreg:$0x1]  }
0x3: {  	s4 =	rddreg [dreg:$0x2];
	s1 =	stileid.u32  }
0x4: {  	s7 =	srdreg.scid;
	s5 =	smul.u32 $0xC800, s1  }
0x5: {  	s0 =	rddreg [dreg:$0x3];
	s7 =	sand.u32 $0x1, s7;
	s8 =	smul.u32 $0xC80, s1  }
0x6: {  	s3 =	simm.s32 $0x0;
	s11 =	simm.s32 $0x0;
	s9 =	smul.u32 $0x640, s7  }
0x7: {  	[smem:$0x7FF] =	sst s3;
	s10 =	ssub.s32 $0x2, s7;
	s7 =	smul.u32 $0x6400, s7  }
0x8: {  	_ =	strace $0x8000004A;
	s4 =	sadd.s32 s5, s4;
	s30 =	sshrl.u32 s10, $0x1  }
0x9: {  	s8 =	sadd.s32 s9, s8;
	s5 =	ssub.s32 s10, s30;
	s7 =	sadd.s32 s7, s4  }
0xa: {  	s9 =	simm.s32 $0x80;
	s10 =	simm.s32 $0x1;
	s8 =	sadd.s32 $0x6400, s8  }
0xb: {  	s4 =	smax.u32 s5, $0x1;
	s5 =	sadd.s32 $0x6C800, s7;
	s31 =	sshrl.u32 s8, $0x3  }
0xc: {  	s7 =	simm.s32 $0x2;
	s8 =	simm.s32 $0x50;
	s6 =	sadd.s32 s31, s6  }
.LBB2_1:
0xd: {  	s12 =	sadd.s32 $0x0, s6  }
0xe: {  	[tilespmem:s3], [sflag:$0x2] =	stream.linear.gather [hbm4b:s12+s3], $0x50, $0x38;
	[tilespmem:$0x2880] =	vst v63  }
0xf: {  	_ =	swait.ge [sflag:s7], $0x50  }
0x10: {  	[sflag:s7] =	ssyncset.done $0x0  }
0x11: {  	[sflag:s7] =	ssyncadd.s32 $0xFFFFFFB0  }
0x12: {  	[tilespmem:s9], [sflag:$0x1] =	stream.indirect.gather [hbm4b:s2+s8], $0x80, s3, s8, $0xb8;
	[tilespmem:$0x2880] =	vst v63  }
0x13: {  	_ =	swait.ge [sflag:s10], $0x2800  }
0x14: {  	[sflag:s10] =	ssyncset.done $0x0  }
0x15: {  	[sflag:s10] =	ssyncadd.s32 $0xFFFFD800  }
0x16: {  	[hbm4b:s5+s3] =	stream.linear.scatter [tilespmem:s9], [sflag:$0x2], $0x2800, $0x38;
	[tilespmem:$0x2880] =	vst v63  }
0x17: {  	s13 =	simm.s32 $0xA;
	_ =	swait.ge [sflag:s7], $0x2800  }
0x18: {  	s14 =	simm.s32 $0x14;
	s12 =	sadd.s32 $0x500, s5;
	[sflag:s7] =	ssyncset.done $0x0  }
.LBB2_2:
0x19: {  	s15 =	sadd.s32 s13, s6  }
0x1a: {  	[sflag:s7] =	ssyncadd.s32 $0xFFFFD800;
	s13 =	smov.u32 s14;
	s16 =	sadd.s32 $0xA, s14  }
0x1b: {  	[tilespmem:s3], [sflag:$0x2] =	stream.linear.gather [hbm4b:s15+s3], $0x50, $0x38;
	[tilespmem:$0x2880] =	vst v63  }
0x1c: {  	p0 =	sne.s32 s14, $0xBE;
	_ =	swait.ge [sflag:s7], $0x50  }
0x1d: {  	[sflag:s7] =	ssyncset.done $0x0  }
0x1e: {  	[sflag:s7] =	ssyncadd.s32 $0xFFFFFFB0  }
0x1f: {  	[tilespmem:s9], [sflag:$0x1] =	stream.indirect.gather [hbm4b:s2+s8], $0x80, s3, s8, $0xb8;
	[tilespmem:$0x2880] =	vst v63  }
0x20: {  	_ =	swait.ge [sflag:s10], $0x2800  }
.Ltmp0:
0x21: {  	[sflag:s10] =	ssyncset.done $0x0;
	(pc) =	sbr.rel @p0 .LBB2_2-.Ltmp0, $4  }
0x22: {  	[sflag:s10] =	ssyncadd.s32 $0xFFFFD800  }
0x23: {  	[hbm4b:s12+s3] =	stream.linear.scatter [tilespmem:s9], [sflag:$0x2], $0x2800, $0x38;
	[tilespmem:$0x2880] =	vst v63  }
0x24: {  	_ =	swait.ge [sflag:s7], $0x2800  }
0x25: {  	s14 =	smov.u32 s16;
	s12 =	sadd.s32 $0x500, s12;
	[sflag:s7] =	ssyncset.done $0x0  }
0x26: {  	s13 =	sadd.s32 s13, s6;
	[sflag:s7] =	ssyncadd.s32 $0xFFFFD800  }
0x27: {  	[tilespmem:s3], [sflag:$0x2] =	stream.linear.gather [hbm4b:s13+s3], $0x50, $0x38;
	[tilespmem:$0x2880] =	vst v63  }
0x28: {  	_ =	swait.ge [sflag:s7], $0x50  }
0x29: {  	[sflag:s7] =	ssyncset.done $0x0  }
0x2a: {  	[sflag:s7] =	ssyncadd.s32 $0xFFFFFFB0  }
0x2b: {  	[tilespmem:s9], [sflag:$0x1] =	stream.indirect.gather [hbm4b:s2+s8], $0x80, s3, s8, $0xb8;
	[tilespmem:$0x2880] =	vst v63  }
0x2c: {  	s11 =	sadd.s32 $0x1, s11;
	_ =	swait.ge [sflag:s10], $0x2800  }
0x2d: {  	p0 =	sne.s32 s11, s4;
	[sflag:s10] =	ssyncset.done $0x0  }
.Ltmp1:
0x2e: {  	[sflag:s10] =	ssyncadd.s32 $0xFFFFD800;
	(pc) =	sbr.rel @p0 .LBB2_1-.Ltmp1, $4  }
0x2f: {  	[hbm4b:s12+s3] =	stream.linear.scatter [tilespmem:s9], [sflag:$0x2], $0x2800, $0x38;
	[tilespmem:$0x2880] =	vst v63  }
0x30: {  	_ =	swait.ge [sflag:s7], $0x2800  }
0x31: {  	[sflag:s7] =	ssyncset.done $0x0  }
0x32: {  	[sflag:s7] =	ssyncadd.s32 $0xFFFFD800  }
0x33: {  	_ =	sfence.sel $0x180000  }
0x34: {  	[bflag:$0x0] =	sbarrier.arrive $0xFFFF  }
0x35: {  	p0 =	sne.s32 s1, $0x0;
	_ =	strace $0x9000004A  }
0x36: {  	s0 =	sadd.s32 @!p0 $0x100000, s0;
	[bflag:$0x2] =	sbarrier.arrive $0xFFFF  }
0x37: {  	[sflag:s0] =	ssyncadd.tile.s32 @!p0 $0x1;
	_ =	shalt  }
.Lfunc_end2:
_tile_overlayer_lowered:
.L_overlay_start_2:
0x38: {  	(tag) =	ssettag $0x2  }
0x39: {  	s0 =	rddreg [dreg:$0x0];
	s2 =	stileid.u32  }
0x3a: {  	s1 =	rddreg [dreg:$0x1];
	p0 =	sne.s32 s2, $0x0  }
0x3b: {  	s3 =	rddreg [dreg:$0x2];
	[bflag:$0x3] =	sbarrier.arrive $0xFFFF;
	s2 =	simm.s32 @!p0 $0x1C02  }
0x3c: {  	[timem:s3], [sflag:s2] =	dma.local @!p0 [hbm:s0], s1  }
0x3d: {  	s0 =	simm.s32 @!p0 $0x2  }
0x3e: {  	_ =	swait.ge @!p0 [sflag:s0], s1  }
0x3f: {  	s1 =	ssub.s32 @!p0 $0x0, s1;
	[sflag:s0] =	ssyncset.done @!p0 $0x0  }
0x40: {  	[sflag:s0] =	ssyncadd.s32 @!p0 s1  }
0x41: {  	[bflag:$0x3] =	sbarrier.arrive $0xFFFF  }
0x42: {  	_ =	shalt  }

// kernel: kernel.18.cloned.1.call-start
scs
__scs_entry_jumppad:
0x0: {  	(pc) =	sbr.rel $0x88, $3  }
0x1: {  	(tag) =	ssettag $0x0;
	lr =	simm.s32 $0x1  }
0x2: {  	[smem:$0x3F8E] =	sst lr;
	_ =	strace $0xD0000000  }
0x3: {  	_ = 	snop  }
0x4: {  	_ = 	snop  }
0x5: {  	_ = 	snop  }
0x6: {  	_ = 	snop  }
0x7: {  	_ = 	snop  }
__scs_overlays_trampoline_lowered:
0x8: {  	[smem:$0x3F9D] =	sst s0  }
0x9: {  	[smem:$0x3F9E] =	sst s1  }
0xa: {  	[smem:$0x3F9F] =	sst s2  }
0xb: {  	[smem:$0x3FA0] =	sst s3  }
0xc: {  	[smem:$0x3FA1] =	sst s4  }
0xd: {  	[smem:$0x3FA2] =	sst s5  }
0xe: {  	[smem:$0x3FA3] =	sst s6  }
0xf: {  	[smem:$0x3FA4] =	sst s7  }
0x10: {  	[smem:$0x3FA5] =	sst s8  }
0x11: {  	[smem:$0x3FA6] =	sst s9;
	s0 =	simm.s32 @!p0 $0x0  }
0x12: {  	s1 =	sld [smem:$0x3F8C];
	s0 =	simm.s32 @p0 $0x1  }
0x13: {  	[smem:$0x3FA7] =	sst s0;
	s0 =	simm.s32 @!p1 $0x0  }
0x14: {  	s2 =	sld [smem:$0x3F8B];
	s0 =	simm.s32 @p1 $0x1  }
0x15: {  	[smem:$0x3FA8] =	sst s0;
	s0 =	simm.s32 @!p2 $0x0  }
0x16: {  	s3 =	sld [smem:$0x3FDB];
	s0 =	simm.s32 @p2 $0x1  }
0x17: {  	s4 =	simm.s32 $0x1BF5;
	[smem:$0x3FAA] =	sst s0  }
0x18: {  	s0 =	sld [smem:$0x3F8D];
	_ =	swait.ge [sflag:s4], $0x0  }
0x19: {  	s7 =	sld [smem:$0x3F8E]  }
0x1a: {  	s8 =	sadd.s32 $0xFFFFE003, lr  }
0x1b: {  	s9 =	sadd.s32 $0xFFFFFEF7, lr;
	s5 =	simm.s32 $0xFFFFFFFF;
	p2 =	slt.u32 s8, $0xFFFFF086  }
0x1c: {  	p1 =	slt.u32 s9, $0xF7A;
	s5 =	simm.s32 @!p2 $0x0  }
0x1d: {  	s5 =	simm.s32 @p1 $0x1;
	p0 =	seq.s32 s7, s2  }
0x1e: {  	s7 =	smul.u32 @!p0 $0xF7A, s2;
	p2 =	seq.s32 @!p0 s5, $0x0  }
0x1f: {  	s9 =	smul.u32 $0xF7A, s1;
	s8 =	simm.s32 @!p0 $0x1BF5;
	p2 =	por !p2, p0  }
0x20: {  	[sflag:s8] =	ssyncset.s32 @!p0 $0xFFFFF086;
	s6 =	sadd.s32 @!p0 s3, s7;
	s7 =	simm.s32 @!p0 $0x108  }
0x21: {  	s3 =	sadd.s32 s3, s9;
	s6 =	sadd.s32 @!p0 $0x88, s6;
	s7 =	simm.s32 @p2 $0x1082  }
0x22: {  	[simem:s7], [sflag:s8] =	dma.local @!p0 [hbm:s6], $0xF7A  }
0x23: {  	s9 =	sor.u32 $0xD0000000, s2;
	s6 =	simm.s32 $0x108;
	_ =	swait.ge @!p0 [sflag:s8], $0x0  }
0x24: {  	s3 =	sadd.s32 $0x88, s3;
	s6 =	simm.s32 @!p1 $0x1082;
	[sflag:s4] =	ssyncset.s32 $0xFFFFF086  }
0x25: {  	[simem:s6], [sflag:s4] =	dma.local [hbm:s3], $0xF7A  }
0x26: {  	[smem:$0x3F8E] =	sst s1;
	(tag) =	ssettag s2;
	_ =	strace s9  }
0x27: {  	s1 =	sld [smem:$0x3F9E]  }
0x28: {  	s2 =	sld [smem:$0x3F9F]  }
0x29: {  	s4 =	sld [smem:$0x3FA1]  }
0x2a: {  	p0 =	seq.s32 s5, $0x0;
	s5 =	sld [smem:$0x3FA2]  }
0x2b: {  	s6 =	sld [smem:$0x3FA3]  }
0x2c: {  	s7 =	sld [smem:$0x3FA4]  }
0x2d: {  	s3 =	simm.s32 $0x108;
	s8 =	sld [smem:$0x3FA5]  }
0x2e: {  	s3 =	simm.s32 @!p0 $0x1082;
	s9 =	sld [smem:$0x3FA6]  }
0x2f: {  	lr =	sadd.s32 s0, s3;
	s0 =	sld [smem:$0x3F9D]  }
0x30: {  	s3 =	sld [smem:$0x3FA0]  }
0x31: {  	[smem:$0x3FA9] =	sst s10  }
0x32: {  	s10 =	sld [smem:$0x3FA7];
	_ =	sdelay $0x3  }
0x33: {  	p0 =	seq.s32 s10, $0x1;
	s10 =	sld [smem:$0x3FA9];
	_ =	sdelay $0x3  }
0x34: {  	[smem:$0x3FA9] =	sst s10  }
0x35: {  	s10 =	sld [smem:$0x3FA8];
	_ =	sdelay $0x3  }
0x36: {  	p1 =	seq.s32 s10, $0x1;
	s10 =	sld [smem:$0x3FA9];
	_ =	sdelay $0x3  }
0x37: {  	[smem:$0x3FA9] =	sst s10  }
0x38: {  	s10 =	sld [smem:$0x3FAA]  }
0x39: {  	_ = 	snop;
	(pc) =	sbr.ind lr, $3  }
0x3a: {  	_ = 	snop  }
0x3b: {  	_ = 	snop  }
0x3c: {  	p2 =	seq.s32 s10, $0x1;
	s10 =	sld [smem:$0x3FA9]  }
0x3d: {  	_ =	shalt  }
0x3e: {  	_ =	shalt  }
0x3f: {  	_ =	shalt  }
0x40: {  	_ =	shalt  }
0x41: {  	_ =	shalt  }
0x42: {  	_ =	shalt  }
0x43: {  	_ =	shalt  }
0x44: {  	_ =	shalt  }
0x45: {  	_ =	shalt  }
0x46: {  	_ =	shalt  }
0x47: {  	_ =	shalt  }
0x48: {  	_ =	shalt  }
0x49: {  	_ =	shalt  }
0x4a: {  	_ =	shalt  }
0x4b: {  	_ =	shalt  }
0x4c: {  	_ =	shalt  }
0x4d: {  	_ =	shalt  }
0x4e: {  	_ =	shalt  }
0x4f: {  	_ =	shalt  }
0x50: {  	_ =	shalt  }
0x51: {  	_ =	shalt  }
0x52: {  	_ =	shalt  }
0x53: {  	_ =	shalt  }
0x54: {  	_ =	shalt  }
0x55: {  	_ =	shalt  }
0x56: {  	_ =	shalt  }
0x57: {  	_ =	shalt  }
0x58: {  	_ =	shalt  }
0x59: {  	_ =	shalt  }
0x5a: {  	_ =	shalt  }
0x5b: {  	_ =	shalt  }
0x5c: {  	_ =	shalt  }
0x5d: {  	_ =	shalt  }
0x5e: {  	_ =	shalt  }
0x5f: {  	_ =	shalt  }
0x60: {  	_ =	shalt  }
0x61: {  	_ =	shalt  }
0x62: {  	_ =	shalt  }
0x63: {  	_ =	shalt  }
0x64: {  	_ =	shalt  }
0x65: {  	_ =	shalt  }
0x66: {  	_ =	shalt  }
0x67: {  	_ =	shalt  }
0x68: {  	_ =	shalt  }
0x69: {  	_ =	shalt  }
0x6a: {  	_ =	shalt  }
0x6b: {  	_ =	shalt  }
0x6c: {  	_ =	shalt  }
0x6d: {  	_ =	shalt  }
0x6e: {  	_ =	shalt  }
0x6f: {  	_ =	shalt  }
0x70: {  	_ =	shalt  }
0x71: {  	_ =	shalt  }
0x72: {  	_ =	shalt  }
0x73: {  	_ =	shalt  }
0x74: {  	_ =	shalt  }
0x75: {  	_ =	shalt  }
0x76: {  	_ =	shalt  }
0x77: {  	_ =	shalt  }
0x78: {  	_ =	shalt  }
0x79: {  	_ =	shalt  }
0x7a: {  	_ =	shalt  }
0x7b: {  	_ =	shalt  }
0x7c: {  	_ =	shalt  }
0x7d: {  	_ =	shalt  }
0x7e: {  	_ =	shalt  }
0x7f: {  	_ =	shalt  }
0x80: {  	_ =	shalt  }
0x81: {  	_ =	shalt  }
0x82: {  	_ =	shalt  }
0x83: {  	_ =	shalt  }
0x84: {  	_ =	shalt  }
0x85: {  	_ =	shalt  }
0x86: {  	_ =	shalt  }
0x87: {  	_ =	shalt  }
.Lfunc_end0:
.L_simem_size_0:
called_computation.2_lowered:
.L_overlay_start_0:
0x88: {  	s2 =	sld [smem:$0x3FD9]  }
0x89: {  	s3 =	sld [smem:$0x3FFE];
	_ =	sdelay $0x1  }
0x8a: {  	s1 =	srdreg.scid  }
0x8b: {  	s0 =	sand.u32 $0x1, s1  }
0x8c: {  	s15 =	sshll.u32 s0, $0xA;
	s2 =	sadd.s32 s3, s2  }
0x8d: {  	s2 =	sadd.s32 s2, s15  }
0x8e: {  	[smem:$0x3FB5] =	sst s2  }
0x8f: {  	_ = 	snop  }
0x90: {  	s2 =	sld [smem:$0x3FD0];
	_ =	sdelay $0x2  }
0x91: {  	s4 =	simm.s32 $0xE;
	s16 =	simm.s32 $0x10  }
0x92: {  	[smem:s16], [sflag:s4] =	dma.local [hbm:s2], $0x1  }
0x93: {  	_ =	swait.eq [sflag:s4], $0x1  }
0x94: {  	[sflag:s4] =	ssyncset.done $0x0  }
0x95: {  	s17 =	sld [smem:$0x10];
	[sflag:s4] =	ssyncadd.s32 $0xFFFFFFFF  }
0x96: {  	s18 =	sld [smem:$0x11];
	(tm) =	ssettm $0x1  }
0x97: {  	s19 =	sld [smem:$0x3FFB];
	_ =	sdelay $0x3  }
0x98: {  	_ =	strace s19  }
0x99: {  	s2 =	sld [smem:$0x3FFC];
	_ =	sdelay $0x3  }
0x9a: {  	_ =	strace s2  }
0x9b: {  	s2 =	sld [smem:$0x3FFD];
	_ =	sdelay $0x3  }
0x9c: {  	_ =	strace s2  }
0x9d: {  	_ =	strace $0x8FFFFFFF  }
0x9e: {  	s20 =	sld [smem:$0x3FDB];
	_ =	sdelay $0x1  }
0x9f: {  	s5 =	simm.s32 $_scs_section_size  }
0xa0: {  	s6 =	simm.s32 $_size__tile_overlayer_lowered;
	s7 =	simm.s32 $_tile_overlayer_lowered  }
0xa1: {  	s8 =	simm.s32 $0x1BFF;
	s21 =	sshll.u32 s7, $0x1;
	s5 =	sadd.s32 s5, s20  }
0xa2: {  	s22 =	simm.s32 $0x0;
	s6 =	sshll.u32 s6, $0x1;
	s7 =	sadd.s32 s21, s5  }
0xa3: {  	[timem:s22], [sflag:s8] =	dma.local [hbm:s7], s6  }
0xa4: {  	_ =	swait.ge [sflag:s8], s6  }
0xa5: {  	s6 =	ssub.s32 $0x0, s6;
	[sflag:s8] =	ssyncset.done $0x0  }
0xa6: {  	[sflag:s8] =	ssyncadd.s32 s6;
	_ =	sdelay $0x1  }
0xa7: {  	s23 =	simm.s32 $0x1B8B  }
0xa8: {  	_ =	swait.ge [sflag:s23], $0x1  }
0xa9: {  	[sflag:s23] =	ssyncset.done $0x0  }
0xaa: {  	[sflag:s23] =	ssyncadd.s32 $0xFFFFFFFF  }
0xab: {  	s6 =	sld [smem:$0x0]  }
0xac: {  	s7 =	sand.u32 $0xFFFFFFFE, s1  }
0xad: {  	p0 =	sne.s32 s1, s7  }
0xae: {  	s7 =	sshll.u32 @p0 s7, $0xE  }
0xaf: {  	s7 =	sadd.s32 @p0 $0x11B8D, s7;
	s8 =	sshll.u32 @p0 s6, $0x11  }
0xb0: {  	s7 =	sor.u32 @p0 s8, s7  }
0xb1: {  	[sflag:s7] =	ssyncadd.remote.s32 @p0 $0x1;
	_ =	sdelay $0x1  }
0xb2: {  	s7 =	simm.s32 @p0 $0x1B8D  }
0xb3: {  	_ =	swait.eq @p0 [sflag:s7], $0x1  }
0xb4: {  	[sflag:s7] =	ssyncadd.s32 @p0 $0xFFFFFFFF  }
0xb5: {  	s8 =	sshll.u32 @!p0 s1, $0xE  }
0xb6: {  	s8 =	sor.u32 @!p0 $0x4000, s8;
	s7 =	simm.s32 @!p0 $0x1B8D  }
0xb7: {  	s6 =	sshll.u32 @!p0 s6, $0x11;
	s8 =	sadd.s32 @!p0 $0x11B8D, s8;
	_ =	swait.eq @!p0 [sflag:s7], $0x1  }
0xb8: {  	s6 =	sor.u32 @!p0 s6, s8;
	[sflag:s7] =	ssyncadd.s32 @!p0 $0xFFFFFFFF  }
0xb9: {  	s25 =	simm.s32 $0x1B8E;
	s24 =	sld [smem:$0x3FFE];
	[sflag:s6] =	ssyncadd.remote.s32 @!p0 $0x1  }
0xba: {  	s26 =	simm.s32 $execute0_lowered;
	[smem:$0x3FD2] =	sst s25  }
0xbb: {  	s7 =	sshll.u32 s26, $0x1;
	_ =	strace $0x8000004C;
	[dreg:$0x1] =	wrdreg $0xFFFFFFFF  }
0xbc: {  	s28 =	simm.s32 $_size_execute0_lowered;
	s5 =	sadd.s32 s5, s7;
	[dreg:$0x0] =	wrdreg $0x0  }
0xbd: {  	s7 =	sshll.u32 s28, $0x1;
	[dreg:$0x2] =	wrdreg s5  }
0xbe: {  	[dreg:$0x3] =	wrdreg s7  }
0xbf: {  	[dreg:$0x4] =	wrdreg $0xC0  }
0xc0: {  	_ =	task [dreg:s22], $0x5FFFF  }
0xc1: {  	[dreg:$0x1] =	wrdreg $0xFFFFFFFF  }
0xc2: {  	[dreg:$0x0] =	wrdreg $0x60  }
0xc3: {  	[dreg:$0x2] =	wrdreg s18  }
0xc4: {  	[dreg:$0x3] =	wrdreg s17  }
0xc5: {  	[dreg:$0x4] =	wrdreg s24  }
0xc6: {  	[dreg:$0x5] =	wrdreg $0xB  }
0xc7: {  	_ =	task.clear_ibuf [dreg:s22], $0x6FFFF;
	_ =	strace $0x9000004C  }
0xc8: {  	s29 =	simm.s32 $0xB;
	_ =	strace $0x8000004E  }
0xc9: {  	_ =	swait.ge [sflag:s29], $0x1  }
0xca: {  	[sflag:s29] =	ssyncadd.s32 $0xFFFFFFFF  }
0xcb: {  	_ =	strace $0x9000004E  }
0xcc: {  	_ =	sfence  }
0xcd: {  	s30 =	sld [smem:$0x0];
	_ =	sdelay $0x2  }
0xce: {  	s31 =	sshll.u32 s1, $0xD;
	s1 =	sshrl.u32 s1, $0x2  }
0xcf: {  	s4 =	sand.u32 $0x4000, s31;
	s1 =	sadd.s32 s1, s30  }
0xd0: {  	s0 =	sor.u32 s4, s0;
	s1 =	sshll.u32 s1, $0x11  }
0xd1: {  	s0 =	sor.u32 s1, s0  }
0xd2: {  	s0 =	sadd.s32 $0x8F2B, s0  }
0xd3: {  	[sflag:s0] =	ssyncadd.remote.s32 $0x1  }
0xd4: {  	_ =	sfence.sel $0xFFFF  }
0xd5: {  	[dreg:$0x0] =	wrdreg $0xFFFFFFFF;
	(pc) =	sbr.abs _section_cstart, $3  }
0xd6: {  	[dreg:$0x1] =	wrdreg $0xFFFFFFFF  }
0xd7: {  	_ =	task.clear_ibuf [dreg:s22], $0x2FFFF;
	_ =	strace $0x9FFFFFFF  }
0xd8: {  	(tm) =	ssettm $0x7FFFFFFF  }
0xd9: {  	_ =	shalt  }
tec
execute0_lowered:
.L_overlay_start_1:
0x0: {  	(tag) =	ssettag $0x1  }
0x1: {  	s2 =	rddreg [dreg:$0x0]  }
0x2: {  	s6 =	rddreg [dreg:$0x1]  }
0x3: {  	s4 =	rddreg [dreg:$0x2];
	s1 =	stileid.u32  }
0x4: {  	s7 =	srdreg.scid;
	s5 =	smul.u32 $0x12C00, s1  }
0x5: {  	s0 =	rddreg [dreg:$0x3];
	s7 =	sand.u32 $0x1, s7;
	s8 =	smul.u32 $0x12C0, s1  }
0x6: {  	s3 =	simm.s32 $0x0;
	s11 =	simm.s32 $0x0;
	s9 =	smul.u32 $0x960, s7  }
0x7: {  	[smem:$0x7FF] =	sst s3;
	s10 =	ssub.s32 $0x2, s7;
	s7 =	smul.u32 $0x9600, s7  }
0x8: {  	_ =	strace $0x8000004D;
	s4 =	sadd.s32 s5, s4;
	s30 =	sshrl.u32 s10, $0x1  }
0x9: {  	s8 =	sadd.s32 s9, s8;
	s5 =	ssub.s32 s10, s30;
	s7 =	sadd.s32 s7, s4  }
0xa: {  	s9 =	simm.s32 $0x80;
	s10 =	simm.s32 $0x1;
	s8 =	sadd.s32 $0x12C00, s8  }
0xb: {  	s4 =	smax.u32 s5, $0x1;
	s5 =	sadd.s32 $0x134800, s7;
	s31 =	sshrl.u32 s8, $0x3  }
0xc: {  	s7 =	simm.s32 $0x2;
	s8 =	simm.s32 $0x50;
	s6 =	sadd.s32 s31, s6  }
.LBB2_1:
0xd: {  	s12 =	sadd.s32 $0x0, s6  }
0xe: {  	[tilespmem:s3], [sflag:$0x2] =	stream.linear.gather [hbm4b:s12+s3], $0x50, $0x38;
	[tilespmem:$0x2880] =	vst v63  }
0xf: {  	_ =	swait.ge [sflag:s7], $0x50  }
0x10: {  	[sflag:s7] =	ssyncset.done $0x0  }
0x11: {  	[sflag:s7] =	ssyncadd.s32 $0xFFFFFFB0  }
0x12: {  	[tilespmem:s9], [sflag:$0x1] =	stream.indirect.gather [hbm4b:s2+s8], $0x80, s3, s8, $0xb8;
	[tilespmem:$0x2880] =	vst v63  }
0x13: {  	_ =	swait.ge [sflag:s10], $0x2800  }
0x14: {  	[sflag:s10] =	ssyncset.done $0x0  }
0x15: {  	[sflag:s10] =	ssyncadd.s32 $0xFFFFD800  }
0x16: {  	[hbm4b:s5+s3] =	stream.linear.scatter [tilespmem:s9], [sflag:$0x2], $0x2800, $0x38;
	[tilespmem:$0x2880] =	vst v63  }
0x17: {  	s13 =	simm.s32 $0xA;
	_ =	swait.ge [sflag:s7], $0x2800  }
0x18: {  	s14 =	simm.s32 $0x14;
	s12 =	sadd.s32 $0x500, s5;
	[sflag:s7] =	ssyncset.done $0x0  }
.LBB2_2:
0x19: {  	s15 =	sadd.s32 s13, s6  }
0x1a: {  	[sflag:s7] =	ssyncadd.s32 $0xFFFFD800;
	s13 =	smov.u32 s14;
	s16 =	sadd.s32 $0xA, s14  }
0x1b: {  	[tilespmem:s3], [sflag:$0x2] =	stream.linear.gather [hbm4b:s15+s3], $0x50, $0x38;
	[tilespmem:$0x2880] =	vst v63  }
0x1c: {  	p0 =	sne.s32 s14, $0x122;
	_ =	swait.ge [sflag:s7], $0x50  }
0x1d: {  	[sflag:s7] =	ssyncset.done $0x0  }
0x1e: {  	[sflag:s7] =	ssyncadd.s32 $0xFFFFFFB0  }
0x1f: {  	[tilespmem:s9], [sflag:$0x1] =	stream.indirect.gather [hbm4b:s2+s8], $0x80, s3, s8, $0xb8;
	[tilespmem:$0x2880] =	vst v63  }
0x20: {  	_ =	swait.ge [sflag:s10], $0x2800  }
.Ltmp0:
0x21: {  	[sflag:s10] =	ssyncset.done $0x0;
	(pc) =	sbr.rel @p0 .LBB2_2-.Ltmp0, $4  }
0x22: {  	[sflag:s10] =	ssyncadd.s32 $0xFFFFD800  }
0x23: {  	[hbm4b:s12+s3] =	stream.linear.scatter [tilespmem:s9], [sflag:$0x2], $0x2800, $0x38;
	[tilespmem:$0x2880] =	vst v63  }
0x24: {  	_ =	swait.ge [sflag:s7], $0x2800  }
0x25: {  	s14 =	smov.u32 s16;
	s12 =	sadd.s32 $0x500, s12;
	[sflag:s7] =	ssyncset.done $0x0  }
0x26: {  	s13 =	sadd.s32 s13, s6;
	[sflag:s7] =	ssyncadd.s32 $0xFFFFD800  }
0x27: {  	[tilespmem:s3], [sflag:$0x2] =	stream.linear.gather [hbm4b:s13+s3], $0x50, $0x38;
	[tilespmem:$0x2880] =	vst v63  }
0x28: {  	_ =	swait.ge [sflag:s7], $0x50  }
0x29: {  	[sflag:s7] =	ssyncset.done $0x0  }
0x2a: {  	[sflag:s7] =	ssyncadd.s32 $0xFFFFFFB0  }
0x2b: {  	[tilespmem:s9], [sflag:$0x1] =	stream.indirect.gather [hbm4b:s2+s8], $0x80, s3, s8, $0xb8;
	[tilespmem:$0x2880] =	vst v63  }
0x2c: {  	s11 =	sadd.s32 $0x1, s11;
	_ =	swait.ge [sflag:s10], $0x2800  }
0x2d: {  	p0 =	sne.s32 s11, s4;
	[sflag:s10] =	ssyncset.done $0x0  }
.Ltmp1:
0x2e: {  	[sflag:s10] =	ssyncadd.s32 $0xFFFFD800;
	(pc) =	sbr.rel @p0 .LBB2_1-.Ltmp1, $4  }
0x2f: {  	[hbm4b:s12+s3] =	stream.linear.scatter [tilespmem:s9], [sflag:$0x2], $0x2800, $0x38;
	[tilespmem:$0x2880] =	vst v63  }
0x30: {  	_ =	swait.ge [sflag:s7], $0x2800  }
0x31: {  	[sflag:s7] =	ssyncset.done $0x0  }
0x32: {  	[sflag:s7] =	ssyncadd.s32 $0xFFFFD800  }
0x33: {  	_ =	sfence.sel $0x180000  }
0x34: {  	[bflag:$0x0] =	sbarrier.arrive $0xFFFF  }
0x35: {  	p0 =	sne.s32 s1, $0x0;
	_ =	strace $0x9000004D  }
0x36: {  	s0 =	sadd.s32 @!p0 $0x100000, s0;
	[bflag:$0x2] =	sbarrier.arrive $0xFFFF  }
0x37: {  	[sflag:s0] =	ssyncadd.tile.s32 @!p0 $0x1;
	_ =	shalt  }
.Lfunc_end2:
_tile_overlayer_lowered:
.L_overlay_start_2:
0x38: {  	(tag) =	ssettag $0x2  }
0x39: {  	s0 =	rddreg [dreg:$0x0];
	s2 =	stileid.u32  }
0x3a: {  	s1 =	rddreg [dreg:$0x1];
	p0 =	sne.s32 s2, $0x0  }
0x3b: {  	s3 =	rddreg [dreg:$0x2];
	[bflag:$0x3] =	sbarrier.arrive $0xFFFF;
	s2 =	simm.s32 @!p0 $0x1C02  }
0x3c: {  	[timem:s3], [sflag:s2] =	dma.local @!p0 [hbm:s0], s1  }
0x3d: {  	s0 =	simm.s32 @!p0 $0x2  }
0x3e: {  	_ =	swait.ge @!p0 [sflag:s0], s1  }
0x3f: {  	s1 =	ssub.s32 @!p0 $0x0, s1;
	[sflag:s0] =	ssyncset.done @!p0 $0x0  }
0x40: {  	[sflag:s0] =	ssyncadd.s32 @!p0 s1  }
0x41: {  	[bflag:$0x3] =	sbarrier.arrive $0xFFFF  }
0x42: {  	_ =	shalt  }

// kernel: kernel.21.cloned.1.call-start
scs
__scs_entry_jumppad:
0x0: {  	(pc) =	sbr.rel $0x88, $3  }
0x1: {  	(tag) =	ssettag $0x0;
	lr =	simm.s32 $0x1  }
0x2: {  	[smem:$0x3F8E] =	sst lr;
	_ =	strace $0xD0000000  }
0x3: {  	_ = 	snop  }
0x4: {  	_ = 	snop  }
0x5: {  	_ = 	snop  }
0x6: {  	_ = 	snop  }
0x7: {  	_ = 	snop  }
__scs_overlays_trampoline_lowered:
0x8: {  	[smem:$0x3F9D] =	sst s0  }
0x9: {  	[smem:$0x3F9E] =	sst s1  }
0xa: {  	[smem:$0x3F9F] =	sst s2  }
0xb: {  	[smem:$0x3FA0] =	sst s3  }
0xc: {  	[smem:$0x3FA1] =	sst s4  }
0xd: {  	[smem:$0x3FA2] =	sst s5  }
0xe: {  	[smem:$0x3FA3] =	sst s6  }
0xf: {  	[smem:$0x3FA4] =	sst s7  }
0x10: {  	[smem:$0x3FA5] =	sst s8  }
0x11: {  	[smem:$0x3FA6] =	sst s9;
	s0 =	simm.s32 @!p0 $0x0  }
0x12: {  	s1 =	sld [smem:$0x3F8C];
	s0 =	simm.s32 @p0 $0x1  }
0x13: {  	[smem:$0x3FA7] =	sst s0;
	s0 =	simm.s32 @!p1 $0x0  }
0x14: {  	s2 =	sld [smem:$0x3F8B];
	s0 =	simm.s32 @p1 $0x1  }
0x15: {  	[smem:$0x3FA8] =	sst s0;
	s0 =	simm.s32 @!p2 $0x0  }
0x16: {  	s3 =	sld [smem:$0x3FDB];
	s0 =	simm.s32 @p2 $0x1  }
0x17: {  	s4 =	simm.s32 $0x1BF5;
	[smem:$0x3FAA] =	sst s0  }
0x18: {  	s0 =	sld [smem:$0x3F8D];
	_ =	swait.ge [sflag:s4], $0x0  }
0x19: {  	s7 =	sld [smem:$0x3F8E]  }
0x1a: {  	s8 =	sadd.s32 $0xFFFFE003, lr  }
0x1b: {  	s9 =	sadd.s32 $0xFFFFFEF7, lr;
	s5 =	simm.s32 $0xFFFFFFFF;
	p2 =	slt.u32 s8, $0xFFFFF086  }
0x1c: {  	p1 =	slt.u32 s9, $0xF7A;
	s5 =	simm.s32 @!p2 $0x0  }
0x1d: {  	s5 =	simm.s32 @p1 $0x1;
	p0 =	seq.s32 s7, s2  }
0x1e: {  	s7 =	smul.u32 @!p0 $0xF7A, s2;
	p2 =	seq.s32 @!p0 s5, $0x0  }
0x1f: {  	s9 =	smul.u32 $0xF7A, s1;
	s8 =	simm.s32 @!p0 $0x1BF5;
	p2 =	por !p2, p0  }
0x20: {  	[sflag:s8] =	ssyncset.s32 @!p0 $0xFFFFF086;
	s6 =	sadd.s32 @!p0 s3, s7;
	s7 =	simm.s32 @!p0 $0x108  }
0x21: {  	s3 =	sadd.s32 s3, s9;
	s6 =	sadd.s32 @!p0 $0x88, s6;
	s7 =	simm.s32 @p2 $0x1082  }
0x22: {  	[simem:s7], [sflag:s8] =	dma.local @!p0 [hbm:s6], $0xF7A  }
0x23: {  	s9 =	sor.u32 $0xD0000000, s2;
	s6 =	simm.s32 $0x108;
	_ =	swait.ge @!p0 [sflag:s8], $0x0  }
0x24: {  	s3 =	sadd.s32 $0x88, s3;
	s6 =	simm.s32 @!p1 $0x1082;
	[sflag:s4] =	ssyncset.s32 $0xFFFFF086  }
0x25: {  	[simem:s6], [sflag:s4] =	dma.local [hbm:s3], $0xF7A  }
0x26: {  	[smem:$0x3F8E] =	sst s1;
	(tag) =	ssettag s2;
	_ =	strace s9  }
0x27: {  	s1 =	sld [smem:$0x3F9E]  }
0x28: {  	s2 =	sld [smem:$0x3F9F]  }
0x29: {  	s4 =	sld [smem:$0x3FA1]  }
0x2a: {  	p0 =	seq.s32 s5, $0x0;
	s5 =	sld [smem:$0x3FA2]  }
0x2b: {  	s6 =	sld [smem:$0x3FA3]  }
0x2c: {  	s7 =	sld [smem:$0x3FA4]  }
0x2d: {  	s3 =	simm.s32 $0x108;
	s8 =	sld [smem:$0x3FA5]  }
0x2e: {  	s3 =	simm.s32 @!p0 $0x1082;
	s9 =	sld [smem:$0x3FA6]  }
0x2f: {  	lr =	sadd.s32 s0, s3;
	s0 =	sld [smem:$0x3F9D]  }
0x30: {  	s3 =	sld [smem:$0x3FA0]  }
0x31: {  	[smem:$0x3FA9] =	sst s10  }
0x32: {  	s10 =	sld [smem:$0x3FA7];
	_ =	sdelay $0x3  }
0x33: {  	p0 =	seq.s32 s10, $0x1;
	s10 =	sld [smem:$0x3FA9];
	_ =	sdelay $0x3  }
0x34: {  	[smem:$0x3FA9] =	sst s10  }
0x35: {  	s10 =	sld [smem:$0x3FA8];
	_ =	sdelay $0x3  }
0x36: {  	p1 =	seq.s32 s10, $0x1;
	s10 =	sld [smem:$0x3FA9];
	_ =	sdelay $0x3  }
0x37: {  	[smem:$0x3FA9] =	sst s10  }
0x38: {  	s10 =	sld [smem:$0x3FAA]  }
0x39: {  	_ = 	snop;
	(pc) =	sbr.ind lr, $3  }
0x3a: {  	_ = 	snop  }
0x3b: {  	_ = 	snop  }
0x3c: {  	p2 =	seq.s32 s10, $0x1;
	s10 =	sld [smem:$0x3FA9]  }
0x3d: {  	_ =	shalt  }
0x3e: {  	_ =	shalt  }
0x3f: {  	_ =	shalt  }
0x40: {  	_ =	shalt  }
0x41: {  	_ =	shalt  }
0x42: {  	_ =	shalt  }
0x43: {  	_ =	shalt  }
0x44: {  	_ =	shalt  }
0x45: {  	_ =	shalt  }
0x46: {  	_ =	shalt  }
0x47: {  	_ =	shalt  }
0x48: {  	_ =	shalt  }
0x49: {  	_ =	shalt  }
0x4a: {  	_ =	shalt  }
0x4b: {  	_ =	shalt  }
0x4c: {  	_ =	shalt  }
0x4d: {  	_ =	shalt  }
0x4e: {  	_ =	shalt  }
0x4f: {  	_ =	shalt  }
0x50: {  	_ =	shalt  }
0x51: {  	_ =	shalt  }
0x52: {  	_ =	shalt  }
0x53: {  	_ =	shalt  }
0x54: {  	_ =	shalt  }
0x55: {  	_ =	shalt  }
0x56: {  	_ =	shalt  }
0x57: {  	_ =	shalt  }
0x58: {  	_ =	shalt  }
0x59: {  	_ =	shalt  }
0x5a: {  	_ =	shalt  }
0x5b: {  	_ =	shalt  }
0x5c: {  	_ =	shalt  }
0x5d: {  	_ =	shalt  }
0x5e: {  	_ =	shalt  }
0x5f: {  	_ =	shalt  }
0x60: {  	_ =	shalt  }
0x61: {  	_ =	shalt  }
0x62: {  	_ =	shalt  }
0x63: {  	_ =	shalt  }
0x64: {  	_ =	shalt  }
0x65: {  	_ =	shalt  }
0x66: {  	_ =	shalt  }
0x67: {  	_ =	shalt  }
0x68: {  	_ =	shalt  }
0x69: {  	_ =	shalt  }
0x6a: {  	_ =	shalt  }
0x6b: {  	_ =	shalt  }
0x6c: {  	_ =	shalt  }
0x6d: {  	_ =	shalt  }
0x6e: {  	_ =	shalt  }
0x6f: {  	_ =	shalt  }
0x70: {  	_ =	shalt  }
0x71: {  	_ =	shalt  }
0x72: {  	_ =	shalt  }
0x73: {  	_ =	shalt  }
0x74: {  	_ =	shalt  }
0x75: {  	_ =	shalt  }
0x76: {  	_ =	shalt  }
0x77: {  	_ =	shalt  }
0x78: {  	_ =	shalt  }
0x79: {  	_ =	shalt  }
0x7a: {  	_ =	shalt  }
0x7b: {  	_ =	shalt  }
0x7c: {  	_ =	shalt  }
0x7d: {  	_ =	shalt  }
0x7e: {  	_ =	shalt  }
0x7f: {  	_ =	shalt  }
0x80: {  	_ =	shalt  }
0x81: {  	_ =	shalt  }
0x82: {  	_ =	shalt  }
0x83: {  	_ =	shalt  }
0x84: {  	_ =	shalt  }
0x85: {  	_ =	shalt  }
0x86: {  	_ =	shalt  }
0x87: {  	_ =	shalt  }
.Lfunc_end0:
.L_simem_size_0:
called_computation.3_lowered:
.L_overlay_start_0:
0x88: {  	s2 =	sld [smem:$0x3FD9]  }
0x89: {  	s3 =	sld [smem:$0x3FFE];
	_ =	sdelay $0x1  }
0x8a: {  	s1 =	srdreg.scid  }
0x8b: {  	s0 =	sand.u32 $0x1, s1  }
0x8c: {  	s15 =	sshll.u32 s0, $0xA;
	s2 =	sadd.s32 s3, s2  }
0x8d: {  	s2 =	sadd.s32 s2, s15  }
0x8e: {  	[smem:$0x3FB5] =	sst s2  }
0x8f: {  	_ = 	snop  }
0x90: {  	s2 =	sld [smem:$0x3FD0];
	_ =	sdelay $0x2  }
0x91: {  	s4 =	simm.s32 $0xE;
	s16 =	simm.s32 $0x10  }
0x92: {  	[smem:s16], [sflag:s4] =	dma.local [hbm:s2], $0x1  }
0x93: {  	_ =	swait.eq [sflag:s4], $0x1  }
0x94: {  	[sflag:s4] =	ssyncset.done $0x0  }
0x95: {  	s17 =	sld [smem:$0x10];
	[sflag:s4] =	ssyncadd.s32 $0xFFFFFFFF  }
0x96: {  	s18 =	sld [smem:$0x11];
	(tm) =	ssettm $0x1  }
0x97: {  	s19 =	sld [smem:$0x3FFB];
	_ =	sdelay $0x3  }
0x98: {  	_ =	strace s19  }
0x99: {  	s2 =	sld [smem:$0x3FFC];
	_ =	sdelay $0x3  }
0x9a: {  	_ =	strace s2  }
0x9b: {  	s2 =	sld [smem:$0x3FFD];
	_ =	sdelay $0x3  }
0x9c: {  	_ =	strace s2  }
0x9d: {  	_ =	strace $0x8FFFFFFF  }
0x9e: {  	s20 =	sld [smem:$0x3FDB];
	_ =	sdelay $0x1  }
0x9f: {  	s5 =	simm.s32 $_scs_section_size  }
0xa0: {  	s6 =	simm.s32 $_size__tile_overlayer_lowered;
	s7 =	simm.s32 $_tile_overlayer_lowered  }
0xa1: {  	s8 =	simm.s32 $0x1BFF;
	s21 =	sshll.u32 s7, $0x1;
	s5 =	sadd.s32 s5, s20  }
0xa2: {  	s22 =	simm.s32 $0x0;
	s6 =	sshll.u32 s6, $0x1;
	s7 =	sadd.s32 s21, s5  }
0xa3: {  	[timem:s22], [sflag:s8] =	dma.local [hbm:s7], s6  }
0xa4: {  	_ =	swait.ge [sflag:s8], s6  }
0xa5: {  	s6 =	ssub.s32 $0x0, s6;
	[sflag:s8] =	ssyncset.done $0x0  }
0xa6: {  	[sflag:s8] =	ssyncadd.s32 s6;
	_ =	sdelay $0x1  }
0xa7: {  	s23 =	simm.s32 $0x1B8B  }
0xa8: {  	_ =	swait.ge [sflag:s23], $0x1  }
0xa9: {  	[sflag:s23] =	ssyncset.done $0x0  }
0xaa: {  	[sflag:s23] =	ssyncadd.s32 $0xFFFFFFFF  }
0xab: {  	s6 =	sld [smem:$0x0]  }
0xac: {  	s7 =	sand.u32 $0xFFFFFFFE, s1  }
0xad: {  	p0 =	sne.s32 s1, s7  }
0xae: {  	s7 =	sshll.u32 @p0 s7, $0xE  }
0xaf: {  	s7 =	sadd.s32 @p0 $0x11B8D, s7;
	s8 =	sshll.u32 @p0 s6, $0x11  }
0xb0: {  	s7 =	sor.u32 @p0 s8, s7  }
0xb1: {  	[sflag:s7] =	ssyncadd.remote.s32 @p0 $0x1;
	_ =	sdelay $0x1  }
0xb2: {  	s7 =	simm.s32 @p0 $0x1B8D  }
0xb3: {  	_ =	swait.eq @p0 [sflag:s7], $0x1  }
0xb4: {  	[sflag:s7] =	ssyncadd.s32 @p0 $0xFFFFFFFF  }
0xb5: {  	s8 =	sshll.u32 @!p0 s1, $0xE  }
0xb6: {  	s8 =	sor.u32 @!p0 $0x4000, s8;
	s7 =	simm.s32 @!p0 $0x1B8D  }
0xb7: {  	s6 =	sshll.u32 @!p0 s6, $0x11;
	s8 =	sadd.s32 @!p0 $0x11B8D, s8;
	_ =	swait.eq @!p0 [sflag:s7], $0x1  }
0xb8: {  	s6 =	sor.u32 @!p0 s6, s8;
	[sflag:s7] =	ssyncadd.s32 @!p0 $0xFFFFFFFF  }
0xb9: {  	s25 =	simm.s32 $0x1B8E;
	s24 =	sld [smem:$0x3FFE];
	[sflag:s6] =	ssyncadd.remote.s32 @!p0 $0x1  }
0xba: {  	s26 =	simm.s32 $execute0_lowered;
	[smem:$0x3FD2] =	sst s25  }
0xbb: {  	s7 =	sshll.u32 s26, $0x1;
	_ =	strace $0x8000004F;
	[dreg:$0x1] =	wrdreg $0xFFFFFFFF  }
0xbc: {  	s28 =	simm.s32 $_size_execute0_lowered;
	s5 =	sadd.s32 s5, s7;
	[dreg:$0x0] =	wrdreg $0x0  }
0xbd: {  	s7 =	sshll.u32 s28, $0x1;
	[dreg:$0x2] =	wrdreg s5  }
0xbe: {  	[dreg:$0x3] =	wrdreg s7  }
0xbf: {  	[dreg:$0x4] =	wrdreg $0xC0  }
0xc0: {  	_ =	task [dreg:s22], $0x5FFFF  }
0xc1: {  	[dreg:$0x1] =	wrdreg $0xFFFFFFFF  }
0xc2: {  	[dreg:$0x0] =	wrdreg $0x60  }
0xc3: {  	[dreg:$0x2] =	wrdreg s18  }
0xc4: {  	[dreg:$0x3] =	wrdreg s17  }
0xc5: {  	[dreg:$0x4] =	wrdreg s24  }
0xc6: {  	[dreg:$0x5] =	wrdreg $0xC  }
0xc7: {  	_ =	task.clear_ibuf [dreg:s22], $0x6FFFF;
	_ =	strace $0x9000004F  }
0xc8: {  	s29 =	simm.s32 $0xC;
	_ =	strace $0x80000051  }
0xc9: {  	_ =	swait.ge [sflag:s29], $0x1  }
0xca: {  	[sflag:s29] =	ssyncadd.s32 $0xFFFFFFFF  }
0xcb: {  	_ =	strace $0x90000051  }
0xcc: {  	_ =	sfence  }
0xcd: {  	s30 =	sld [smem:$0x0];
	_ =	sdelay $0x2  }
0xce: {  	s31 =	sshll.u32 s1, $0xD;
	s1 =	sshrl.u32 s1, $0x2  }
0xcf: {  	s4 =	sand.u32 $0x4000, s31;
	s1 =	sadd.s32 s1, s30  }
0xd0: {  	s0 =	sor.u32 s4, s0;
	s1 =	sshll.u32 s1, $0x11  }
0xd1: {  	s0 =	sor.u32 s1, s0  }
0xd2: {  	s0 =	sadd.s32 $0x8F2B, s0  }
0xd3: {  	[sflag:s0] =	ssyncadd.remote.s32 $0x1  }
0xd4: {  	_ =	sfence.sel $0xFFFF  }
0xd5: {  	[dreg:$0x0] =	wrdreg $0xFFFFFFFF;
	(pc) =	sbr.abs _section_cstart, $3  }
0xd6: {  	[dreg:$0x1] =	wrdreg $0xFFFFFFFF  }
0xd7: {  	_ =	task.clear_ibuf [dreg:s22], $0x2FFFF;
	_ =	strace $0x9FFFFFFF  }
0xd8: {  	(tm) =	ssettm $0x7FFFFFFF  }
0xd9: {  	_ =	shalt  }
tec
execute0_lowered:
.L_overlay_start_1:
0x0: {  	(tag) =	ssettag $0x1  }
0x1: {  	s2 =	rddreg [dreg:$0x0]  }
0x2: {  	s6 =	rddreg [dreg:$0x1]  }
0x3: {  	s4 =	rddreg [dreg:$0x2];
	s1 =	stileid.u32  }
0x4: {  	s7 =	srdreg.scid;
	s5 =	smul.u32 $0x12C00, s1  }
0x5: {  	s0 =	rddreg [dreg:$0x3];
	s7 =	sand.u32 $0x1, s7;
	s8 =	smul.u32 $0x12C0, s1  }
0x6: {  	s3 =	simm.s32 $0x0;
	s11 =	simm.s32 $0x0;
	s9 =	smul.u32 $0x960, s7  }
0x7: {  	[smem:$0x7FF] =	sst s3;
	s10 =	ssub.s32 $0x2, s7;
	s7 =	smul.u32 $0x9600, s7  }
0x8: {  	_ =	strace $0x80000050;
	s4 =	sadd.s32 s5, s4;
	s30 =	sshrl.u32 s10, $0x1  }
0x9: {  	s8 =	sadd.s32 s9, s8;
	s5 =	ssub.s32 s10, s30;
	s7 =	sadd.s32 s7, s4  }
0xa: {  	s9 =	simm.s32 $0x80;
	s10 =	simm.s32 $0x1;
	s8 =	sadd.s32 $0x25800, s8  }
0xb: {  	s4 =	smax.u32 s5, $0x1;
	s5 =	sadd.s32 $0x260800, s7;
	s31 =	sshrl.u32 s8, $0x3  }
0xc: {  	s7 =	simm.s32 $0x2;
	s8 =	simm.s32 $0x50;
	s6 =	sadd.s32 s31, s6  }
.LBB2_1:
0xd: {  	s12 =	sadd.s32 $0x0, s6  }
0xe: {  	[tilespmem:s3], [sflag:$0x2] =	stream.linear.gather [hbm4b:s12+s3], $0x50, $0x38;
	[tilespmem:$0x2880] =	vst v63  }
0xf: {  	_ =	swait.ge [sflag:s7], $0x50  }
0x10: {  	[sflag:s7] =	ssyncset.done $0x0  }
0x11: {  	[sflag:s7] =	ssyncadd.s32 $0xFFFFFFB0  }
0x12: {  	[tilespmem:s9], [sflag:$0x1] =	stream.indirect.gather [hbm4b:s2+s8], $0x80, s3, s8, $0xb8;
	[tilespmem:$0x2880] =	vst v63  }
0x13: {  	_ =	swait.ge [sflag:s10], $0x2800  }
0x14: {  	[sflag:s10] =	ssyncset.done $0x0  }
0x15: {  	[sflag:s10] =	ssyncadd.s32 $0xFFFFD800  }
0x16: {  	[hbm4b:s5+s3] =	stream.linear.scatter [tilespmem:s9], [sflag:$0x2], $0x2800, $0x38;
	[tilespmem:$0x2880] =	vst v63  }
0x17: {  	s13 =	simm.s32 $0xA;
	_ =	swait.ge [sflag:s7], $0x2800  }
0x18: {  	s14 =	simm.s32 $0x14;
	s12 =	sadd.s32 $0x500, s5;
	[sflag:s7] =	ssyncset.done $0x0  }
.LBB2_2:
0x19: {  	s15 =	sadd.s32 s13, s6  }
0x1a: {  	[sflag:s7] =	ssyncadd.s32 $0xFFFFD800;
	s13 =	smov.u32 s14;
	s16 =	sadd.s32 $0xA, s14  }
0x1b: {  	[tilespmem:s3], [sflag:$0x2] =	stream.linear.gather [hbm4b:s15+s3], $0x50, $0x38;
	[tilespmem:$0x2880] =	vst v63  }
0x1c: {  	p0 =	sne.s32 s14, $0x122;
	_ =	swait.ge [sflag:s7], $0x50  }
0x1d: {  	[sflag:s7] =	ssyncset.done $0x0  }
0x1e: {  	[sflag:s7] =	ssyncadd.s32 $0xFFFFFFB0  }
0x1f: {  	[tilespmem:s9], [sflag:$0x1] =	stream.indirect.gather [hbm4b:s2+s8], $0x80, s3, s8, $0xb8;
	[tilespmem:$0x2880] =	vst v63  }
0x20: {  	_ =	swait.ge [sflag:s10], $0x2800  }
.Ltmp0:
0x21: {  	[sflag:s10] =	ssyncset.done $0x0;
	(pc) =	sbr.rel @p0 .LBB2_2-.Ltmp0, $4  }
0x22: {  	[sflag:s10] =	ssyncadd.s32 $0xFFFFD800  }
0x23: {  	[hbm4b:s12+s3] =	stream.linear.scatter [tilespmem:s9], [sflag:$0x2], $0x2800, $0x38;
	[tilespmem:$0x2880] =	vst v63  }
0x24: {  	_ =	swait.ge [sflag:s7], $0x2800  }
0x25: {  	s14 =	smov.u32 s16;
	s12 =	sadd.s32 $0x500, s12;
	[sflag:s7] =	ssyncset.done $0x0  }
0x26: {  	s13 =	sadd.s32 s13, s6;
	[sflag:s7] =	ssyncadd.s32 $0xFFFFD800  }
0x27: {  	[tilespmem:s3], [sflag:$0x2] =	stream.linear.gather [hbm4b:s13+s3], $0x50, $0x38;
	[tilespmem:$0x2880] =	vst v63  }
0x28: {  	_ =	swait.ge [sflag:s7], $0x50  }
0x29: {  	[sflag:s7] =	ssyncset.done $0x0  }
0x2a: {  	[sflag:s7] =	ssyncadd.s32 $0xFFFFFFB0  }
0x2b: {  	[tilespmem:s9], [sflag:$0x1] =	stream.indirect.gather [hbm4b:s2+s8], $0x80, s3, s8, $0xb8;
	[tilespmem:$0x2880] =	vst v63  }
0x2c: {  	s11 =	sadd.s32 $0x1, s11;
	_ =	swait.ge [sflag:s10], $0x2800  }
0x2d: {  	p0 =	sne.s32 s11, s4;
	[sflag:s10] =	ssyncset.done $0x0  }
.Ltmp1:
0x2e: {  	[sflag:s10] =	ssyncadd.s32 $0xFFFFD800;
	(pc) =	sbr.rel @p0 .LBB2_1-.Ltmp1, $4  }
0x2f: {  	[hbm4b:s12+s3] =	stream.linear.scatter [tilespmem:s9], [sflag:$0x2], $0x2800, $0x38;
	[tilespmem:$0x2880] =	vst v63  }
0x30: {  	_ =	swait.ge [sflag:s7], $0x2800  }
0x31: {  	[sflag:s7] =	ssyncset.done $0x0  }
0x32: {  	[sflag:s7] =	ssyncadd.s32 $0xFFFFD800  }
0x33: {  	_ =	sfence.sel $0x180000  }
0x34: {  	[bflag:$0x0] =	sbarrier.arrive $0xFFFF  }
0x35: {  	p0 =	sne.s32 s1, $0x0;
	_ =	strace $0x90000050  }
0x36: {  	s0 =	sadd.s32 @!p0 $0x100000, s0;
	[bflag:$0x2] =	sbarrier.arrive $0xFFFF  }
0x37: {  	[sflag:s0] =	ssyncadd.tile.s32 @!p0 $0x1;
	_ =	shalt  }
.Lfunc_end2:
_tile_overlayer_lowered:
.L_overlay_start_2:
0x38: {  	(tag) =	ssettag $0x2  }
0x39: {  	s0 =	rddreg [dreg:$0x0];
	s2 =	stileid.u32  }
0x3a: {  	s1 =	rddreg [dreg:$0x1];
	p0 =	sne.s32 s2, $0x0  }
0x3b: {  	s3 =	rddreg [dreg:$0x2];
	[bflag:$0x3] =	sbarrier.arrive $0xFFFF;
	s2 =	simm.s32 @!p0 $0x1C02  }
0x3c: {  	[timem:s3], [sflag:s2] =	dma.local @!p0 [hbm:s0], s1  }
0x3d: {  	s0 =	simm.s32 @!p0 $0x2  }
0x3e: {  	_ =	swait.ge @!p0 [sflag:s0], s1  }
0x3f: {  	s1 =	ssub.s32 @!p0 $0x0, s1;
	[sflag:s0] =	ssyncset.done @!p0 $0x0  }
0x40: {  	[sflag:s0] =	ssyncadd.s32 @!p0 s1  }
0x41: {  	[bflag:$0x3] =	sbarrier.arrive $0xFFFF  }
0x42: {  	_ =	shalt  }

// kernel: kernel.24.cloned.1.call-start
scs
__scs_entry_jumppad:
0x0: {  	(pc) =	sbr.rel $0x88, $3  }
0x1: {  	(tag) =	ssettag $0x0;
	lr =	simm.s32 $0x1  }
0x2: {  	[smem:$0x3F8E] =	sst lr;
	_ =	strace $0xD0000000  }
0x3: {  	_ = 	snop  }
0x4: {  	_ = 	snop  }
0x5: {  	_ = 	snop  }
0x6: {  	_ = 	snop  }
0x7: {  	_ = 	snop  }
__scs_overlays_trampoline_lowered:
0x8: {  	[smem:$0x3F9D] =	sst s0  }
0x9: {  	[smem:$0x3F9E] =	sst s1  }
0xa: {  	[smem:$0x3F9F] =	sst s2  }
0xb: {  	[smem:$0x3FA0] =	sst s3  }
0xc: {  	[smem:$0x3FA1] =	sst s4  }
0xd: {  	[smem:$0x3FA2] =	sst s5  }
0xe: {  	[smem:$0x3FA3] =	sst s6  }
0xf: {  	[smem:$0x3FA4] =	sst s7  }
0x10: {  	[smem:$0x3FA5] =	sst s8  }
0x11: {  	[smem:$0x3FA6] =	sst s9;
	s0 =	simm.s32 @!p0 $0x0  }
0x12: {  	s1 =	sld [smem:$0x3F8C];
	s0 =	simm.s32 @p0 $0x1  }
0x13: {  	[smem:$0x3FA7] =	sst s0;
	s0 =	simm.s32 @!p1 $0x0  }
0x14: {  	s2 =	sld [smem:$0x3F8B];
	s0 =	simm.s32 @p1 $0x1  }
0x15: {  	[smem:$0x3FA8] =	sst s0;
	s0 =	simm.s32 @!p2 $0x0  }
0x16: {  	s3 =	sld [smem:$0x3FDB];
	s0 =	simm.s32 @p2 $0x1  }
0x17: {  	s4 =	simm.s32 $0x1BF5;
	[smem:$0x3FAA] =	sst s0  }
0x18: {  	s0 =	sld [smem:$0x3F8D];
	_ =	swait.ge [sflag:s4], $0x0  }
0x19: {  	s7 =	sld [smem:$0x3F8E]  }
0x1a: {  	s8 =	sadd.s32 $0xFFFFE003, lr  }
0x1b: {  	s9 =	sadd.s32 $0xFFFFFEF7, lr;
	s5 =	simm.s32 $0xFFFFFFFF;
	p2 =	slt.u32 s8, $0xFFFFF086  }
0x1c: {  	p1 =	slt.u32 s9, $0xF7A;
	s5 =	simm.s32 @!p2 $0x0  }
0x1d: {  	s5 =	simm.s32 @p1 $0x1;
	p0 =	seq.s32 s7, s2  }
0x1e: {  	s7 =	smul.u32 @!p0 $0xF7A, s2;
	p2 =	seq.s32 @!p0 s5, $0x0  }
0x1f: {  	s9 =	smul.u32 $0xF7A, s1;
	s8 =	simm.s32 @!p0 $0x1BF5;
	p2 =	por !p2, p0  }
0x20: {  	[sflag:s8] =	ssyncset.s32 @!p0 $0xFFFFF086;
	s6 =	sadd.s32 @!p0 s3, s7;
	s7 =	simm.s32 @!p0 $0x108  }
0x21: {  	s3 =	sadd.s32 s3, s9;
	s6 =	sadd.s32 @!p0 $0x88, s6;
	s7 =	simm.s32 @p2 $0x1082  }
0x22: {  	[simem:s7], [sflag:s8] =	dma.local @!p0 [hbm:s6], $0xF7A  }
0x23: {  	s9 =	sor.u32 $0xD0000000, s2;
	s6 =	simm.s32 $0x108;
	_ =	swait.ge @!p0 [sflag:s8], $0x0  }
0x24: {  	s3 =	sadd.s32 $0x88, s3;
	s6 =	simm.s32 @!p1 $0x1082;
	[sflag:s4] =	ssyncset.s32 $0xFFFFF086  }
0x25: {  	[simem:s6], [sflag:s4] =	dma.local [hbm:s3], $0xF7A  }
0x26: {  	[smem:$0x3F8E] =	sst s1;
	(tag) =	ssettag s2;
	_ =	strace s9  }
0x27: {  	s1 =	sld [smem:$0x3F9E]  }
0x28: {  	s2 =	sld [smem:$0x3F9F]  }
0x29: {  	s4 =	sld [smem:$0x3FA1]  }
0x2a: {  	p0 =	seq.s32 s5, $0x0;
	s5 =	sld [smem:$0x3FA2]  }
0x2b: {  	s6 =	sld [smem:$0x3FA3]  }
0x2c: {  	s7 =	sld [smem:$0x3FA4]  }
0x2d: {  	s3 =	simm.s32 $0x108;
	s8 =	sld [smem:$0x3FA5]  }
0x2e: {  	s3 =	simm.s32 @!p0 $0x1082;
	s9 =	sld [smem:$0x3FA6]  }
0x2f: {  	lr =	sadd.s32 s0, s3;
	s0 =	sld [smem:$0x3F9D]  }
0x30: {  	s3 =	sld [smem:$0x3FA0]  }
0x31: {  	[smem:$0x3FA9] =	sst s10  }
0x32: {  	s10 =	sld [smem:$0x3FA7];
	_ =	sdelay $0x3  }
0x33: {  	p0 =	seq.s32 s10, $0x1;
	s10 =	sld [smem:$0x3FA9];
	_ =	sdelay $0x3  }
0x34: {  	[smem:$0x3FA9] =	sst s10  }
0x35: {  	s10 =	sld [smem:$0x3FA8];
	_ =	sdelay $0x3  }
0x36: {  	p1 =	seq.s32 s10, $0x1;
	s10 =	sld [smem:$0x3FA9];
	_ =	sdelay $0x3  }
0x37: {  	[smem:$0x3FA9] =	sst s10  }
0x38: {  	s10 =	sld [smem:$0x3FAA]  }
0x39: {  	_ = 	snop;
	(pc) =	sbr.ind lr, $3  }
0x3a: {  	_ = 	snop  }
0x3b: {  	_ = 	snop  }
0x3c: {  	p2 =	seq.s32 s10, $0x1;
	s10 =	sld [smem:$0x3FA9]  }
0x3d: {  	_ =	shalt  }
0x3e: {  	_ =	shalt  }
0x3f: {  	_ =	shalt  }
0x40: {  	_ =	shalt  }
0x41: {  	_ =	shalt  }
0x42: {  	_ =	shalt  }
0x43: {  	_ =	shalt  }
0x44: {  	_ =	shalt  }
0x45: {  	_ =	shalt  }
0x46: {  	_ =	shalt  }
0x47: {  	_ =	shalt  }
0x48: {  	_ =	shalt  }
0x49: {  	_ =	shalt  }
0x4a: {  	_ =	shalt  }
0x4b: {  	_ =	shalt  }
0x4c: {  	_ =	shalt  }
0x4d: {  	_ =	shalt  }
0x4e: {  	_ =	shalt  }
0x4f: {  	_ =	shalt  }
0x50: {  	_ =	shalt  }
0x51: {  	_ =	shalt  }
0x52: {  	_ =	shalt  }
0x53: {  	_ =	shalt  }
0x54: {  	_ =	shalt  }
0x55: {  	_ =	shalt  }
0x56: {  	_ =	shalt  }
0x57: {  	_ =	shalt  }
0x58: {  	_ =	shalt  }
0x59: {  	_ =	shalt  }
0x5a: {  	_ =	shalt  }
0x5b: {  	_ =	shalt  }
0x5c: {  	_ =	shalt  }
0x5d: {  	_ =	shalt  }
0x5e: {  	_ =	shalt  }
0x5f: {  	_ =	shalt  }
0x60: {  	_ =	shalt  }
0x61: {  	_ =	shalt  }
0x62: {  	_ =	shalt  }
0x63: {  	_ =	shalt  }
0x64: {  	_ =	shalt  }
0x65: {  	_ =	shalt  }
0x66: {  	_ =	shalt  }
0x67: {  	_ =	shalt  }
0x68: {  	_ =	shalt  }
0x69: {  	_ =	shalt  }
0x6a: {  	_ =	shalt  }
0x6b: {  	_ =	shalt  }
0x6c: {  	_ =	shalt  }
0x6d: {  	_ =	shalt  }
0x6e: {  	_ =	shalt  }
0x6f: {  	_ =	shalt  }
0x70: {  	_ =	shalt  }
0x71: {  	_ =	shalt  }
0x72: {  	_ =	shalt  }
0x73: {  	_ =	shalt  }
0x74: {  	_ =	shalt  }
0x75: {  	_ =	shalt  }
0x76: {  	_ =	shalt  }
0x77: {  	_ =	shalt  }
0x78: {  	_ =	shalt  }
0x79: {  	_ =	shalt  }
0x7a: {  	_ =	shalt  }
0x7b: {  	_ =	shalt  }
0x7c: {  	_ =	shalt  }
0x7d: {  	_ =	shalt  }
0x7e: {  	_ =	shalt  }
0x7f: {  	_ =	shalt  }
0x80: {  	_ =	shalt  }
0x81: {  	_ =	shalt  }
0x82: {  	_ =	shalt  }
0x83: {  	_ =	shalt  }
0x84: {  	_ =	shalt  }
0x85: {  	_ =	shalt  }
0x86: {  	_ =	shalt  }
0x87: {  	_ =	shalt  }
.Lfunc_end0:
.L_simem_size_0:
called_computation.4_lowered:
.L_overlay_start_0:
0x88: {  	s2 =	sld [smem:$0x3FD9]  }
0x89: {  	s3 =	sld [smem:$0x3FFE];
	_ =	sdelay $0x1  }
0x8a: {  	s1 =	srdreg.scid  }
0x8b: {  	s0 =	sand.u32 $0x1, s1  }
0x8c: {  	s15 =	sshll.u32 s0, $0xA;
	s2 =	sadd.s32 s3, s2  }
0x8d: {  	s2 =	sadd.s32 s2, s15  }
0x8e: {  	[smem:$0x3FB5] =	sst s2  }
0x8f: {  	_ = 	snop  }
0x90: {  	s2 =	sld [smem:$0x3FD0];
	_ =	sdelay $0x2  }
0x91: {  	s4 =	simm.s32 $0xE;
	s16 =	simm.s32 $0x10  }
0x92: {  	[smem:s16], [sflag:s4] =	dma.local [hbm:s2], $0x1  }
0x93: {  	_ =	swait.eq [sflag:s4], $0x1  }
0x94: {  	[sflag:s4] =	ssyncset.done $0x0  }
0x95: {  	s17 =	sld [smem:$0x10];
	[sflag:s4] =	ssyncadd.s32 $0xFFFFFFFF  }
0x96: {  	s18 =	sld [smem:$0x11];
	(tm) =	ssettm $0x1  }
0x97: {  	s19 =	sld [smem:$0x3FFB];
	_ =	sdelay $0x3  }
0x98: {  	_ =	strace s19  }
0x99: {  	s2 =	sld [smem:$0x3FFC];
	_ =	sdelay $0x3  }
0x9a: {  	_ =	strace s2  }
0x9b: {  	s2 =	sld [smem:$0x3FFD];
	_ =	sdelay $0x3  }
0x9c: {  	_ =	strace s2  }
0x9d: {  	_ =	strace $0x8FFFFFFF  }
0x9e: {  	s20 =	sld [smem:$0x3FDB];
	_ =	sdelay $0x1  }
0x9f: {  	s5 =	simm.s32 $_scs_section_size  }
0xa0: {  	s6 =	simm.s32 $_size__tile_overlayer_lowered;
	s7 =	simm.s32 $_tile_overlayer_lowered  }
0xa1: {  	s8 =	simm.s32 $0x1BFF;
	s21 =	sshll.u32 s7, $0x1;
	s5 =	sadd.s32 s5, s20  }
0xa2: {  	s22 =	simm.s32 $0x0;
	s6 =	sshll.u32 s6, $0x1;
	s7 =	sadd.s32 s21, s5  }
0xa3: {  	[timem:s22], [sflag:s8] =	dma.local [hbm:s7], s6  }
0xa4: {  	_ =	swait.ge [sflag:s8], s6  }
0xa5: {  	s6 =	ssub.s32 $0x0, s6;
	[sflag:s8] =	ssyncset.done $0x0  }
0xa6: {  	[sflag:s8] =	ssyncadd.s32 s6;
	_ =	sdelay $0x1  }
0xa7: {  	s23 =	simm.s32 $0x1B8B  }
0xa8: {  	_ =	swait.ge [sflag:s23], $0x1  }
0xa9: {  	[sflag:s23] =	ssyncset.done $0x0  }
0xaa: {  	[sflag:s23] =	ssyncadd.s32 $0xFFFFFFFF  }
0xab: {  	s6 =	sld [smem:$0x0]  }
0xac: {  	s7 =	sand.u32 $0xFFFFFFFE, s1  }
0xad: {  	p0 =	sne.s32 s1, s7  }
0xae: {  	s7 =	sshll.u32 @p0 s7, $0xE  }
0xaf: {  	s7 =	sadd.s32 @p0 $0x11B8D, s7;
	s8 =	sshll.u32 @p0 s6, $0x11  }
0xb0: {  	s7 =	sor.u32 @p0 s8, s7  }
0xb1: {  	[sflag:s7] =	ssyncadd.remote.s32 @p0 $0x1;
	_ =	sdelay $0x1  }
0xb2: {  	s7 =	simm.s32 @p0 $0x1B8D  }
0xb3: {  	_ =	swait.eq @p0 [sflag:s7], $0x1  }
0xb4: {  	[sflag:s7] =	ssyncadd.s32 @p0 $0xFFFFFFFF  }
0xb5: {  	s8 =	sshll.u32 @!p0 s1, $0xE  }
0xb6: {  	s8 =	sor.u32 @!p0 $0x4000, s8;
	s7 =	simm.s32 @!p0 $0x1B8D  }
0xb7: {  	s6 =	sshll.u32 @!p0 s6, $0x11;
	s8 =	sadd.s32 @!p0 $0x11B8D, s8;
	_ =	swait.eq @!p0 [sflag:s7], $0x1  }
0xb8: {  	s6 =	sor.u32 @!p0 s6, s8;
	[sflag:s7] =	ssyncadd.s32 @!p0 $0xFFFFFFFF  }
0xb9: {  	s25 =	simm.s32 $0x1B8E;
	s24 =	sld [smem:$0x3FFE];
	[sflag:s6] =	ssyncadd.remote.s32 @!p0 $0x1  }
0xba: {  	s26 =	simm.s32 $execute0_lowered;
	[smem:$0x3FD2] =	sst s25  }
0xbb: {  	s7 =	sshll.u32 s26, $0x1;
	_ =	strace $0x80000052;
	[dreg:$0x1] =	wrdreg $0xFFFFFFFF  }
0xbc: {  	s28 =	simm.s32 $_size_execute0_lowered;
	s5 =	sadd.s32 s5, s7;
	[dreg:$0x0] =	wrdreg $0x0  }
0xbd: {  	s7 =	sshll.u32 s28, $0x1;
	[dreg:$0x2] =	wrdreg s5  }
0xbe: {  	[dreg:$0x3] =	wrdreg s7  }
0xbf: {  	[dreg:$0x4] =	wrdreg $0xC0  }
0xc0: {  	_ =	task [dreg:s22], $0x5FFFF  }
0xc1: {  	[dreg:$0x1] =	wrdreg $0xFFFFFFFF  }
0xc2: {  	[dreg:$0x0] =	wrdreg $0x60  }
0xc3: {  	[dreg:$0x2] =	wrdreg s18  }
0xc4: {  	[dreg:$0x3] =	wrdreg s17  }
0xc5: {  	[dreg:$0x4] =	wrdreg s24  }
0xc6: {  	[dreg:$0x5] =	wrdreg $0xD  }
0xc7: {  	_ =	task.clear_ibuf [dreg:s22], $0x6FFFF;
	_ =	strace $0x90000052  }
0xc8: {  	s29 =	simm.s32 $0xD;
	_ =	strace $0x80000054  }
0xc9: {  	_ =	swait.ge [sflag:s29], $0x1  }
0xca: {  	[sflag:s29] =	ssyncadd.s32 $0xFFFFFFFF  }
0xcb: {  	_ =	strace $0x90000054  }
0xcc: {  	_ =	sfence  }
0xcd: {  	s30 =	sld [smem:$0x0];
	_ =	sdelay $0x2  }
0xce: {  	s31 =	sshll.u32 s1, $0xD;
	s1 =	sshrl.u32 s1, $0x2  }
0xcf: {  	s4 =	sand.u32 $0x4000, s31;
	s1 =	sadd.s32 s1, s30  }
0xd0: {  	s0 =	sor.u32 s4, s0;
	s1 =	sshll.u32 s1, $0x11  }
0xd1: {  	s0 =	sor.u32 s1, s0  }
0xd2: {  	s0 =	sadd.s32 $0x8F2B, s0  }
0xd3: {  	[sflag:s0] =	ssyncadd.remote.s32 $0x1  }
0xd4: {  	_ =	sfence.sel $0xFFFF  }
0xd5: {  	[dreg:$0x0] =	wrdreg $0xFFFFFFFF;
	(pc) =	sbr.abs _section_cstart, $3  }
0xd6: {  	[dreg:$0x1] =	wrdreg $0xFFFFFFFF  }
0xd7: {  	_ =	task.clear_ibuf [dreg:s22], $0x2FFFF;
	_ =	strace $0x9FFFFFFF  }
0xd8: {  	(tm) =	ssettm $0x7FFFFFFF  }
0xd9: {  	_ =	shalt  }
tec
execute0_lowered:
.L_overlay_start_1:
0x0: {  	(tag) =	ssettag $0x1  }
0x1: {  	s2 =	rddreg [dreg:$0x0]  }
0x2: {  	s6 =	rddreg [dreg:$0x1]  }
0x3: {  	s4 =	rddreg [dreg:$0x2];
	s1 =	stileid.u32  }
0x4: {  	s7 =	srdreg.scid;
	s5 =	smul.u32 $0x15E00, s1  }
0x5: {  	s0 =	rddreg [dreg:$0x3];
	s7 =	sand.u32 $0x1, s7;
	s8 =	smul.u32 $0x15E0, s1  }
0x6: {  	s3 =	simm.s32 $0x0;
	s11 =	simm.s32 $0x0;
	s9 =	smul.u32 $0xAF0, s7  }
0x7: {  	[smem:$0x7FF] =	sst s3;
	s10 =	ssub.s32 $0x2, s7;
	s7 =	smul.u32 $0xAF00, s7  }
0x8: {  	_ =	strace $0x80000053;
	s4 =	sadd.s32 s5, s4;
	s30 =	sshrl.u32 s10, $0x1  }
0x9: {  	s8 =	sadd.s32 s9, s8;
	s5 =	ssub.s32 s10, s30;
	s7 =	sadd.s32 s7, s4  }
0xa: {  	s9 =	simm.s32 $0x80;
	s10 =	simm.s32 $0x1;
	s8 =	sadd.s32 $0x38400, s8  }
0xb: {  	s4 =	smax.u32 s5, $0x1;
	s5 =	sadd.s32 $0x38C800, s7;
	s31 =	sshrl.u32 s8, $0x3  }
0xc: {  	s7 =	simm.s32 $0x2;
	s8 =	simm.s32 $0x50;
	s6 =	sadd.s32 s31, s6  }
.LBB2_1:
0xd: {  	s12 =	sadd.s32 $0x0, s6  }
0xe: {  	[tilespmem:s3], [sflag:$0x2] =	stream.linear.gather [hbm4b:s12+s3], $0x50, $0x38;
	[tilespmem:$0x2880] =	vst v63  }
0xf: {  	_ =	swait.ge [sflag:s7], $0x50  }
0x10: {  	[sflag:s7] =	ssyncset.done $0x0  }
0x11: {  	[sflag:s7] =	ssyncadd.s32 $0xFFFFFFB0  }
0x12: {  	[tilespmem:s9], [sflag:$0x1] =	stream.indirect.gather [hbm4b:s2+s8], $0x80, s3, s8, $0xb8;
	[tilespmem:$0x2880] =	vst v63  }
0x13: {  	_ =	swait.ge [sflag:s10], $0x2800  }
0x14: {  	[sflag:s10] =	ssyncset.done $0x0  }
0x15: {  	[sflag:s10] =	ssyncadd.s32 $0xFFFFD800  }
0x16: {  	[hbm4b:s5+s3] =	stream.linear.scatter [tilespmem:s9], [sflag:$0x2], $0x2800, $0x38;
	[tilespmem:$0x2880] =	vst v63  }
0x17: {  	s13 =	simm.s32 $0xA;
	_ =	swait.ge [sflag:s7], $0x2800  }
0x18: {  	s14 =	simm.s32 $0x14;
	s12 =	sadd.s32 $0x500, s5;
	[sflag:s7] =	ssyncset.done $0x0  }
.LBB2_2:
0x19: {  	s15 =	sadd.s32 s13, s6  }
0x1a: {  	[sflag:s7] =	ssyncadd.s32 $0xFFFFD800;
	s13 =	smov.u32 s14;
	s16 =	sadd.s32 $0xA, s14  }
0x1b: {  	[tilespmem:s3], [sflag:$0x2] =	stream.linear.gather [hbm4b:s15+s3], $0x50, $0x38;
	[tilespmem:$0x2880] =	vst v63  }
0x1c: {  	p0 =	sne.s32 s14, $0x154;
	_ =	swait.ge [sflag:s7], $0x50  }
0x1d: {  	[sflag:s7] =	ssyncset.done $0x0  }
0x1e: {  	[sflag:s7] =	ssyncadd.s32 $0xFFFFFFB0  }
0x1f: {  	[tilespmem:s9], [sflag:$0x1] =	stream.indirect.gather [hbm4b:s2+s8], $0x80, s3, s8, $0xb8;
	[tilespmem:$0x2880] =	vst v63  }
0x20: {  	_ =	swait.ge [sflag:s10], $0x2800  }
.Ltmp0:
0x21: {  	[sflag:s10] =	ssyncset.done $0x0;
	(pc) =	sbr.rel @p0 .LBB2_2-.Ltmp0, $4  }
0x22: {  	[sflag:s10] =	ssyncadd.s32 $0xFFFFD800  }
0x23: {  	[hbm4b:s12+s3] =	stream.linear.scatter [tilespmem:s9], [sflag:$0x2], $0x2800, $0x38;
	[tilespmem:$0x2880] =	vst v63  }
0x24: {  	_ =	swait.ge [sflag:s7], $0x2800  }
0x25: {  	s14 =	smov.u32 s16;
	s12 =	sadd.s32 $0x500, s12;
	[sflag:s7] =	ssyncset.done $0x0  }
0x26: {  	s13 =	sadd.s32 s13, s6;
	[sflag:s7] =	ssyncadd.s32 $0xFFFFD800  }
0x27: {  	[tilespmem:s3], [sflag:$0x2] =	stream.linear.gather [hbm4b:s13+s3], $0x50, $0x38;
	[tilespmem:$0x2880] =	vst v63  }
0x28: {  	_ =	swait.ge [sflag:s7], $0x50  }
0x29: {  	[sflag:s7] =	ssyncset.done $0x0  }
0x2a: {  	[sflag:s7] =	ssyncadd.s32 $0xFFFFFFB0  }
0x2b: {  	[tilespmem:s9], [sflag:$0x1] =	stream.indirect.gather [hbm4b:s2+s8], $0x80, s3, s8, $0xb8;
	[tilespmem:$0x2880] =	vst v63  }
0x2c: {  	s11 =	sadd.s32 $0x1, s11;
	_ =	swait.ge [sflag:s10], $0x2800  }
0x2d: {  	p0 =	sne.s32 s11, s4;
	[sflag:s10] =	ssyncset.done $0x0  }
.Ltmp1:
0x2e: {  	[sflag:s10] =	ssyncadd.s32 $0xFFFFD800;
	(pc) =	sbr.rel @p0 .LBB2_1-.Ltmp1, $4  }
0x2f: {  	[hbm4b:s12+s3] =	stream.linear.scatter [tilespmem:s9], [sflag:$0x2], $0x2800, $0x38;
	[tilespmem:$0x2880] =	vst v63  }
0x30: {  	_ =	swait.ge [sflag:s7], $0x2800  }
0x31: {  	[sflag:s7] =	ssyncset.done $0x0  }
0x32: {  	[sflag:s7] =	ssyncadd.s32 $0xFFFFD800  }
0x33: {  	_ =	sfence.sel $0x180000  }
0x34: {  	[bflag:$0x0] =	sbarrier.arrive $0xFFFF  }
0x35: {  	p0 =	sne.s32 s1, $0x0;
	_ =	strace $0x90000053  }
0x36: {  	s0 =	sadd.s32 @!p0 $0x100000, s0;
	[bflag:$0x2] =	sbarrier.arrive $0xFFFF  }
0x37: {  	[sflag:s0] =	ssyncadd.tile.s32 @!p0 $0x1;
	_ =	shalt  }
.Lfunc_end2:
_tile_overlayer_lowered:
.L_overlay_start_2:
0x38: {  	(tag) =	ssettag $0x2  }
0x39: {  	s0 =	rddreg [dreg:$0x0];
	s2 =	stileid.u32  }
0x3a: {  	s1 =	rddreg [dreg:$0x1];
	p0 =	sne.s32 s2, $0x0  }
0x3b: {  	s3 =	rddreg [dreg:$0x2];
	[bflag:$0x3] =	sbarrier.arrive $0xFFFF;
	s2 =	simm.s32 @!p0 $0x1C02  }
0x3c: {  	[timem:s3], [sflag:s2] =	dma.local @!p0 [hbm:s0], s1  }
0x3d: {  	s0 =	simm.s32 @!p0 $0x2  }
0x3e: {  	_ =	swait.ge @!p0 [sflag:s0], s1  }
0x3f: {  	s1 =	ssub.s32 @!p0 $0x0, s1;
	[sflag:s0] =	ssyncset.done @!p0 $0x0  }
0x40: {  	[sflag:s0] =	ssyncadd.s32 @!p0 s1  }
0x41: {  	[bflag:$0x3] =	sbarrier.arrive $0xFFFF  }
0x42: {  	_ =	shalt  }

</sc_bundles>
